<compile_context>
chip_gen: v7x
topology: tpu7x:2x2x1
jax: 0.10.2.dev20260603
libtpu: 0.0.44.dev20260713+nightly
codegen_flags: <defaults>
</compile_context>

<pallas_src>
import jax
import jax.numpy as jnp
from jax import lax
from jax.experimental import pallas as pl
from jax.experimental.pallas import tpu as pltpu
from jax.experimental.pallas import tpu_sc as plsc

N = 10000
E = 320000
D = 128

NC, NS = 2, 16
NW = NC * NS
RPT = 640
NPAD = NS * RPT
CH = 128
NCHUNK = 80
EPT = NCHUNK * CH
EPAD = NW * EPT

BLK = 640
NBLK = NPAD // BLK

_mesh = lambda: plsc.VectorSubcoreMesh(
    core_axis_name="c", subcore_axis_name="s", num_cores=NC, num_subcores=NS)



def _deg_body(dst_hbm, out_hbm, idx_v, ones_v, zero_v, acc_sh):
    c = lax.axis_index("c")
    s = lax.axis_index("s")
    tid = c * NS + s
    for j in range(CH // 16):
        ones_v[pl.ds(16 * j, 16)] = jnp.ones((16,), jnp.float32)
    for j in range(RPT // 16):
        zero_v[pl.ds(16 * j, 16)] = jnp.zeros((16,), jnp.float32)
    pltpu.sync_copy(zero_v, acc_sh.at[pl.ds(s * RPT, RPT)])
    plsc.subcore_barrier()
    base = tid * EPT

    def body(i, carry):
        pltpu.sync_copy(dst_hbm.at[pl.ds(base + i * CH, CH)], idx_v)
        pltpu.sync_copy(ones_v, acc_sh.at[idx_v], add=True)
        return carry

    lax.fori_loop(0, NCHUNK, body, 0)
    plsc.subcore_barrier()
    pltpu.sync_copy(acc_sh.at[pl.ds(s * RPT, RPT)],
                    out_hbm.at[c, pl.ds(s * RPT, RPT)])


def _sc_degree(dst_pad):
    k = pl.kernel(
        _deg_body,
        out_type=jax.ShapeDtypeStruct((NC, NPAD), jnp.float32),
        mesh=_mesh(),
        scratch_types=[
            pltpu.VMEM((CH,), jnp.int32),
            pltpu.VMEM((CH,), jnp.float32),
            pltpu.VMEM((RPT,), jnp.float32),
            pltpu.VMEM_SHARED((NPAD,), jnp.float32),
        ],
    )
    return k(dst_pad)


def _scat_body(src_hbm, dst_hbm, g_hbm, out_hbm, sidx0, sidx1, didx0, didx1,
               rows0, rows1, acc_sh, gsem0, gsem1, ssem0, ssem1, dsem0, dsem1):
    c = lax.axis_index("c")
    s = lax.axis_index("s")
    tid = c * NS + s
    bufs = ((sidx0, didx0, rows0, gsem0, ssem0, dsem0),
            (sidx1, didx1, rows1, gsem1, ssem1, dsem1))

    def zbody(r, carry):
        for j in range(D // 16):
            rows0[r, pl.ds(16 * j, 16)] = jnp.zeros((16,), jnp.float32)
        return carry

    lax.fori_loop(0, CH, zbody, 0)
    for k in range(RPT // CH):
        pltpu.sync_copy(rows0, acc_sh.at[pl.ds(s * RPT + k * CH, CH)])
    plsc.subcore_barrier()
    base = tid * EPT

    for b, (sidx, didx, rows, gsem, ssem, dsem) in enumerate(bufs):
        pltpu.sync_copy(src_hbm.at[pl.ds(base + b * CH, CH)], sidx)
        pltpu.async_copy(dst_hbm.at[pl.ds(base + b * CH, CH)], didx, dsem)
        pltpu.async_copy(g_hbm.at[sidx], rows, gsem)

    def ebody(p, carry):
        for b, (sidx, didx, rows, gsem, ssem, dsem) in enumerate(bufs):
            off_c = base + (2 * p + b) * CH
            off_n = base + ((p + 1) * 2 + b) * CH
            pltpu.make_async_copy(g_hbm.at[sidx], rows, gsem).wait()
            pltpu.async_copy(src_hbm.at[pl.ds(off_n, CH)], sidx, ssem)
            pltpu.make_async_copy(
                dst_hbm.at[pl.ds(off_c, CH)], didx, dsem).wait()
            pltpu.sync_copy(rows, acc_sh.at[didx], add=True)
            pltpu.async_copy(dst_hbm.at[pl.ds(off_n, CH)], didx, dsem)
            pltpu.make_async_copy(
                src_hbm.at[pl.ds(off_n, CH)], sidx, ssem).wait()
            pltpu.async_copy(g_hbm.at[sidx], rows, gsem)
        return carry

    lax.fori_loop(0, NCHUNK // 2 - 1, ebody, 0)
    for b, (sidx, didx, rows, gsem, ssem, dsem) in enumerate(bufs):
        off_c = base + (NCHUNK - 2 + b) * CH
        pltpu.make_async_copy(g_hbm.at[sidx], rows, gsem).wait()
        pltpu.make_async_copy(dst_hbm.at[pl.ds(off_c, CH)], didx, dsem).wait()
        pltpu.sync_copy(rows, acc_sh.at[didx], add=True)
    plsc.subcore_barrier()
    pltpu.sync_copy(acc_sh.at[pl.ds(s * RPT, RPT)],
                    out_hbm.at[c, pl.ds(s * RPT, RPT)])


def _sc_scatter(src_pad, dst_pad, g):
    k = pl.kernel(
        _scat_body,
        out_type=jax.ShapeDtypeStruct((NC, NPAD, D), jnp.float32),
        mesh=_mesh(),
        scratch_types=[
            pltpu.VMEM((CH,), jnp.int32),
            pltpu.VMEM((CH,), jnp.int32),
            pltpu.VMEM((CH,), jnp.int32),
            pltpu.VMEM((CH,), jnp.int32),
            pltpu.VMEM((CH, D), jnp.float32),
            pltpu.VMEM((CH, D), jnp.float32),
            pltpu.VMEM_SHARED((NPAD, D), jnp.float32),
        ] + [pltpu.SemaphoreType.DMA] * 6,
    )
    return k(src_pad, dst_pad, g)



def _mm_body(x_ref, w_ref, t_ref):
    t_ref[...] = jnp.dot(x_ref[...], w_ref[...],
                         preferred_element_type=jnp.float32)


def _tc_mm(x_pad, w):
    return pl.pallas_call(
        _mm_body,
        grid=(NBLK,),
        in_specs=[
            pl.BlockSpec((BLK, D), lambda i: (i, 0)),
            pl.BlockSpec((D, D), lambda i: (0, 0)),
        ],
        out_specs=pl.BlockSpec((BLK, D), lambda i: (i, 0)),
        out_shape=jax.ShapeDtypeStruct((NPAD, D), jnp.float32),
    )(x_pad, w)


def _scale_body(t_ref, deg_ref, g_ref, dis_ref):
    i = pl.program_id(0)
    deg = deg_ref[0] + deg_ref[1] + 1.0
    row = i * BLK + lax.broadcasted_iota(jnp.int32, (BLK, 1), 0)
    dis = jnp.where(row < N, lax.rsqrt(deg), 0.0)
    dis_ref[...] = dis
    g_ref[...] = t_ref[...] * dis


def _tc_scale(t, deg_col):
    return pl.pallas_call(
        _scale_body,
        grid=(NBLK,),
        in_specs=[
            pl.BlockSpec((BLK, D), lambda i: (i, 0)),
            pl.BlockSpec((NC, BLK, 1), lambda i: (0, i, 0)),
        ],
        out_specs=[
            pl.BlockSpec((BLK, D), lambda i: (i, 0)),
            pl.BlockSpec((BLK, 1), lambda i: (i, 0)),
        ],
        out_shape=[
            jax.ShapeDtypeStruct((NPAD, D), jnp.float32),
            jax.ShapeDtypeStruct((NPAD, 1), jnp.float32),
        ],
    )(t, deg_col)


def _ep_body(s_ref, g_ref, dis_ref, b_ref, w_ref, out_ref):
    dis = dis_ref[...]
    h = dis * (s_ref[0] + s_ref[1] + g_ref[...]) + b_ref[...]
    h = jnp.maximum(h, 0.0)
    out_ref[...] = jnp.dot(h, w_ref[...], preferred_element_type=jnp.float32) * dis


def _tc_epilogue(scat, g, dis_col, b, w):
    return pl.pallas_call(
        _ep_body,
        grid=(NBLK,),
        in_specs=[
            pl.BlockSpec((NC, BLK, D), lambda i: (0, i, 0)),
            pl.BlockSpec((BLK, D), lambda i: (i, 0)),
            pl.BlockSpec((BLK, 1), lambda i: (i, 0)),
            pl.BlockSpec((1, D), lambda i: (0, 0)),
            pl.BlockSpec((D, D), lambda i: (0, 0)),
        ],
        out_specs=pl.BlockSpec((BLK, D), lambda i: (i, 0)),
        out_shape=jax.ShapeDtypeStruct((NPAD, D), jnp.float32),
    )(scat, g, dis_col, b, w)


def _fin_body(s_ref, g_ref, dis_ref, b_ref, out_ref):
    out_ref[...] = (dis_ref[...] * (s_ref[0] + s_ref[1] + g_ref[...])
                    + b_ref[...])


def _tc_final(scat, g, dis_col, b):
    return pl.pallas_call(
        _fin_body,
        grid=(NBLK,),
        in_specs=[
            pl.BlockSpec((NC, BLK, D), lambda i: (0, i, 0)),
            pl.BlockSpec((BLK, D), lambda i: (i, 0)),
            pl.BlockSpec((BLK, 1), lambda i: (i, 0)),
            pl.BlockSpec((1, D), lambda i: (0, 0)),
        ],
        out_specs=pl.BlockSpec((BLK, D), lambda i: (i, 0)),
        out_shape=jax.ShapeDtypeStruct((NPAD, D), jnp.float32),
    )(scat, g, dis_col, b)



def kernel(x, edge_index, W1, b1, W2, b2, W3, b3):
    src = edge_index[0].astype(jnp.int32)
    dst = edge_index[1].astype(jnp.int32)
    npad_e = EPAD - E
    spread = jnp.arange(npad_e, dtype=jnp.int32) % (NPAD - N)
    src_pad = jnp.concatenate([src, N + spread])
    dst_pad = jnp.concatenate([dst, N + (NPAD - N - 1) - spread])
    x_pad = jnp.concatenate([x, jnp.zeros((NPAD - N, D), jnp.float32)])
    b1c = b1.reshape(1, D)
    b2c = b2.reshape(1, D)
    b3c = b3.reshape(1, D)

    deg = _sc_degree(dst_pad)
    deg_col = deg.reshape(NC, NPAD, 1)
    t1 = _tc_mm(x_pad, W1)
    g1, dis_col = _tc_scale(t1, deg_col)
    s1 = _sc_scatter(src_pad, dst_pad, g1)
    g2 = _tc_epilogue(s1, g1, dis_col, b1c, W2)
    s2 = _sc_scatter(src_pad, dst_pad, g2)
    g3 = _tc_epilogue(s2, g2, dis_col, b2c, W3)
    s3 = _sc_scatter(src_pad, dst_pad, g3)
    out = _tc_final(s3, g3, dis_col, b3c)
    return out[:N]

# --- scband reference (transcript-rebuilt; emitter-appended) ---
"""Pipeline reference for scband-gcnencoder-17231408791699 (READ-ONLY COPY).

The authoritative reference and input builder live on the scoring server;
editing this copy changes nothing except your own understanding.
"""

import jax, jax.numpy as jnp
import numpy as np

N_NODES = 10000
N_EDGES = 320000
D = 128


def setup_inputs(seed: int = 0) -> dict:
    key = jax.random.key(seed)
    ks = jax.random.split(key, 8)
    x = jax.random.normal(ks[0], (N_NODES, D), dtype=jnp.float32)
    edge_index = jax.random.randint(ks[1], (2, N_EDGES), 0, N_NODES, dtype=jnp.int64)
    scale = 1.0 / np.sqrt(D)
    W1 = jax.random.normal(ks[2], (D, D), dtype=jnp.float32) * scale
    b1 = jnp.zeros((D,), dtype=jnp.float32)
    W2 = jax.random.normal(ks[3], (D, D), dtype=jnp.float32) * scale
    b2 = jnp.zeros((D,), dtype=jnp.float32)
    W3 = jax.random.normal(ks[4], (D, D), dtype=jnp.float32) * scale
    b3 = jnp.zeros((D,), dtype=jnp.float32)
    return {"x": x, "edge_index": edge_index, "W1": W1, "b1": b1, "W2": W2, "b2": b2, "W3": W3, "b3": b3}


def _gcn_conv(x, src, dst, deg_inv_sqrt, W, b):
    # GCNConv: out = D^{-1/2} (A + I) D^{-1/2} X W + b
    h = x @ W
    norm = deg_inv_sqrt[src] * deg_inv_sqrt[dst]
    msg = h[src] * norm[:, None]
    out = jnp.zeros((x.shape[0], W.shape[1]), dtype=x.dtype).at[dst].add(msg)
    return out + b


def reference(x, edge_index, W1, b1, W2, b2, W3, b3):
    N = x.shape[0]
    loop = jnp.arange(N, dtype=edge_index.dtype)
    src = jnp.concatenate([edge_index[0], loop])
    dst = jnp.concatenate([edge_index[1], loop])
    # symmetric normalization based on in-degree with self-loops (edge weight 1)
    deg = jnp.zeros((N,), dtype=x.dtype).at[dst].add(1.0)
    deg_inv_sqrt = jnp.where(deg > 0, 1.0 / jnp.sqrt(deg), 0.0)
    h = jax.nn.relu(_gcn_conv(x, src, dst, deg_inv_sqrt, W1, b1))
    h = jax.nn.relu(_gcn_conv(h, src, dst, deg_inv_sqrt, W2, b2))
    h = _gcn_conv(h, src, dst, deg_inv_sqrt, W3, b3)
    return h

if __name__ == "__main__":
    import jax
    _d = setup_inputs()
    print(jax.jit(kernel)(*tuple(_d.values())))

</pallas_src>

<mosaic_0001>
#map = affine_map<(d0, d1) -> (0)>
#map1 = affine_map<(d0, d1) -> (0, 0)>
module attributes {stable_mosaic.version = 14 : i64} {
  func.func @_deg_body(%arg0: i32, %arg1: i32, %arg2: memref<327680xi32, #tpu.memory_space<hbm>>, %arg3: memref<2x10240xf32, #tpu.memory_space<hbm>>, %arg4: memref<128xi32, #tpu.memory_space<vmem>>, %arg5: memref<128xf32, #tpu.memory_space<vmem>>, %arg6: memref<640xf32, #tpu.memory_space<vmem>>, %arg7: memref<10240xf32, #tpu.memory_space<vmem_shared>>) attributes {dimension_semantics = [#tpu.dimension_semantics<core_parallel>, #tpu.dimension_semantics<subcore_parallel>], iteration_bounds = array<i64: 2, 16>, scalar_prefetch = 0 : i64, scratch_operands = 4 : i64, tpu.core_type = #tpu.core_type<sc_vector_subcore>, window_params = [{transform_indices = #map}, {transform_indices = #map1}]} {
    %mul3A = arith.constant 16 : i32
    %mul3A_0 = arith.muli %arg0, %mul3A : i32
    %add3A = arith.addi %mul3A_0, %arg1 : i32
    %broadcast_in_dim3A = arith.constant 1.000000e+00 : f32
    %broadcast_in_dim3A_1 = vector.broadcast %broadcast_in_dim3A : f32 to vector<16xf32>
    %swap3A = arith.constant 0 : index
    %swap3A_2 = tpu.vector_load %arg5[%swap3A] {strides = array<i32>} : memref<128xf32, #tpu.memory_space<vmem>>, vector<16xf32>,
    %swap3A_3 = vector.shape_cast %swap3A_2 : vector<16xf32> to vector<16xf32>
    %swap3A_4 = vector.shape_cast %broadcast_in_dim3A_1 : vector<16xf32> to vector<16xf32>
    tpu.vector_store %arg5[%swap3A], %swap3A_4 {strides = array<i32>} : memref<128xf32, #tpu.memory_space<vmem>>, vector<16xf32>,
    %broadcast_in_dim3A_5 = arith.constant 1.000000e+00 : f32
    %broadcast_in_dim3A_6 = vector.broadcast %broadcast_in_dim3A_5 : f32 to vector<16xf32>
    %swap3A_7 = arith.constant 16 : index
    %swap3A_8 = tpu.vector_load %arg5[%swap3A_7] {strides = array<i32>} : memref<128xf32, #tpu.memory_space<vmem>>, vector<16xf32>,
    %swap3A_9 = vector.shape_cast %swap3A_8 : vector<16xf32> to vector<16xf32>
    %swap3A_10 = vector.shape_cast %broadcast_in_dim3A_6 : vector<16xf32> to vector<16xf32>
    tpu.vector_store %arg5[%swap3A_7], %swap3A_10 {strides = array<i32>} : memref<128xf32, #tpu.memory_space<vmem>>, vector<16xf32>,
    %broadcast_in_dim3A_11 = arith.constant 1.000000e+00 : f32
    %broadcast_in_dim3A_12 = vector.broadcast %broadcast_in_dim3A_11 : f32 to vector<16xf32>
    %swap3A_13 = arith.constant 32 : index
    %swap3A_14 = tpu.vector_load %arg5[%swap3A_13] {strides = array<i32>} : memref<128xf32, #tpu.memory_space<vmem>>, vector<16xf32>,
    %swap3A_15 = vector.shape_cast %swap3A_14 : vector<16xf32> to vector<16xf32>
    %swap3A_16 = vector.shape_cast %broadcast_in_dim3A_12 : vector<16xf32> to vector<16xf32>
    tpu.vector_store %arg5[%swap3A_13], %swap3A_16 {strides = array<i32>} : memref<128xf32, #tpu.memory_space<vmem>>, vector<16xf32>,
    %broadcast_in_dim3A_17 = arith.constant 1.000000e+00 : f32
    %broadcast_in_dim3A_18 = vector.broadcast %broadcast_in_dim3A_17 : f32 to vector<16xf32>
    %swap3A_19 = arith.constant 48 : index
    %swap3A_20 = tpu.vector_load %arg5[%swap3A_19] {strides = array<i32>} : memref<128xf32, #tpu.memory_space<vmem>>, vector<16xf32>,
    %swap3A_21 = vector.shape_cast %swap3A_20 : vector<16xf32> to vector<16xf32>
    %swap3A_22 = vector.shape_cast %broadcast_in_dim3A_18 : vector<16xf32> to vector<16xf32>
    tpu.vector_store %arg5[%swap3A_19], %swap3A_22 {strides = array<i32>} : memref<128xf32, #tpu.memory_space<vmem>>, vector<16xf32>,
    %broadcast_in_dim3A_23 = arith.constant 1.000000e+00 : f32
    %broadcast_in_dim3A_24 = vector.broadcast %broadcast_in_dim3A_23 : f32 to vector<16xf32>
    %swap3A_25 = arith.constant 64 : index
    %swap3A_26 = tpu.vector_load %arg5[%swap3A_25] {strides = array<i32>} : memref<128xf32, #tpu.memory_space<vmem>>, vector<16xf32>,
    %swap3A_27 = vector.shape_cast %swap3A_26 : vector<16xf32> to vector<16xf32>
    %swap3A_28 = vector.shape_cast %broadcast_in_dim3A_24 : vector<16xf32> to vector<16xf32>
    tpu.vector_store %arg5[%swap3A_25], %swap3A_28 {strides = array<i32>} : memref<128xf32, #tpu.memory_space<vmem>>, vector<16xf32>,
    %broadcast_in_dim3A_29 = arith.constant 1.000000e+00 : f32
    %broadcast_in_dim3A_30 = vector.broadcast %broadcast_in_dim3A_29 : f32 to vector<16xf32>
    %swap3A_31 = arith.constant 80 : index
    %swap3A_32 = tpu.vector_load %arg5[%swap3A_31] {strides = array<i32>} : memref<128xf32, #tpu.memory_space<vmem>>, vector<16xf32>,
    %swap3A_33 = vector.shape_cast %swap3A_32 : vector<16xf32> to vector<16xf32>
    %swap3A_34 = vector.shape_cast %broadcast_in_dim3A_30 : vector<16xf32> to vector<16xf32>
    tpu.vector_store %arg5[%swap3A_31], %swap3A_34 {strides = array<i32>} : memref<128xf32, #tpu.memory_space<vmem>>, vector<16xf32>,
    %broadcast_in_dim3A_35 = arith.constant 1.000000e+00 : f32
    %broadcast_in_dim3A_36 = vector.broadcast %broadcast_in_dim3A_35 : f32 to vector<16xf32>
    %swap3A_37 = arith.constant 96 : index
    %swap3A_38 = tpu.vector_load %arg5[%swap3A_37] {strides = array<i32>} : memref<128xf32, #tpu.memory_space<vmem>>, vector<16xf32>,
    %swap3A_39 = vector.shape_cast %swap3A_38 : vector<16xf32> to vector<16xf32>
    %swap3A_40 = vector.shape_cast %broadcast_in_dim3A_36 : vector<16xf32> to vector<16xf32>
    tpu.vector_store %arg5[%swap3A_37], %swap3A_40 {strides = array<i32>} : memref<128xf32, #tpu.memory_space<vmem>>, vector<16xf32>,
    %broadcast_in_dim3A_41 = arith.constant 1.000000e+00 : f32
    %broadcast_in_dim3A_42 = vector.broadcast %broadcast_in_dim3A_41 : f32 to vector<16xf32>
    %swap3A_43 = arith.constant 112 : index
    %swap3A_44 = tpu.vector_load %arg5[%swap3A_43] {strides = array<i32>} : memref<128xf32, #tpu.memory_space<vmem>>, vector<16xf32>,
    %swap3A_45 = vector.shape_cast %swap3A_44 : vector<16xf32> to vector<16xf32>
    %swap3A_46 = vector.shape_cast %broadcast_in_dim3A_42 : vector<16xf32> to vector<16xf32>
    tpu.vector_store %arg5[%swap3A_43], %swap3A_46 {strides = array<i32>} : memref<128xf32, #tpu.memory_space<vmem>>, vector<16xf32>,
    %broadcast_in_dim3A_47 = arith.constant 0.000000e+00 : f32
    %broadcast_in_dim3A_48 = vector.broadcast %broadcast_in_dim3A_47 : f32 to vector<16xf32>
    %swap3A_49 = arith.constant 0 : index
    %swap3A_50 = tpu.vector_load %arg6[%swap3A_49] {strides = array<i32>} : memref<640xf32, #tpu.memory_space<vmem>>, vector<16xf32>,
    %swap3A_51 = vector.shape_cast %swap3A_50 : vector<16xf32> to vector<16xf32>
    %swap3A_52 = vector.shape_cast %broadcast_in_dim3A_48 : vector<16xf32> to vector<16xf32>
    tpu.vector_store %arg6[%swap3A_49], %swap3A_52 {strides = array<i32>} : memref<640xf32, #tpu.memory_space<vmem>>, vector<16xf32>,
    %broadcast_in_dim3A_53 = arith.constant 0.000000e+00 : f32
    %broadcast_in_dim3A_54 = vector.broadcast %broadcast_in_dim3A_53 : f32 to vector<16xf32>
    %swap3A_55 = arith.constant 16 : index
    %swap3A_56 = tpu.vector_load %arg6[%swap3A_55] {strides = array<i32>} : memref<640xf32, #tpu.memory_space<vmem>>, vector<16xf32>,
    %swap3A_57 = vector.shape_cast %swap3A_56 : vector<16xf32> to vector<16xf32>
    %swap3A_58 = vector.shape_cast %broadcast_in_dim3A_54 : vector<16xf32> to vector<16xf32>
    tpu.vector_store %arg6[%swap3A_55], %swap3A_58 {strides = array<i32>} : memref<640xf32, #tpu.memory_space<vmem>>, vector<16xf32>,
    %broadcast_in_dim3A_59 = arith.constant 0.000000e+00 : f32
    %broadcast_in_dim3A_60 = vector.broadcast %broadcast_in_dim3A_59 : f32 to vector<16xf32>
    %swap3A_61 = arith.constant 32 : index
    %swap3A_62 = tpu.vector_load %arg6[%swap3A_61] {strides = array<i32>} : memref<640xf32, #tpu.memory_space<vmem>>, vector<16xf32>,
    %swap3A_63 = vector.shape_cast %swap3A_62 : vector<16xf32> to vector<16xf32>
    %swap3A_64 = vector.shape_cast %broadcast_in_dim3A_60 : vector<16xf32> to vector<16xf32>
    tpu.vector_store %arg6[%swap3A_61], %swap3A_64 {strides = array<i32>} : memref<640xf32, #tpu.memory_space<vmem>>, vector<16xf32>,
    %broadcast_in_dim3A_65 = arith.constant 0.000000e+00 : f32
    %broadcast_in_dim3A_66 = vector.broadcast %broadcast_in_dim3A_65 : f32 to vector<16xf32>
    %swap3A_67 = arith.constant 48 : index
    %swap3A_68 = tpu.vector_load %arg6[%swap3A_67] {strides = array<i32>} : memref<640xf32, #tpu.memory_space<vmem>>, vector<16xf32>,
    %swap3A_69 = vector.shape_cast %swap3A_68 : vector<16xf32> to vector<16xf32>
    %swap3A_70 = vector.shape_cast %broadcast_in_dim3A_66 : vector<16xf32> to vector<16xf32>
    tpu.vector_store %arg6[%swap3A_67], %swap3A_70 {strides = array<i32>} : memref<640xf32, #tpu.memory_space<vmem>>, vector<16xf32>,
    %broadcast_in_dim3A_71 = arith.constant 0.000000e+00 : f32
    %broadcast_in_dim3A_72 = vector.broadcast %broadcast_in_dim3A_71 : f32 to vector<16xf32>
    %swap3A_73 = arith.constant 64 : index
    %swap3A_74 = tpu.vector_load %arg6[%swap3A_73] {strides = array<i32>} : memref<640xf32, #tpu.memory_space<vmem>>, vector<16xf32>,
    %swap3A_75 = vector.shape_cast %swap3A_74 : vector<16xf32> to vector<16xf32>
    %swap3A_76 = vector.shape_cast %broadcast_in_dim3A_72 : vector<16xf32> to vector<16xf32>
    tpu.vector_store %arg6[%swap3A_73], %swap3A_76 {strides = array<i32>} : memref<640xf32, #tpu.memory_space<vmem>>, vector<16xf32>,
    %broadcast_in_dim3A_77 = arith.constant 0.000000e+00 : f32
    %broadcast_in_dim3A_78 = vector.broadcast %broadcast_in_dim3A_77 : f32 to vector<16xf32>
    %swap3A_79 = arith.constant 80 : index
    %swap3A_80 = tpu.vector_load %arg6[%swap3A_79] {strides = array<i32>} : memref<640xf32, #tpu.memory_space<vmem>>, vector<16xf32>,
    %swap3A_81 = vector.shape_cast %swap3A_80 : vector<16xf32> to vector<16xf32>
    %swap3A_82 = vector.shape_cast %broadcast_in_dim3A_78 : vector<16xf32> to vector<16xf32>
    tpu.vector_store %arg6[%swap3A_79], %swap3A_82 {strides = array<i32>} : memref<640xf32, #tpu.memory_space<vmem>>, vector<16xf32>,
    %broadcast_in_dim3A_83 = arith.constant 0.000000e+00 : f32
    %broadcast_in_dim3A_84 = vector.broadcast %broadcast_in_dim3A_83 : f32 to vector<16xf32>
    %swap3A_85 = arith.constant 96 : index
    %swap3A_86 = tpu.vector_load %arg6[%swap3A_85] {strides = array<i32>} : memref<640xf32, #tpu.memory_space<vmem>>, vector<16xf32>,
    %swap3A_87 = vector.shape_cast %swap3A_86 : vector<16xf32> to vector<16xf32>
    %swap3A_88 = vector.shape_cast %broadcast_in_dim3A_84 : vector<16xf32> to vector<16xf32>
    tpu.vector_store %arg6[%swap3A_85], %swap3A_88 {strides = array<i32>} : memref<640xf32, #tpu.memory_space<vmem>>, vector<16xf32>,
    %broadcast_in_dim3A_89 = arith.constant 0.000000e+00 : f32
    %broadcast_in_dim3A_90 = vector.broadcast %broadcast_in_dim3A_89 : f32 to vector<16xf32>
    %swap3A_91 = arith.constant 112 : index
    %swap3A_92 = tpu.vector_load %arg6[%swap3A_91] {strides = array<i32>} : memref<640xf32, #tpu.memory_space<vmem>>, vector<16xf32>,
    %swap3A_93 = vector.shape_cast %swap3A_92 : vector<16xf32> to vector<16xf32>
    %swap3A_94 = vector.shape_cast %broadcast_in_dim3A_90 : vector<16xf32> to vector<16xf32>
    tpu.vector_store %arg6[%swap3A_91], %swap3A_94 {strides = array<i32>} : memref<640xf32, #tpu.memory_space<vmem>>, vector<16xf32>,
    %broadcast_in_dim3A_95 = arith.constant 0.000000e+00 : f32
    %broadcast_in_dim3A_96 = vector.broadcast %broadcast_in_dim3A_95 : f32 to vector<16xf32>
    %swap3A_97 = arith.constant 128 : index
    %swap3A_98 = tpu.vector_load %arg6[%swap3A_97] {strides = array<i32>} : memref<640xf32, #tpu.memory_space<vmem>>, vector<16xf32>,
    %swap3A_99 = vector.shape_cast %swap3A_98 : vector<16xf32> to vector<16xf32>
    %swap3A_100 = vector.shape_cast %broadcast_in_dim3A_96 : vector<16xf32> to vector<16xf32>
    tpu.vector_store %arg6[%swap3A_97], %swap3A_100 {strides = array<i32>} : memref<640xf32, #tpu.memory_space<vmem>>, vector<16xf32>,
    %broadcast_in_dim3A_101 = arith.constant 0.000000e+00 : f32
    %broadcast_in_dim3A_102 = vector.broadcast %broadcast_in_dim3A_101 : f32 to vector<16xf32>
    %swap3A_103 = arith.constant 144 : index
    %swap3A_104 = tpu.vector_load %arg6[%swap3A_103] {strides = array<i32>} : memref<640xf32, #tpu.memory_space<vmem>>, vector<16xf32>,
    %swap3A_105 = vector.shape_cast %swap3A_104 : vector<16xf32> to vector<16xf32>
    %swap3A_106 = vector.shape_cast %broadcast_in_dim3A_102 : vector<16xf32> to vector<16xf32>
    tpu.vector_store %arg6[%swap3A_103], %swap3A_106 {strides = array<i32>} : memref<640xf32, #tpu.memory_space<vmem>>, vector<16xf32>,
    %broadcast_in_dim3A_107 = arith.constant 0.000000e+00 : f32
    %broadcast_in_dim3A_108 = vector.broadcast %broadcast_in_dim3A_107 : f32 to vector<16xf32>
    %swap3A_109 = arith.constant 160 : index
    %swap3A_110 = tpu.vector_load %arg6[%swap3A_109] {strides = array<i32>} : memref<640xf32, #tpu.memory_space<vmem>>, vector<16xf32>,
    %swap3A_111 = vector.shape_cast %swap3A_110 : vector<16xf32> to vector<16xf32>
    %swap3A_112 = vector.shape_cast %broadcast_in_dim3A_108 : vector<16xf32> to vector<16xf32>
    tpu.vector_store %arg6[%swap3A_109], %swap3A_112 {strides = array<i32>} : memref<640xf32, #tpu.memory_space<vmem>>, vector<16xf32>,
    %broadcast_in_dim3A_113 = arith.constant 0.000000e+00 : f32
    %broadcast_in_dim3A_114 = vector.broadcast %broadcast_in_dim3A_113 : f32 to vector<16xf32>
    %swap3A_115 = arith.constant 176 : index
    %swap3A_116 = tpu.vector_load %arg6[%swap3A_115] {strides = array<i32>} : memref<640xf32, #tpu.memory_space<vmem>>, vector<16xf32>,
    %swap3A_117 = vector.shape_cast %swap3A_116 : vector<16xf32> to vector<16xf32>
    %swap3A_118 = vector.shape_cast %broadcast_in_dim3A_114 : vector<16xf32> to vector<16xf32>
    tpu.vector_store %arg6[%swap3A_115], %swap3A_118 {strides = array<i32>} : memref<640xf32, #tpu.memory_space<vmem>>, vector<16xf32>,
    %broadcast_in_dim3A_119 = arith.constant 0.000000e+00 : f32
    %broadcast_in_dim3A_120 = vector.broadcast %broadcast_in_dim3A_119 : f32 to vector<16xf32>
    %swap3A_121 = arith.constant 192 : index
    %swap3A_122 = tpu.vector_load %arg6[%swap3A_121] {strides = array<i32>} : memref<640xf32, #tpu.memory_space<vmem>>, vector<16xf32>,
    %swap3A_123 = vector.shape_cast %swap3A_122 : vector<16xf32> to vector<16xf32>
    %swap3A_124 = vector.shape_cast %broadcast_in_dim3A_120 : vector<16xf32> to vector<16xf32>
    tpu.vector_store %arg6[%swap3A_121], %swap3A_124 {strides = array<i32>} : memref<640xf32, #tpu.memory_space<vmem>>, vector<16xf32>,
    %broadcast_in_dim3A_125 = arith.constant 0.000000e+00 : f32
    %broadcast_in_dim3A_126 = vector.broadcast %broadcast_in_dim3A_125 : f32 to vector<16xf32>
    %swap3A_127 = arith.constant 208 : index
    %swap3A_128 = tpu.vector_load %arg6[%swap3A_127] {strides = array<i32>} : memref<640xf32, #tpu.memory_space<vmem>>, vector<16xf32>,
    %swap3A_129 = vector.shape_cast %swap3A_128 : vector<16xf32> to vector<16xf32>
    %swap3A_130 = vector.shape_cast %broadcast_in_dim3A_126 : vector<16xf32> to vector<16xf32>
    tpu.vector_store %arg6[%swap3A_127], %swap3A_130 {strides = array<i32>} : memref<640xf32, #tpu.memory_space<vmem>>, vector<16xf32>,
    %broadcast_in_dim3A_131 = arith.constant 0.000000e+00 : f32
    %broadcast_in_dim3A_132 = vector.broadcast %broadcast_in_dim3A_131 : f32 to vector<16xf32>
    %swap3A_133 = arith.constant 224 : index
    %swap3A_134 = tpu.vector_load %arg6[%swap3A_133] {strides = array<i32>} : memref<640xf32, #tpu.memory_space<vmem>>, vector<16xf32>,
    %swap3A_135 = vector.shape_cast %swap3A_134 : vector<16xf32> to vector<16xf32>
    %swap3A_136 = vector.shape_cast %broadcast_in_dim3A_132 : vector<16xf32> to vector<16xf32>
    tpu.vector_store %arg6[%swap3A_133], %swap3A_136 {strides = array<i32>} : memref<640xf32, #tpu.memory_space<vmem>>, vector<16xf32>,
    %broadcast_in_dim3A_137 = arith.constant 0.000000e+00 : f32
    %broadcast_in_dim3A_138 = vector.broadcast %broadcast_in_dim3A_137 : f32 to vector<16xf32>
    %swap3A_139 = arith.constant 240 : index
    %swap3A_140 = tpu.vector_load %arg6[%swap3A_139] {strides = array<i32>} : memref<640xf32, #tpu.memory_space<vmem>>, vector<16xf32>,
    %swap3A_141 = vector.shape_cast %swap3A_140 : vector<16xf32> to vector<16xf32>
    %swap3A_142 = vector.shape_cast %broadcast_in_dim3A_138 : vector<16xf32> to vector<16xf32>
    tpu.vector_store %arg6[%swap3A_139], %swap3A_142 {strides = array<i32>} : memref<640xf32, #tpu.memory_space<vmem>>, vector<16xf32>,
    %broadcast_in_dim3A_143 = arith.constant 0.000000e+00 : f32
    %broadcast_in_dim3A_144 = vector.broadcast %broadcast_in_dim3A_143 : f32 to vector<16xf32>
    %swap3A_145 = arith.constant 256 : index
    %swap3A_146 = tpu.vector_load %arg6[%swap3A_145] {strides = array<i32>} : memref<640xf32, #tpu.memory_space<vmem>>, vector<16xf32>,
    %swap3A_147 = vector.shape_cast %swap3A_146 : vector<16xf32> to vector<16xf32>
    %swap3A_148 = vector.shape_cast %broadcast_in_dim3A_144 : vector<16xf32> to vector<16xf32>
    tpu.vector_store %arg6[%swap3A_145], %swap3A_148 {strides = array<i32>} : memref<640xf32, #tpu.memory_space<vmem>>, vector<16xf32>,
    %broadcast_in_dim3A_149 = arith.constant 0.000000e+00 : f32
    %broadcast_in_dim3A_150 = vector.broadcast %broadcast_in_dim3A_149 : f32 to vector<16xf32>
    %swap3A_151 = arith.constant 272 : index
    %swap3A_152 = tpu.vector_load %arg6[%swap3A_151] {strides = array<i32>} : memref<640xf32, #tpu.memory_space<vmem>>, vector<16xf32>,
    %swap3A_153 = vector.shape_cast %swap3A_152 : vector<16xf32> to vector<16xf32>
    %swap3A_154 = vector.shape_cast %broadcast_in_dim3A_150 : vector<16xf32> to vector<16xf32>
    tpu.vector_store %arg6[%swap3A_151], %swap3A_154 {strides = array<i32>} : memref<640xf32, #tpu.memory_space<vmem>>, vector<16xf32>,
    %broadcast_in_dim3A_155 = arith.constant 0.000000e+00 : f32
    %broadcast_in_dim3A_156 = vector.broadcast %broadcast_in_dim3A_155 : f32 to vector<16xf32>
    %swap3A_157 = arith.constant 288 : index
    %swap3A_158 = tpu.vector_load %arg6[%swap3A_157] {strides = array<i32>} : memref<640xf32, #tpu.memory_space<vmem>>, vector<16xf32>,
    %swap3A_159 = vector.shape_cast %swap3A_158 : vector<16xf32> to vector<16xf32>
    %swap3A_160 = vector.shape_cast %broadcast_in_dim3A_156 : vector<16xf32> to vector<16xf32>
    tpu.vector_store %arg6[%swap3A_157], %swap3A_160 {strides = array<i32>} : memref<640xf32, #tpu.memory_space<vmem>>, vector<16xf32>,
    %broadcast_in_dim3A_161 = arith.constant 0.000000e+00 : f32
    %broadcast_in_dim3A_162 = vector.broadcast %broadcast_in_dim3A_161 : f32 to vector<16xf32>
    %swap3A_163 = arith.constant 304 : index
    %swap3A_164 = tpu.vector_load %arg6[%swap3A_163] {strides = array<i32>} : memref<640xf32, #tpu.memory_space<vmem>>, vector<16xf32>,
    %swap3A_165 = vector.shape_cast %swap3A_164 : vector<16xf32> to vector<16xf32>
    %swap3A_166 = vector.shape_cast %broadcast_in_dim3A_162 : vector<16xf32> to vector<16xf32>
    tpu.vector_store %arg6[%swap3A_163], %swap3A_166 {strides = array<i32>} : memref<640xf32, #tpu.memory_space<vmem>>, vector<16xf32>,
    %broadcast_in_dim3A_167 = arith.constant 0.000000e+00 : f32
    %broadcast_in_dim3A_168 = vector.broadcast %broadcast_in_dim3A_167 : f32 to vector<16xf32>
    %swap3A_169 = arith.constant 320 : index
    %swap3A_170 = tpu.vector_load %arg6[%swap3A_169] {strides = array<i32>} : memref<640xf32, #tpu.memory_space<vmem>>, vector<16xf32>,
    %swap3A_171 = vector.shape_cast %swap3A_170 : vector<16xf32> to vector<16xf32>
    %swap3A_172 = vector.shape_cast %broadcast_in_dim3A_168 : vector<16xf32> to vector<16xf32>
    tpu.vector_store %arg6[%swap3A_169], %swap3A_172 {strides = array<i32>} : memref<640xf32, #tpu.memory_space<vmem>>, vector<16xf32>,
    %broadcast_in_dim3A_173 = arith.constant 0.000000e+00 : f32
    %broadcast_in_dim3A_174 = vector.broadcast %broadcast_in_dim3A_173 : f32 to vector<16xf32>
    %swap3A_175 = arith.constant 336 : index
    %swap3A_176 = tpu.vector_load %arg6[%swap3A_175] {strides = array<i32>} : memref<640xf32, #tpu.memory_space<vmem>>, vector<16xf32>,
    %swap3A_177 = vector.shape_cast %swap3A_176 : vector<16xf32> to vector<16xf32>
    %swap3A_178 = vector.shape_cast %broadcast_in_dim3A_174 : vector<16xf32> to vector<16xf32>
    tpu.vector_store %arg6[%swap3A_175], %swap3A_178 {strides = array<i32>} : memref<640xf32, #tpu.memory_space<vmem>>, vector<16xf32>,
    %broadcast_in_dim3A_179 = arith.constant 0.000000e+00 : f32
    %broadcast_in_dim3A_180 = vector.broadcast %broadcast_in_dim3A_179 : f32 to vector<16xf32>
    %swap3A_181 = arith.constant 352 : index
    %swap3A_182 = tpu.vector_load %arg6[%swap3A_181] {strides = array<i32>} : memref<640xf32, #tpu.memory_space<vmem>>, vector<16xf32>,
    %swap3A_183 = vector.shape_cast %swap3A_182 : vector<16xf32> to vector<16xf32>
    %swap3A_184 = vector.shape_cast %broadcast_in_dim3A_180 : vector<16xf32> to vector<16xf32>
    tpu.vector_store %arg6[%swap3A_181], %swap3A_184 {strides = array<i32>} : memref<640xf32, #tpu.memory_space<vmem>>, vector<16xf32>,
    %broadcast_in_dim3A_185 = arith.constant 0.000000e+00 : f32
    %broadcast_in_dim3A_186 = vector.broadcast %broadcast_in_dim3A_185 : f32 to vector<16xf32>
    %swap3A_187 = arith.constant 368 : index
    %swap3A_188 = tpu.vector_load %arg6[%swap3A_187] {strides = array<i32>} : memref<640xf32, #tpu.memory_space<vmem>>, vector<16xf32>,
    %swap3A_189 = vector.shape_cast %swap3A_188 : vector<16xf32> to vector<16xf32>
    %swap3A_190 = vector.shape_cast %broadcast_in_dim3A_186 : vector<16xf32> to vector<16xf32>
    tpu.vector_store %arg6[%swap3A_187], %swap3A_190 {strides = array<i32>} : memref<640xf32, #tpu.memory_space<vmem>>, vector<16xf32>,
    %broadcast_in_dim3A_191 = arith.constant 0.000000e+00 : f32
    %broadcast_in_dim3A_192 = vector.broadcast %broadcast_in_dim3A_191 : f32 to vector<16xf32>
    %swap3A_193 = arith.constant 384 : index
    %swap3A_194 = tpu.vector_load %arg6[%swap3A_193] {strides = array<i32>} : memref<640xf32, #tpu.memory_space<vmem>>, vector<16xf32>,
    %swap3A_195 = vector.shape_cast %swap3A_194 : vector<16xf32> to vector<16xf32>
    %swap3A_196 = vector.shape_cast %broadcast_in_dim3A_192 : vector<16xf32> to vector<16xf32>
    tpu.vector_store %arg6[%swap3A_193], %swap3A_196 {strides = array<i32>} : memref<640xf32, #tpu.memory_space<vmem>>, vector<16xf32>,
    %broadcast_in_dim3A_197 = arith.constant 0.000000e+00 : f32
    %broadcast_in_dim3A_198 = vector.broadcast %broadcast_in_dim3A_197 : f32 to vector<16xf32>
    %swap3A_199 = arith.constant 400 : index
    %swap3A_200 = tpu.vector_load %arg6[%swap3A_199] {strides = array<i32>} : memref<640xf32, #tpu.memory_space<vmem>>, vector<16xf32>,
    %swap3A_201 = vector.shape_cast %swap3A_200 : vector<16xf32> to vector<16xf32>
    %swap3A_202 = vector.shape_cast %broadcast_in_dim3A_198 : vector<16xf32> to vector<16xf32>
    tpu.vector_store %arg6[%swap3A_199], %swap3A_202 {strides = array<i32>} : memref<640xf32, #tpu.memory_space<vmem>>, vector<16xf32>,
    %broadcast_in_dim3A_203 = arith.constant 0.000000e+00 : f32
    %broadcast_in_dim3A_204 = vector.broadcast %broadcast_in_dim3A_203 : f32 to vector<16xf32>
    %swap3A_205 = arith.constant 416 : index
    %swap3A_206 = tpu.vector_load %arg6[%swap3A_205] {strides = array<i32>} : memref<640xf32, #tpu.memory_space<vmem>>, vector<16xf32>,
    %swap3A_207 = vector.shape_cast %swap3A_206 : vector<16xf32> to vector<16xf32>
    %swap3A_208 = vector.shape_cast %broadcast_in_dim3A_204 : vector<16xf32> to vector<16xf32>
    tpu.vector_store %arg6[%swap3A_205], %swap3A_208 {strides = array<i32>} : memref<640xf32, #tpu.memory_space<vmem>>, vector<16xf32>,
    %broadcast_in_dim3A_209 = arith.constant 0.000000e+00 : f32
    %broadcast_in_dim3A_210 = vector.broadcast %broadcast_in_dim3A_209 : f32 to vector<16xf32>
    %swap3A_211 = arith.constant 432 : index
    %swap3A_212 = tpu.vector_load %arg6[%swap3A_211] {strides = array<i32>} : memref<640xf32, #tpu.memory_space<vmem>>, vector<16xf32>,
    %swap3A_213 = vector.shape_cast %swap3A_212 : vector<16xf32> to vector<16xf32>
    %swap3A_214 = vector.shape_cast %broadcast_in_dim3A_210 : vector<16xf32> to vector<16xf32>
    tpu.vector_store %arg6[%swap3A_211], %swap3A_214 {strides = array<i32>} : memref<640xf32, #tpu.memory_space<vmem>>, vector<16xf32>,
    %broadcast_in_dim3A_215 = arith.constant 0.000000e+00 : f32
    %broadcast_in_dim3A_216 = vector.broadcast %broadcast_in_dim3A_215 : f32 to vector<16xf32>
    %swap3A_217 = arith.constant 448 : index
    %swap3A_218 = tpu.vector_load %arg6[%swap3A_217] {strides = array<i32>} : memref<640xf32, #tpu.memory_space<vmem>>, vector<16xf32>,
    %swap3A_219 = vector.shape_cast %swap3A_218 : vector<16xf32> to vector<16xf32>
    %swap3A_220 = vector.shape_cast %broadcast_in_dim3A_216 : vector<16xf32> to vector<16xf32>
    tpu.vector_store %arg6[%swap3A_217], %swap3A_220 {strides = array<i32>} : memref<640xf32, #tpu.memory_space<vmem>>, vector<16xf32>,
    %broadcast_in_dim3A_221 = arith.constant 0.000000e+00 : f32
    %broadcast_in_dim3A_222 = vector.broadcast %broadcast_in_dim3A_221 : f32 to vector<16xf32>
    %swap3A_223 = arith.constant 464 : index
    %swap3A_224 = tpu.vector_load %arg6[%swap3A_223] {strides = array<i32>} : memref<640xf32, #tpu.memory_space<vmem>>, vector<16xf32>,
    %swap3A_225 = vector.shape_cast %swap3A_224 : vector<16xf32> to vector<16xf32>
    %swap3A_226 = vector.shape_cast %broadcast_in_dim3A_222 : vector<16xf32> to vector<16xf32>
    tpu.vector_store %arg6[%swap3A_223], %swap3A_226 {strides = array<i32>} : memref<640xf32, #tpu.memory_space<vmem>>, vector<16xf32>,
    %broadcast_in_dim3A_227 = arith.constant 0.000000e+00 : f32
    %broadcast_in_dim3A_228 = vector.broadcast %broadcast_in_dim3A_227 : f32 to vector<16xf32>
    %swap3A_229 = arith.constant 480 : index
    %swap3A_230 = tpu.vector_load %arg6[%swap3A_229] {strides = array<i32>} : memref<640xf32, #tpu.memory_space<vmem>>, vector<16xf32>,
    %swap3A_231 = vector.shape_cast %swap3A_230 : vector<16xf32> to vector<16xf32>
    %swap3A_232 = vector.shape_cast %broadcast_in_dim3A_228 : vector<16xf32> to vector<16xf32>
    tpu.vector_store %arg6[%swap3A_229], %swap3A_232 {strides = array<i32>} : memref<640xf32, #tpu.memory_space<vmem>>, vector<16xf32>,
    %broadcast_in_dim3A_233 = arith.constant 0.000000e+00 : f32
    %broadcast_in_dim3A_234 = vector.broadcast %broadcast_in_dim3A_233 : f32 to vector<16xf32>
    %swap3A_235 = arith.constant 496 : index
    %swap3A_236 = tpu.vector_load %arg6[%swap3A_235] {strides = array<i32>} : memref<640xf32, #tpu.memory_space<vmem>>, vector<16xf32>,
    %swap3A_237 = vector.shape_cast %swap3A_236 : vector<16xf32> to vector<16xf32>
    %swap3A_238 = vector.shape_cast %broadcast_in_dim3A_234 : vector<16xf32> to vector<16xf32>
    tpu.vector_store %arg6[%swap3A_235], %swap3A_238 {strides = array<i32>} : memref<640xf32, #tpu.memory_space<vmem>>, vector<16xf32>,
    %broadcast_in_dim3A_239 = arith.constant 0.000000e+00 : f32
    %broadcast_in_dim3A_240 = vector.broadcast %broadcast_in_dim3A_239 : f32 to vector<16xf32>
    %swap3A_241 = arith.constant 512 : index
    %swap3A_242 = tpu.vector_load %arg6[%swap3A_241] {strides = array<i32>} : memref<640xf32, #tpu.memory_space<vmem>>, vector<16xf32>,
    %swap3A_243 = vector.shape_cast %swap3A_242 : vector<16xf32> to vector<16xf32>
    %swap3A_244 = vector.shape_cast %broadcast_in_dim3A_240 : vector<16xf32> to vector<16xf32>
    tpu.vector_store %arg6[%swap3A_241], %swap3A_244 {strides = array<i32>} : memref<640xf32, #tpu.memory_space<vmem>>, vector<16xf32>,
    %broadcast_in_dim3A_245 = arith.constant 0.000000e+00 : f32
    %broadcast_in_dim3A_246 = vector.broadcast %broadcast_in_dim3A_245 : f32 to vector<16xf32>
    %swap3A_247 = arith.constant 528 : index
    %swap3A_248 = tpu.vector_load %arg6[%swap3A_247] {strides = array<i32>} : memref<640xf32, #tpu.memory_space<vmem>>, vector<16xf32>,
    %swap3A_249 = vector.shape_cast %swap3A_248 : vector<16xf32> to vector<16xf32>
    %swap3A_250 = vector.shape_cast %broadcast_in_dim3A_246 : vector<16xf32> to vector<16xf32>
    tpu.vector_store %arg6[%swap3A_247], %swap3A_250 {strides = array<i32>} : memref<640xf32, #tpu.memory_space<vmem>>, vector<16xf32>,
    %broadcast_in_dim3A_251 = arith.constant 0.000000e+00 : f32
    %broadcast_in_dim3A_252 = vector.broadcast %broadcast_in_dim3A_251 : f32 to vector<16xf32>
    %swap3A_253 = arith.constant 544 : index
    %swap3A_254 = tpu.vector_load %arg6[%swap3A_253] {strides = array<i32>} : memref<640xf32, #tpu.memory_space<vmem>>, vector<16xf32>,
    %swap3A_255 = vector.shape_cast %swap3A_254 : vector<16xf32> to vector<16xf32>
    %swap3A_256 = vector.shape_cast %broadcast_in_dim3A_252 : vector<16xf32> to vector<16xf32>
    tpu.vector_store %arg6[%swap3A_253], %swap3A_256 {strides = array<i32>} : memref<640xf32, #tpu.memory_space<vmem>>, vector<16xf32>,
    %broadcast_in_dim3A_257 = arith.constant 0.000000e+00 : f32
    %broadcast_in_dim3A_258 = vector.broadcast %broadcast_in_dim3A_257 : f32 to vector<16xf32>
    %swap3A_259 = arith.constant 560 : index
    %swap3A_260 = tpu.vector_load %arg6[%swap3A_259] {strides = array<i32>} : memref<640xf32, #tpu.memory_space<vmem>>, vector<16xf32>,
    %swap3A_261 = vector.shape_cast %swap3A_260 : vector<16xf32> to vector<16xf32>
    %swap3A_262 = vector.shape_cast %broadcast_in_dim3A_258 : vector<16xf32> to vector<16xf32>
    tpu.vector_store %arg6[%swap3A_259], %swap3A_262 {strides = array<i32>} : memref<640xf32, #tpu.memory_space<vmem>>, vector<16xf32>,
    %broadcast_in_dim3A_263 = arith.constant 0.000000e+00 : f32
    %broadcast_in_dim3A_264 = vector.broadcast %broadcast_in_dim3A_263 : f32 to vector<16xf32>
    %swap3A_265 = arith.constant 576 : index
    %swap3A_266 = tpu.vector_load %arg6[%swap3A_265] {strides = array<i32>} : memref<640xf32, #tpu.memory_space<vmem>>, vector<16xf32>,
    %swap3A_267 = vector.shape_cast %swap3A_266 : vector<16xf32> to vector<16xf32>
    %swap3A_268 = vector.shape_cast %broadcast_in_dim3A_264 : vector<16xf32> to vector<16xf32>
    tpu.vector_store %arg6[%swap3A_265], %swap3A_268 {strides = array<i32>} : memref<640xf32, #tpu.memory_space<vmem>>, vector<16xf32>,
    %broadcast_in_dim3A_269 = arith.constant 0.000000e+00 : f32
    %broadcast_in_dim3A_270 = vector.broadcast %broadcast_in_dim3A_269 : f32 to vector<16xf32>
    %swap3A_271 = arith.constant 592 : index
    %swap3A_272 = tpu.vector_load %arg6[%swap3A_271] {strides = array<i32>} : memref<640xf32, #tpu.memory_space<vmem>>, vector<16xf32>,
    %swap3A_273 = vector.shape_cast %swap3A_272 : vector<16xf32> to vector<16xf32>
    %swap3A_274 = vector.shape_cast %broadcast_in_dim3A_270 : vector<16xf32> to vector<16xf32>
    tpu.vector_store %arg6[%swap3A_271], %swap3A_274 {strides = array<i32>} : memref<640xf32, #tpu.memory_space<vmem>>, vector<16xf32>,
    %broadcast_in_dim3A_275 = arith.constant 0.000000e+00 : f32
    %broadcast_in_dim3A_276 = vector.broadcast %broadcast_in_dim3A_275 : f32 to vector<16xf32>
    %swap3A_277 = arith.constant 608 : index
    %swap3A_278 = tpu.vector_load %arg6[%swap3A_277] {strides = array<i32>} : memref<640xf32, #tpu.memory_space<vmem>>, vector<16xf32>,
    %swap3A_279 = vector.shape_cast %swap3A_278 : vector<16xf32> to vector<16xf32>
    %swap3A_280 = vector.shape_cast %broadcast_in_dim3A_276 : vector<16xf32> to vector<16xf32>
    tpu.vector_store %arg6[%swap3A_277], %swap3A_280 {strides = array<i32>} : memref<640xf32, #tpu.memory_space<vmem>>, vector<16xf32>,
    %broadcast_in_dim3A_281 = arith.constant 0.000000e+00 : f32
    %broadcast_in_dim3A_282 = vector.broadcast %broadcast_in_dim3A_281 : f32 to vector<16xf32>
    %swap3A_283 = arith.constant 624 : index
    %swap3A_284 = tpu.vector_load %arg6[%swap3A_283] {strides = array<i32>} : memref<640xf32, #tpu.memory_space<vmem>>, vector<16xf32>,
    %swap3A_285 = vector.shape_cast %swap3A_284 : vector<16xf32> to vector<16xf32>
    %swap3A_286 = vector.shape_cast %broadcast_in_dim3A_282 : vector<16xf32> to vector<16xf32>
    tpu.vector_store %arg6[%swap3A_283], %swap3A_286 {strides = array<i32>} : memref<640xf32, #tpu.memory_space<vmem>>, vector<16xf32>,
    %mul3A_287 = arith.constant 640 : i32
    %mul3A_288 = arith.muli %arg1, %mul3A_287 : i32
    "tpu.region"() ({
      %run_scoped3A = tpu.sem_alloc : memref<!tpu.dma_semaphore, #tpu.memory_space<semaphore_mem>>
      %dma_start3A = tpu.memref_slice %arg7[%mul3A_288] : memref<10240xf32, #tpu.memory_space<vmem_shared>> -> memref<640xf32, #tpu.memory_space<vmem_shared>>
      %dma_start3A_301 = tpu.memref_slice %arg7[%mul3A_288] : memref<10240xf32, #tpu.memory_space<vmem_shared>> -> memref<640xf32, #tpu.memory_space<vmem_shared>>
      tpu.enqueue_dma source(%arg6 : memref<640xf32, #tpu.memory_space<vmem>>) target(%dma_start3A_301 : memref<640xf32, #tpu.memory_space<vmem_shared>>) target_semaphore(%run_scoped3A : memref<!tpu.dma_semaphore, #tpu.memory_space<semaphore_mem>>)
      %dma_wait3A = tpu.memref_slice %arg7[%mul3A_288] : memref<10240xf32, #tpu.memory_space<vmem_shared>> -> memref<640xf32, #tpu.memory_space<vmem_shared>>
      %dma_wait3A_302 = tpu.memref_slice %arg7[%mul3A_288] : memref<10240xf32, #tpu.memory_space<vmem_shared>> -> memref<640xf32, #tpu.memory_space<vmem_shared>>
      tpu.wait_dma2 semaphore(%run_scoped3A : memref<!tpu.dma_semaphore, #tpu.memory_space<semaphore_mem>>) src(%arg6 : memref<640xf32, #tpu.memory_space<vmem>>) dst(%dma_wait3A_302 : memref<640xf32, #tpu.memory_space<vmem_shared>>)
      tpu.yield
    }) : () -> ()
    %barrier3A = arith.constant 0 : index
    tpu.barrier barrier_id(%barrier3A)
    %mul3A_289 = arith.constant 10240 : i32
    %mul3A_290 = arith.muli %add3A, %mul3A_289 : i32
    %scan3A = arith.constant 0 : i32
    %scan3A_291 = arith.constant 0 : i32
    %scan3A_292 = arith.constant 80 : i32
    %scan3A_293 = arith.addi %scan3A_291, %scan3A_292 : i32
    %scan3A_294 = arith.constant 1 : i32
    scf.for %scan3A_301 = %scan3A_291 to %scan3A_293 step %scan3A_294  : i32 {
      %mul3A_302 = arith.constant 128 : i32
      %mul3A_303 = arith.muli %scan3A_301, %mul3A_302 : i32
      %add3A_304 = arith.addi %mul3A_290, %mul3A_303 : i32
      "tpu.region"() ({
        %run_scoped3A = tpu.sem_alloc : memref<!tpu.dma_semaphore, #tpu.memory_space<semaphore_mem>>
        %dma_start3A = tpu.memref_slice %arg2[%add3A_304] : memref<327680xi32, #tpu.memory_space<hbm>> -> memref<128xi32, #tpu.memory_space<hbm>>
        %dma_start3A_305 = tpu.memref_slice %arg2[%add3A_304] : memref<327680xi32, #tpu.memory_space<hbm>> -> memref<128xi32, #tpu.memory_space<hbm>>
        tpu.enqueue_dma source(%dma_start3A_305 : memref<128xi32, #tpu.memory_space<hbm>>) target(%arg4 : memref<128xi32, #tpu.memory_space<vmem>>) target_semaphore(%run_scoped3A : memref<!tpu.dma_semaphore, #tpu.memory_space<semaphore_mem>>)
        %dma_wait3A = tpu.memref_slice %arg2[%add3A_304] : memref<327680xi32, #tpu.memory_space<hbm>> -> memref<128xi32, #tpu.memory_space<hbm>>
        %dma_wait3A_306 = tpu.memref_slice %arg2[%add3A_304] : memref<327680xi32, #tpu.memory_space<hbm>> -> memref<128xi32, #tpu.memory_space<hbm>>
        tpu.wait_dma2 semaphore(%run_scoped3A : memref<!tpu.dma_semaphore, #tpu.memory_space<semaphore_mem>>) src(%dma_wait3A_306 : memref<128xi32, #tpu.memory_space<hbm>>) dst(%arg4 : memref<128xi32, #tpu.memory_space<vmem>>)
        tpu.yield
      }) : () -> ()
      "tpu.region"() ({
        %run_scoped3A = tpu.sem_alloc : memref<!tpu.dma_semaphore, #tpu.memory_space<semaphore_mem>>
        %dma_start3A = arith.constant 0 : i32
        %dma_start3A_305 = tpu.memref_slice %arg7[%dma_start3A] : memref<10240xf32, #tpu.memory_space<vmem_shared>> -> memref<10240xf32, #tpu.memory_space<vmem_shared>>
        tpu.enqueue_indirect_dma source(%arg5 : memref<128xf32, #tpu.memory_space<vmem>>) target(%dma_start3A_305 : memref<10240xf32, #tpu.memory_space<vmem_shared>>) offsets(%arg4 : memref<128xi32, #tpu.memory_space<vmem>>) semaphore(%run_scoped3A : memref<!tpu.dma_semaphore, #tpu.memory_space<semaphore_mem>>) {add = true}
        %dma_wait3A = arith.constant 0 : i32
        %dma_wait3A_306 = tpu.memref_slice %arg7[%dma_wait3A] : memref<10240xf32, #tpu.memory_space<vmem_shared>> -> memref<10240xf32, #tpu.memory_space<vmem_shared>>
        tpu.wait_indirect_dma semaphore(%run_scoped3A : memref<!tpu.dma_semaphore, #tpu.memory_space<semaphore_mem>>) src(%arg5 : memref<128xf32, #tpu.memory_space<vmem>>) dst(%dma_wait3A_306 : memref<10240xf32, #tpu.memory_space<vmem_shared>>)
        tpu.yield
      }) : () -> ()
    }
    %scan3A_295 = arith.constant 80 : i32
    %barrier3A_296 = arith.constant 0 : index
    tpu.barrier barrier_id(%barrier3A_296)
    %mul3A_297 = arith.constant 640 : i32
    %mul3A_298 = arith.muli %arg1, %mul3A_297 : i32
    %mul3A_299 = arith.constant 640 : i32
    %mul3A_300 = arith.muli %arg1, %mul3A_299 : i32
    "tpu.region"() ({
      %run_scoped3A = tpu.sem_alloc : memref<!tpu.dma_semaphore, #tpu.memory_space<semaphore_mem>>
      %dma_start3A = tpu.memref_slice %arg3[%arg0, %mul3A_300] : memref<2x10240xf32, #tpu.memory_space<hbm>> -> memref<1x640xf32, #tpu.memory_space<hbm>>
      %dma_start3A_301 = tpu.memref_squeeze %dma_start3A : memref<1x640xf32, #tpu.memory_space<hbm>> -> memref<640xf32, #tpu.memory_space<hbm>>
      %dma_start3A_302 = tpu.memref_slice %arg7[%mul3A_298] : memref<10240xf32, #tpu.memory_space<vmem_shared>> -> memref<640xf32, #tpu.memory_space<vmem_shared>>
      tpu.enqueue_dma source(%dma_start3A_302 : memref<640xf32, #tpu.memory_space<vmem_shared>>) target(%dma_start3A_301 : memref<640xf32, #tpu.memory_space<hbm>>) target_semaphore(%run_scoped3A : memref<!tpu.dma_semaphore, #tpu.memory_space<semaphore_mem>>)
      %dma_wait3A = tpu.memref_slice %arg3[%arg0, %mul3A_300] : memref<2x10240xf32, #tpu.memory_space<hbm>> -> memref<1x640xf32, #tpu.memory_space<hbm>>
      %dma_wait3A_303 = tpu.memref_squeeze %dma_wait3A : memref<1x640xf32, #tpu.memory_space<hbm>> -> memref<640xf32, #tpu.memory_space<hbm>>
      %dma_wait3A_304 = tpu.memref_slice %arg7[%mul3A_298] : memref<10240xf32, #tpu.memory_space<vmem_shared>> -> memref<640xf32, #tpu.memory_space<vmem_shared>>
      tpu.wait_dma2 semaphore(%run_scoped3A : memref<!tpu.dma_semaphore, #tpu.memory_space<semaphore_mem>>) src(%dma_wait3A_304 : memref<640xf32, #tpu.memory_space<vmem_shared>>) dst(%dma_wait3A_303 : memref<640xf32, #tpu.memory_space<hbm>>)
      tpu.yield
    }) : () -> ()
    return
  }
}

#map = affine_map<(d0, d1) -> (0)>
#map1 = affine_map<(d0, d1) -> (0, 0)>
#map2 = affine_map<(d0, d1) -> (0, 0, 0)>
module attributes {stable_mosaic.version = 14 : i64} {
  func.func @_scat_body(%arg0: i32, %arg1: i32, %arg2: memref<327680xi32, #tpu.memory_space<hbm>>, %arg3: memref<327680xi32, #tpu.memory_space<hbm>>, %arg4: memref<10240x128xf32, #tpu.memory_space<hbm>>, %arg5: memref<2x10240x128xf32, #tpu.memory_space<hbm>>, %arg6: memref<128xi32, #tpu.memory_space<vmem>>, %arg7: memref<128xi32, #tpu.memory_space<vmem>>, %arg8: memref<128xi32, #tpu.memory_space<vmem>>, %arg9: memref<128xi32, #tpu.memory_space<vmem>>, %arg10: memref<128x128xf32, #tpu.memory_space<vmem>>, %arg11: memref<128x128xf32, #tpu.memory_space<vmem>>, %arg12: memref<10240x128xf32, #tpu.memory_space<vmem_shared>>, %arg13: memref<!tpu.dma_semaphore, #tpu.memory_space<semaphore_mem>>, %arg14: memref<!tpu.dma_semaphore, #tpu.memory_space<semaphore_mem>>, %arg15: memref<!tpu.dma_semaphore, #tpu.memory_space<semaphore_mem>>, %arg16: memref<!tpu.dma_semaphore, #tpu.memory_space<semaphore_mem>>, %arg17: memref<!tpu.dma_semaphore, #tpu.memory_space<semaphore_mem>>, %arg18: memref<!tpu.dma_semaphore, #tpu.memory_space<semaphore_mem>>) attributes {dimension_semantics = [#tpu.dimension_semantics<core_parallel>, #tpu.dimension_semantics<subcore_parallel>], iteration_bounds = array<i64: 2, 16>, scalar_prefetch = 0 : i64, scratch_operands = 13 : i64, tpu.core_type = #tpu.core_type<sc_vector_subcore>, window_params = [{transform_indices = #map}, {transform_indices = #map}, {transform_indices = #map1}, {transform_indices = #map2}]} {
    %mul3A = arith.constant 16 : i32
    %mul3A_0 = arith.muli %arg0, %mul3A : i32
    %add3A = arith.addi %mul3A_0, %arg1 : i32
    %scan3A = arith.constant 0 : i32
    %scan3A_1 = arith.constant 0 : i32
    %scan3A_2 = arith.constant 128 : i32
    %scan3A_3 = arith.addi %scan3A_1, %scan3A_2 : i32
    %scan3A_4 = arith.constant 1 : i32
    scf.for %scan3A_69 = %scan3A_1 to %scan3A_3 step %scan3A_4  : i32 {
      %broadcast_in_dim3A = arith.constant 0.000000e+00 : f32
      %broadcast_in_dim3A_70 = vector.broadcast %broadcast_in_dim3A : f32 to vector<16xf32>
      %swap3A = arith.index_cast %scan3A_69 : i32 to index
      %swap3A_71 = arith.constant 0 : index
      %swap3A_72 = tpu.vector_load %arg10[%swap3A, %swap3A_71] {strides = array<i32>} : memref<128x128xf32, #tpu.memory_space<vmem>>, vector<1x16xf32>,
      %swap3A_73 = vector.shape_cast %swap3A_72 : vector<1x16xf32> to vector<16xf32>
      %swap3A_74 = vector.shape_cast %broadcast_in_dim3A_70 : vector<16xf32> to vector<1x16xf32>
      tpu.vector_store %arg10[%swap3A, %swap3A_71], %swap3A_74 {strides = array<i32>} : memref<128x128xf32, #tpu.memory_space<vmem>>, vector<1x16xf32>,
      %broadcast_in_dim3A_75 = arith.constant 0.000000e+00 : f32
      %broadcast_in_dim3A_76 = vector.broadcast %broadcast_in_dim3A_75 : f32 to vector<16xf32>
      %swap3A_77 = arith.index_cast %scan3A_69 : i32 to index
      %swap3A_78 = arith.constant 16 : index
      %swap3A_79 = tpu.vector_load %arg10[%swap3A_77, %swap3A_78] {strides = array<i32>} : memref<128x128xf32, #tpu.memory_space<vmem>>, vector<1x16xf32>,
      %swap3A_80 = vector.shape_cast %swap3A_79 : vector<1x16xf32> to vector<16xf32>
      %swap3A_81 = vector.shape_cast %broadcast_in_dim3A_76 : vector<16xf32> to vector<1x16xf32>
      tpu.vector_store %arg10[%swap3A_77, %swap3A_78], %swap3A_81 {strides = array<i32>} : memref<128x128xf32, #tpu.memory_space<vmem>>, vector<1x16xf32>,
      %broadcast_in_dim3A_82 = arith.constant 0.000000e+00 : f32
      %broadcast_in_dim3A_83 = vector.broadcast %broadcast_in_dim3A_82 : f32 to vector<16xf32>
      %swap3A_84 = arith.index_cast %scan3A_69 : i32 to index
      %swap3A_85 = arith.constant 32 : index
      %swap3A_86 = tpu.vector_load %arg10[%swap3A_84, %swap3A_85] {strides = array<i32>} : memref<128x128xf32, #tpu.memory_space<vmem>>, vector<1x16xf32>,
      %swap3A_87 = vector.shape_cast %swap3A_86 : vector<1x16xf32> to vector<16xf32>
      %swap3A_88 = vector.shape_cast %broadcast_in_dim3A_83 : vector<16xf32> to vector<1x16xf32>
      tpu.vector_store %arg10[%swap3A_84, %swap3A_85], %swap3A_88 {strides = array<i32>} : memref<128x128xf32, #tpu.memory_space<vmem>>, vector<1x16xf32>,
      %broadcast_in_dim3A_89 = arith.constant 0.000000e+00 : f32
      %broadcast_in_dim3A_90 = vector.broadcast %broadcast_in_dim3A_89 : f32 to vector<16xf32>
      %swap3A_91 = arith.index_cast %scan3A_69 : i32 to index
      %swap3A_92 = arith.constant 48 : index
      %swap3A_93 = tpu.vector_load %arg10[%swap3A_91, %swap3A_92] {strides = array<i32>} : memref<128x128xf32, #tpu.memory_space<vmem>>, vector<1x16xf32>,
      %swap3A_94 = vector.shape_cast %swap3A_93 : vector<1x16xf32> to vector<16xf32>
      %swap3A_95 = vector.shape_cast %broadcast_in_dim3A_90 : vector<16xf32> to vector<1x16xf32>
      tpu.vector_store %arg10[%swap3A_91, %swap3A_92], %swap3A_95 {strides = array<i32>} : memref<128x128xf32, #tpu.memory_space<vmem>>, vector<1x16xf32>,
      %broadcast_in_dim3A_96 = arith.constant 0.000000e+00 : f32
      %broadcast_in_dim3A_97 = vector.broadcast %broadcast_in_dim3A_96 : f32 to vector<16xf32>
      %swap3A_98 = arith.index_cast %scan3A_69 : i32 to index
      %swap3A_99 = arith.constant 64 : index
      %swap3A_100 = tpu.vector_load %arg10[%swap3A_98, %swap3A_99] {strides = array<i32>} : memref<128x128xf32, #tpu.memory_space<vmem>>, vector<1x16xf32>,
      %swap3A_101 = vector.shape_cast %swap3A_100 : vector<1x16xf32> to vector<16xf32>
      %swap3A_102 = vector.shape_cast %broadcast_in_dim3A_97 : vector<16xf32> to vector<1x16xf32>
      tpu.vector_store %arg10[%swap3A_98, %swap3A_99], %swap3A_102 {strides = array<i32>} : memref<128x128xf32, #tpu.memory_space<vmem>>, vector<1x16xf32>,
      %broadcast_in_dim3A_103 = arith.constant 0.000000e+00 : f32
      %broadcast_in_dim3A_104 = vector.broadcast %broadcast_in_dim3A_103 : f32 to vector<16xf32>
      %swap3A_105 = arith.index_cast %scan3A_69 : i32 to index
      %swap3A_106 = arith.constant 80 : index
      %swap3A_107 = tpu.vector_load %arg10[%swap3A_105, %swap3A_106] {strides = array<i32>} : memref<128x128xf32, #tpu.memory_space<vmem>>, vector<1x16xf32>,
      %swap3A_108 = vector.shape_cast %swap3A_107 : vector<1x16xf32> to vector<16xf32>
      %swap3A_109 = vector.shape_cast %broadcast_in_dim3A_104 : vector<16xf32> to vector<1x16xf32>
      tpu.vector_store %arg10[%swap3A_105, %swap3A_106], %swap3A_109 {strides = array<i32>} : memref<128x128xf32, #tpu.memory_space<vmem>>, vector<1x16xf32>,
      %broadcast_in_dim3A_110 = arith.constant 0.000000e+00 : f32
      %broadcast_in_dim3A_111 = vector.broadcast %broadcast_in_dim3A_110 : f32 to vector<16xf32>
      %swap3A_112 = arith.index_cast %scan3A_69 : i32 to index
      %swap3A_113 = arith.constant 96 : index
      %swap3A_114 = tpu.vector_load %arg10[%swap3A_112, %swap3A_113] {strides = array<i32>} : memref<128x128xf32, #tpu.memory_space<vmem>>, vector<1x16xf32>,
      %swap3A_115 = vector.shape_cast %swap3A_114 : vector<1x16xf32> to vector<16xf32>
      %swap3A_116 = vector.shape_cast %broadcast_in_dim3A_111 : vector<16xf32> to vector<1x16xf32>
      tpu.vector_store %arg10[%swap3A_112, %swap3A_113], %swap3A_116 {strides = array<i32>} : memref<128x128xf32, #tpu.memory_space<vmem>>, vector<1x16xf32>,
      %broadcast_in_dim3A_117 = arith.constant 0.000000e+00 : f32
      %broadcast_in_dim3A_118 = vector.broadcast %broadcast_in_dim3A_117 : f32 to vector<16xf32>
      %swap3A_119 = arith.index_cast %scan3A_69 : i32 to index
      %swap3A_120 = arith.constant 112 : index
      %swap3A_121 = tpu.vector_load %arg10[%swap3A_119, %swap3A_120] {strides = array<i32>} : memref<128x128xf32, #tpu.memory_space<vmem>>, vector<1x16xf32>,
      %swap3A_122 = vector.shape_cast %swap3A_121 : vector<1x16xf32> to vector<16xf32>
      %swap3A_123 = vector.shape_cast %broadcast_in_dim3A_118 : vector<16xf32> to vector<1x16xf32>
      tpu.vector_store %arg10[%swap3A_119, %swap3A_120], %swap3A_123 {strides = array<i32>} : memref<128x128xf32, #tpu.memory_space<vmem>>, vector<1x16xf32>,
    }
    %scan3A_5 = arith.constant 128 : i32
    %mul3A_6 = arith.constant 640 : i32
    %mul3A_7 = arith.muli %arg1, %mul3A_6 : i32
    %add3A_8 = arith.constant 0 : i32
    %add3A_9 = arith.addi %mul3A_7, %add3A_8 : i32
    "tpu.region"() ({
      %run_scoped3A = tpu.sem_alloc : memref<!tpu.dma_semaphore, #tpu.memory_space<semaphore_mem>>
      %dma_start3A_69 = arith.constant 0 : i32
      %dma_start3A_70 = tpu.memref_slice %arg12[%add3A_9, %dma_start3A_69] : memref<10240x128xf32, #tpu.memory_space<vmem_shared>> -> memref<128x128xf32, #tpu.memory_space<vmem_shared>>
      %dma_start3A_71 = arith.constant 0 : i32
      %dma_start3A_72 = tpu.memref_slice %arg12[%add3A_9, %dma_start3A_71] : memref<10240x128xf32, #tpu.memory_space<vmem_shared>> -> memref<128x128xf32, #tpu.memory_space<vmem_shared>>
      tpu.enqueue_dma source(%arg10 : memref<128x128xf32, #tpu.memory_space<vmem>>) target(%dma_start3A_72 : memref<128x128xf32, #tpu.memory_space<vmem_shared>>) target_semaphore(%run_scoped3A : memref<!tpu.dma_semaphore, #tpu.memory_space<semaphore_mem>>)
      %dma_wait3A_73 = arith.constant 0 : i32
      %dma_wait3A_74 = tpu.memref_slice %arg12[%add3A_9, %dma_wait3A_73] : memref<10240x128xf32, #tpu.memory_space<vmem_shared>> -> memref<128x128xf32, #tpu.memory_space<vmem_shared>>
      %dma_wait3A_75 = arith.constant 0 : i32
      %dma_wait3A_76 = tpu.memref_slice %arg12[%add3A_9, %dma_wait3A_75] : memref<10240x128xf32, #tpu.memory_space<vmem_shared>> -> memref<128x128xf32, #tpu.memory_space<vmem_shared>>
      tpu.wait_dma2 semaphore(%run_scoped3A : memref<!tpu.dma_semaphore, #tpu.memory_space<semaphore_mem>>) src(%arg10 : memref<128x128xf32, #tpu.memory_space<vmem>>) dst(%dma_wait3A_76 : memref<128x128xf32, #tpu.memory_space<vmem_shared>>)
      tpu.yield
    }) : () -> ()
    %mul3A_10 = arith.constant 640 : i32
    %mul3A_11 = arith.muli %arg1, %mul3A_10 : i32
    %add3A_12 = arith.constant 128 : i32
    %add3A_13 = arith.addi %mul3A_11, %add3A_12 : i32
    "tpu.region"() ({
      %run_scoped3A = tpu.sem_alloc : memref<!tpu.dma_semaphore, #tpu.memory_space<semaphore_mem>>
      %dma_start3A_69 = arith.constant 0 : i32
      %dma_start3A_70 = tpu.memref_slice %arg12[%add3A_13, %dma_start3A_69] : memref<10240x128xf32, #tpu.memory_space<vmem_shared>> -> memref<128x128xf32, #tpu.memory_space<vmem_shared>>
      %dma_start3A_71 = arith.constant 0 : i32
      %dma_start3A_72 = tpu.memref_slice %arg12[%add3A_13, %dma_start3A_71] : memref<10240x128xf32, #tpu.memory_space<vmem_shared>> -> memref<128x128xf32, #tpu.memory_space<vmem_shared>>
      tpu.enqueue_dma source(%arg10 : memref<128x128xf32, #tpu.memory_space<vmem>>) target(%dma_start3A_72 : memref<128x128xf32, #tpu.memory_space<vmem_shared>>) target_semaphore(%run_scoped3A : memref<!tpu.dma_semaphore, #tpu.memory_space<semaphore_mem>>)
      %dma_wait3A_73 = arith.constant 0 : i32
      %dma_wait3A_74 = tpu.memref_slice %arg12[%add3A_13, %dma_wait3A_73] : memref<10240x128xf32, #tpu.memory_space<vmem_shared>> -> memref<128x128xf32, #tpu.memory_space<vmem_shared>>
      %dma_wait3A_75 = arith.constant 0 : i32
      %dma_wait3A_76 = tpu.memref_slice %arg12[%add3A_13, %dma_wait3A_75] : memref<10240x128xf32, #tpu.memory_space<vmem_shared>> -> memref<128x128xf32, #tpu.memory_space<vmem_shared>>
      tpu.wait_dma2 semaphore(%run_scoped3A : memref<!tpu.dma_semaphore, #tpu.memory_space<semaphore_mem>>) src(%arg10 : memref<128x128xf32, #tpu.memory_space<vmem>>) dst(%dma_wait3A_76 : memref<128x128xf32, #tpu.memory_space<vmem_shared>>)
      tpu.yield
    }) : () -> ()
    %mul3A_14 = arith.constant 640 : i32
    %mul3A_15 = arith.muli %arg1, %mul3A_14 : i32
    %add3A_16 = arith.constant 256 : i32
    %add3A_17 = arith.addi %mul3A_15, %add3A_16 : i32
    "tpu.region"() ({
      %run_scoped3A = tpu.sem_alloc : memref<!tpu.dma_semaphore, #tpu.memory_space<semaphore_mem>>
      %dma_start3A_69 = arith.constant 0 : i32
      %dma_start3A_70 = tpu.memref_slice %arg12[%add3A_17, %dma_start3A_69] : memref<10240x128xf32, #tpu.memory_space<vmem_shared>> -> memref<128x128xf32, #tpu.memory_space<vmem_shared>>
      %dma_start3A_71 = arith.constant 0 : i32
      %dma_start3A_72 = tpu.memref_slice %arg12[%add3A_17, %dma_start3A_71] : memref<10240x128xf32, #tpu.memory_space<vmem_shared>> -> memref<128x128xf32, #tpu.memory_space<vmem_shared>>
      tpu.enqueue_dma source(%arg10 : memref<128x128xf32, #tpu.memory_space<vmem>>) target(%dma_start3A_72 : memref<128x128xf32, #tpu.memory_space<vmem_shared>>) target_semaphore(%run_scoped3A : memref<!tpu.dma_semaphore, #tpu.memory_space<semaphore_mem>>)
      %dma_wait3A_73 = arith.constant 0 : i32
      %dma_wait3A_74 = tpu.memref_slice %arg12[%add3A_17, %dma_wait3A_73] : memref<10240x128xf32, #tpu.memory_space<vmem_shared>> -> memref<128x128xf32, #tpu.memory_space<vmem_shared>>
      %dma_wait3A_75 = arith.constant 0 : i32
      %dma_wait3A_76 = tpu.memref_slice %arg12[%add3A_17, %dma_wait3A_75] : memref<10240x128xf32, #tpu.memory_space<vmem_shared>> -> memref<128x128xf32, #tpu.memory_space<vmem_shared>>
      tpu.wait_dma2 semaphore(%run_scoped3A : memref<!tpu.dma_semaphore, #tpu.memory_space<semaphore_mem>>) src(%arg10 : memref<128x128xf32, #tpu.memory_space<vmem>>) dst(%dma_wait3A_76 : memref<128x128xf32, #tpu.memory_space<vmem_shared>>)
      tpu.yield
    }) : () -> ()
    %mul3A_18 = arith.constant 640 : i32
    %mul3A_19 = arith.muli %arg1, %mul3A_18 : i32
    %add3A_20 = arith.constant 384 : i32
    %add3A_21 = arith.addi %mul3A_19, %add3A_20 : i32
    "tpu.region"() ({
      %run_scoped3A = tpu.sem_alloc : memref<!tpu.dma_semaphore, #tpu.memory_space<semaphore_mem>>
      %dma_start3A_69 = arith.constant 0 : i32
      %dma_start3A_70 = tpu.memref_slice %arg12[%add3A_21, %dma_start3A_69] : memref<10240x128xf32, #tpu.memory_space<vmem_shared>> -> memref<128x128xf32, #tpu.memory_space<vmem_shared>>
      %dma_start3A_71 = arith.constant 0 : i32
      %dma_start3A_72 = tpu.memref_slice %arg12[%add3A_21, %dma_start3A_71] : memref<10240x128xf32, #tpu.memory_space<vmem_shared>> -> memref<128x128xf32, #tpu.memory_space<vmem_shared>>
      tpu.enqueue_dma source(%arg10 : memref<128x128xf32, #tpu.memory_space<vmem>>) target(%dma_start3A_72 : memref<128x128xf32, #tpu.memory_space<vmem_shared>>) target_semaphore(%run_scoped3A : memref<!tpu.dma_semaphore, #tpu.memory_space<semaphore_mem>>)
      %dma_wait3A_73 = arith.constant 0 : i32
      %dma_wait3A_74 = tpu.memref_slice %arg12[%add3A_21, %dma_wait3A_73] : memref<10240x128xf32, #tpu.memory_space<vmem_shared>> -> memref<128x128xf32, #tpu.memory_space<vmem_shared>>
      %dma_wait3A_75 = arith.constant 0 : i32
      %dma_wait3A_76 = tpu.memref_slice %arg12[%add3A_21, %dma_wait3A_75] : memref<10240x128xf32, #tpu.memory_space<vmem_shared>> -> memref<128x128xf32, #tpu.memory_space<vmem_shared>>
      tpu.wait_dma2 semaphore(%run_scoped3A : memref<!tpu.dma_semaphore, #tpu.memory_space<semaphore_mem>>) src(%arg10 : memref<128x128xf32, #tpu.memory_space<vmem>>) dst(%dma_wait3A_76 : memref<128x128xf32, #tpu.memory_space<vmem_shared>>)
      tpu.yield
    }) : () -> ()
    %mul3A_22 = arith.constant 640 : i32
    %mul3A_23 = arith.muli %arg1, %mul3A_22 : i32
    %add3A_24 = arith.constant 512 : i32
    %add3A_25 = arith.addi %mul3A_23, %add3A_24 : i32
    "tpu.region"() ({
      %run_scoped3A = tpu.sem_alloc : memref<!tpu.dma_semaphore, #tpu.memory_space<semaphore_mem>>
      %dma_start3A_69 = arith.constant 0 : i32
      %dma_start3A_70 = tpu.memref_slice %arg12[%add3A_25, %dma_start3A_69] : memref<10240x128xf32, #tpu.memory_space<vmem_shared>> -> memref<128x128xf32, #tpu.memory_space<vmem_shared>>
      %dma_start3A_71 = arith.constant 0 : i32
      %dma_start3A_72 = tpu.memref_slice %arg12[%add3A_25, %dma_start3A_71] : memref<10240x128xf32, #tpu.memory_space<vmem_shared>> -> memref<128x128xf32, #tpu.memory_space<vmem_shared>>
      tpu.enqueue_dma source(%arg10 : memref<128x128xf32, #tpu.memory_space<vmem>>) target(%dma_start3A_72 : memref<128x128xf32, #tpu.memory_space<vmem_shared>>) target_semaphore(%run_scoped3A : memref<!tpu.dma_semaphore, #tpu.memory_space<semaphore_mem>>)
      %dma_wait3A_73 = arith.constant 0 : i32
      %dma_wait3A_74 = tpu.memref_slice %arg12[%add3A_25, %dma_wait3A_73] : memref<10240x128xf32, #tpu.memory_space<vmem_shared>> -> memref<128x128xf32, #tpu.memory_space<vmem_shared>>
      %dma_wait3A_75 = arith.constant 0 : i32
      %dma_wait3A_76 = tpu.memref_slice %arg12[%add3A_25, %dma_wait3A_75] : memref<10240x128xf32, #tpu.memory_space<vmem_shared>> -> memref<128x128xf32, #tpu.memory_space<vmem_shared>>
      tpu.wait_dma2 semaphore(%run_scoped3A : memref<!tpu.dma_semaphore, #tpu.memory_space<semaphore_mem>>) src(%arg10 : memref<128x128xf32, #tpu.memory_space<vmem>>) dst(%dma_wait3A_76 : memref<128x128xf32, #tpu.memory_space<vmem_shared>>)
      tpu.yield
    }) : () -> ()
    %barrier3A = arith.constant 0 : index
    tpu.barrier barrier_id(%barrier3A)
    %mul3A_26 = arith.constant 10240 : i32
    %mul3A_27 = arith.muli %add3A, %mul3A_26 : i32
    %add3A_28 = arith.constant 0 : i32
    %add3A_29 = arith.addi %mul3A_27, %add3A_28 : i32
    "tpu.region"() ({
      %run_scoped3A = tpu.sem_alloc : memref<!tpu.dma_semaphore, #tpu.memory_space<semaphore_mem>>
      %dma_start3A_69 = tpu.memref_slice %arg2[%add3A_29] : memref<327680xi32, #tpu.memory_space<hbm>> -> memref<128xi32, #tpu.memory_space<hbm>>
      %dma_start3A_70 = tpu.memref_slice %arg2[%add3A_29] : memref<327680xi32, #tpu.memory_space<hbm>> -> memref<128xi32, #tpu.memory_space<hbm>>
      tpu.enqueue_dma source(%dma_start3A_70 : memref<128xi32, #tpu.memory_space<hbm>>) target(%arg6 : memref<128xi32, #tpu.memory_space<vmem>>) target_semaphore(%run_scoped3A : memref<!tpu.dma_semaphore, #tpu.memory_space<semaphore_mem>>)
      %dma_wait3A_71 = tpu.memref_slice %arg2[%add3A_29] : memref<327680xi32, #tpu.memory_space<hbm>> -> memref<128xi32, #tpu.memory_space<hbm>>
      %dma_wait3A_72 = tpu.memref_slice %arg2[%add3A_29] : memref<327680xi32, #tpu.memory_space<hbm>> -> memref<128xi32, #tpu.memory_space<hbm>>
      tpu.wait_dma2 semaphore(%run_scoped3A : memref<!tpu.dma_semaphore, #tpu.memory_space<semaphore_mem>>) src(%dma_wait3A_72 : memref<128xi32, #tpu.memory_space<hbm>>) dst(%arg6 : memref<128xi32, #tpu.memory_space<vmem>>)
      tpu.yield
    }) : () -> ()
    %add3A_30 = arith.constant 0 : i32
    %add3A_31 = arith.addi %mul3A_27, %add3A_30 : i32
    %dma_start3A = tpu.memref_slice %arg3[%add3A_31] : memref<327680xi32, #tpu.memory_space<hbm>> -> memref<128xi32, #tpu.memory_space<hbm>>
    %dma_start3A_32 = tpu.memref_slice %arg3[%add3A_31] : memref<327680xi32, #tpu.memory_space<hbm>> -> memref<128xi32, #tpu.memory_space<hbm>>
    tpu.enqueue_dma source(%dma_start3A_32 : memref<128xi32, #tpu.memory_space<hbm>>) target(%arg8 : memref<128xi32, #tpu.memory_space<vmem>>) target_semaphore(%arg17 : memref<!tpu.dma_semaphore, #tpu.memory_space<semaphore_mem>>)
    %dma_start3A_33 = arith.constant 0 : i32
    %dma_start3A_34 = arith.constant 0 : i32
    %dma_start3A_35 = tpu.memref_slice %arg4[%dma_start3A_33, %dma_start3A_34] : memref<10240x128xf32, #tpu.memory_space<hbm>> -> memref<10240x128xf32, #tpu.memory_space<hbm>>
    tpu.enqueue_indirect_dma source(%dma_start3A_35 : memref<10240x128xf32, #tpu.memory_space<hbm>>) target(%arg10 : memref<128x128xf32, #tpu.memory_space<vmem>>) offsets(%arg6 : memref<128xi32, #tpu.memory_space<vmem>>) semaphore(%arg13 : memref<!tpu.dma_semaphore, #tpu.memory_space<semaphore_mem>>)
    %add3A_36 = arith.constant 128 : i32
    %add3A_37 = arith.addi %mul3A_27, %add3A_36 : i32
    "tpu.region"() ({
      %run_scoped3A = tpu.sem_alloc : memref<!tpu.dma_semaphore, #tpu.memory_space<semaphore_mem>>
      %dma_start3A_69 = tpu.memref_slice %arg2[%add3A_37] : memref<327680xi32, #tpu.memory_space<hbm>> -> memref<128xi32, #tpu.memory_space<hbm>>
      %dma_start3A_70 = tpu.memref_slice %arg2[%add3A_37] : memref<327680xi32, #tpu.memory_space<hbm>> -> memref<128xi32, #tpu.memory_space<hbm>>
      tpu.enqueue_dma source(%dma_start3A_70 : memref<128xi32, #tpu.memory_space<hbm>>) target(%arg7 : memref<128xi32, #tpu.memory_space<vmem>>) target_semaphore(%run_scoped3A : memref<!tpu.dma_semaphore, #tpu.memory_space<semaphore_mem>>)
      %dma_wait3A_71 = tpu.memref_slice %arg2[%add3A_37] : memref<327680xi32, #tpu.memory_space<hbm>> -> memref<128xi32, #tpu.memory_space<hbm>>
      %dma_wait3A_72 = tpu.memref_slice %arg2[%add3A_37] : memref<327680xi32, #tpu.memory_space<hbm>> -> memref<128xi32, #tpu.memory_space<hbm>>
      tpu.wait_dma2 semaphore(%run_scoped3A : memref<!tpu.dma_semaphore, #tpu.memory_space<semaphore_mem>>) src(%dma_wait3A_72 : memref<128xi32, #tpu.memory_space<hbm>>) dst(%arg7 : memref<128xi32, #tpu.memory_space<vmem>>)
      tpu.yield
    }) : () -> ()
    %add3A_38 = arith.constant 128 : i32
    %add3A_39 = arith.addi %mul3A_27, %add3A_38 : i32
    %dma_start3A_40 = tpu.memref_slice %arg3[%add3A_39] : memref<327680xi32, #tpu.memory_space<hbm>> -> memref<128xi32, #tpu.memory_space<hbm>>
    %dma_start3A_41 = tpu.memref_slice %arg3[%add3A_39] : memref<327680xi32, #tpu.memory_space<hbm>> -> memref<128xi32, #tpu.memory_space<hbm>>
    tpu.enqueue_dma source(%dma_start3A_41 : memref<128xi32, #tpu.memory_space<hbm>>) target(%arg9 : memref<128xi32, #tpu.memory_space<vmem>>) target_semaphore(%arg18 : memref<!tpu.dma_semaphore, #tpu.memory_space<semaphore_mem>>)
    %dma_start3A_42 = arith.constant 0 : i32
    %dma_start3A_43 = arith.constant 0 : i32
    %dma_start3A_44 = tpu.memref_slice %arg4[%dma_start3A_42, %dma_start3A_43] : memref<10240x128xf32, #tpu.memory_space<hbm>> -> memref<10240x128xf32, #tpu.memory_space<hbm>>
    tpu.enqueue_indirect_dma source(%dma_start3A_44 : memref<10240x128xf32, #tpu.memory_space<hbm>>) target(%arg11 : memref<128x128xf32, #tpu.memory_space<vmem>>) offsets(%arg7 : memref<128xi32, #tpu.memory_space<vmem>>) semaphore(%arg14 : memref<!tpu.dma_semaphore, #tpu.memory_space<semaphore_mem>>)
    %scan3A_45 = arith.constant 0 : i32
    %scan3A_46 = arith.constant 0 : i32
    %scan3A_47 = arith.constant 39 : i32
    %scan3A_48 = arith.addi %scan3A_46, %scan3A_47 : i32
    %scan3A_49 = arith.constant 1 : i32
    scf.for %scan3A_69 = %scan3A_46 to %scan3A_48 step %scan3A_49  : i32 {
      %mul3A_70 = arith.constant 2 : i32
      %mul3A_71 = arith.muli %mul3A_70, %scan3A_69 : i32
      %add3A_72 = arith.constant 0 : i32
      %add3A_73 = arith.addi %mul3A_71, %add3A_72 : i32
      %mul3A_74 = arith.constant 128 : i32
      %mul3A_75 = arith.muli %add3A_73, %mul3A_74 : i32
      %add3A_76 = arith.addi %mul3A_27, %mul3A_75 : i32
      %add3A_77 = arith.constant 1 : i32
      %add3A_78 = arith.addi %scan3A_69, %add3A_77 : i32
      %mul3A_79 = arith.constant 2 : i32
      %mul3A_80 = arith.muli %add3A_78, %mul3A_79 : i32
      %add3A_81 = arith.constant 0 : i32
      %add3A_82 = arith.addi %mul3A_80, %add3A_81 : i32
      %mul3A_83 = arith.constant 128 : i32
      %mul3A_84 = arith.muli %add3A_82, %mul3A_83 : i32
      %add3A_85 = arith.addi %mul3A_27, %mul3A_84 : i32
      %dma_wait3A_86 = arith.constant 0 : i32
      %dma_wait3A_87 = arith.constant 0 : i32
      %dma_wait3A_88 = tpu.memref_slice %arg4[%dma_wait3A_86, %dma_wait3A_87] : memref<10240x128xf32, #tpu.memory_space<hbm>> -> memref<10240x128xf32, #tpu.memory_space<hbm>>
      tpu.wait_indirect_dma semaphore(%arg13 : memref<!tpu.dma_semaphore, #tpu.memory_space<semaphore_mem>>) src(%dma_wait3A_88 : memref<10240x128xf32, #tpu.memory_space<hbm>>) dst(%arg10 : memref<128x128xf32, #tpu.memory_space<vmem>>)
      %dma_start3A_89 = tpu.memref_slice %arg2[%add3A_85] : memref<327680xi32, #tpu.memory_space<hbm>> -> memref<128xi32, #tpu.memory_space<hbm>>
      %dma_start3A_90 = tpu.memref_slice %arg2[%add3A_85] : memref<327680xi32, #tpu.memory_space<hbm>> -> memref<128xi32, #tpu.memory_space<hbm>>
      tpu.enqueue_dma source(%dma_start3A_90 : memref<128xi32, #tpu.memory_space<hbm>>) target(%arg6 : memref<128xi32, #tpu.memory_space<vmem>>) target_semaphore(%arg15 : memref<!tpu.dma_semaphore, #tpu.memory_space<semaphore_mem>>)
      %dma_wait3A_91 = tpu.memref_slice %arg3[%add3A_76] : memref<327680xi32, #tpu.memory_space<hbm>> -> memref<128xi32, #tpu.memory_space<hbm>>
      %dma_wait3A_92 = tpu.memref_slice %arg3[%add3A_76] : memref<327680xi32, #tpu.memory_space<hbm>> -> memref<128xi32, #tpu.memory_space<hbm>>
      tpu.wait_dma2 semaphore(%arg17 : memref<!tpu.dma_semaphore, #tpu.memory_space<semaphore_mem>>) src(%dma_wait3A_92 : memref<128xi32, #tpu.memory_space<hbm>>) dst(%arg8 : memref<128xi32, #tpu.memory_space<vmem>>)
      "tpu.region"() ({
        %run_scoped3A = tpu.sem_alloc : memref<!tpu.dma_semaphore, #tpu.memory_space<semaphore_mem>>
        %dma_start3A_130 = arith.constant 0 : i32
        %dma_start3A_131 = arith.constant 0 : i32
        %dma_start3A_132 = tpu.memref_slice %arg12[%dma_start3A_130, %dma_start3A_131] : memref<10240x128xf32, #tpu.memory_space<vmem_shared>> -> memref<10240x128xf32, #tpu.memory_space<vmem_shared>>
        tpu.enqueue_indirect_dma source(%arg10 : memref<128x128xf32, #tpu.memory_space<vmem>>) target(%dma_start3A_132 : memref<10240x128xf32, #tpu.memory_space<vmem_shared>>) offsets(%arg8 : memref<128xi32, #tpu.memory_space<vmem>>) semaphore(%run_scoped3A : memref<!tpu.dma_semaphore, #tpu.memory_space<semaphore_mem>>) {add = true}
        %dma_wait3A_133 = arith.constant 0 : i32
        %dma_wait3A_134 = arith.constant 0 : i32
        %dma_wait3A_135 = tpu.memref_slice %arg12[%dma_wait3A_133, %dma_wait3A_134] : memref<10240x128xf32, #tpu.memory_space<vmem_shared>> -> memref<10240x128xf32, #tpu.memory_space<vmem_shared>>
        tpu.wait_indirect_dma semaphore(%run_scoped3A : memref<!tpu.dma_semaphore, #tpu.memory_space<semaphore_mem>>) src(%arg10 : memref<128x128xf32, #tpu.memory_space<vmem>>) dst(%dma_wait3A_135 : memref<10240x128xf32, #tpu.memory_space<vmem_shared>>)
        tpu.yield
      }) : () -> ()
      %dma_start3A_93 = tpu.memref_slice %arg3[%add3A_85] : memref<327680xi32, #tpu.memory_space<hbm>> -> memref<128xi32, #tpu.memory_space<hbm>>
      %dma_start3A_94 = tpu.memref_slice %arg3[%add3A_85] : memref<327680xi32, #tpu.memory_space<hbm>> -> memref<128xi32, #tpu.memory_space<hbm>>
      tpu.enqueue_dma source(%dma_start3A_94 : memref<128xi32, #tpu.memory_space<hbm>>) target(%arg8 : memref<128xi32, #tpu.memory_space<vmem>>) target_semaphore(%arg17 : memref<!tpu.dma_semaphore, #tpu.memory_space<semaphore_mem>>)
      %dma_wait3A_95 = tpu.memref_slice %arg2[%add3A_85] : memref<327680xi32, #tpu.memory_space<hbm>> -> memref<128xi32, #tpu.memory_space<hbm>>
      %dma_wait3A_96 = tpu.memref_slice %arg2[%add3A_85] : memref<327680xi32, #tpu.memory_space<hbm>> -> memref<128xi32, #tpu.memory_space<hbm>>
      tpu.wait_dma2 semaphore(%arg15 : memref<!tpu.dma_semaphore, #tpu.memory_space<semaphore_mem>>) src(%dma_wait3A_96 : memref<128xi32, #tpu.memory_space<hbm>>) dst(%arg6 : memref<128xi32, #tpu.memory_space<vmem>>)
      %dma_start3A_97 = arith.constant 0 : i32
      %dma_start3A_98 = arith.constant 0 : i32
      %dma_start3A_99 = tpu.memref_slice %arg4[%dma_start3A_97, %dma_start3A_98] : memref<10240x128xf32, #tpu.memory_space<hbm>> -> memref<10240x128xf32, #tpu.memory_space<hbm>>
      tpu.enqueue_indirect_dma source(%dma_start3A_99 : memref<10240x128xf32, #tpu.memory_space<hbm>>) target(%arg10 : memref<128x128xf32, #tpu.memory_space<vmem>>) offsets(%arg6 : memref<128xi32, #tpu.memory_space<vmem>>) semaphore(%arg13 : memref<!tpu.dma_semaphore, #tpu.memory_space<semaphore_mem>>)
      %mul3A_100 = arith.constant 2 : i32
      %mul3A_101 = arith.muli %mul3A_100, %scan3A_69 : i32
      %add3A_102 = arith.constant 1 : i32
      %add3A_103 = arith.addi %mul3A_101, %add3A_102 : i32
      %mul3A_104 = arith.constant 128 : i32
      %mul3A_105 = arith.muli %add3A_103, %mul3A_104 : i32
      %add3A_106 = arith.addi %mul3A_27, %mul3A_105 : i32
      %add3A_107 = arith.constant 1 : i32
      %add3A_108 = arith.addi %scan3A_69, %add3A_107 : i32
      %mul3A_109 = arith.constant 2 : i32
      %mul3A_110 = arith.muli %add3A_108, %mul3A_109 : i32
      %add3A_111 = arith.constant 1 : i32
      %add3A_112 = arith.addi %mul3A_110, %add3A_111 : i32
      %mul3A_113 = arith.constant 128 : i32
      %mul3A_114 = arith.muli %add3A_112, %mul3A_113 : i32
      %add3A_115 = arith.addi %mul3A_27, %mul3A_114 : i32
      %dma_wait3A_116 = arith.constant 0 : i32
      %dma_wait3A_117 = arith.constant 0 : i32
      %dma_wait3A_118 = tpu.memref_slice %arg4[%dma_wait3A_116, %dma_wait3A_117] : memref<10240x128xf32, #tpu.memory_space<hbm>> -> memref<10240x128xf32, #tpu.memory_space<hbm>>
      tpu.wait_indirect_dma semaphore(%arg14 : memref<!tpu.dma_semaphore, #tpu.memory_space<semaphore_mem>>) src(%dma_wait3A_118 : memref<10240x128xf32, #tpu.memory_space<hbm>>) dst(%arg11 : memref<128x128xf32, #tpu.memory_space<vmem>>)
      %dma_start3A_119 = tpu.memref_slice %arg2[%add3A_115] : memref<327680xi32, #tpu.memory_space<hbm>> -> memref<128xi32, #tpu.memory_space<hbm>>
      %dma_start3A_120 = tpu.memref_slice %arg2[%add3A_115] : memref<327680xi32, #tpu.memory_space<hbm>> -> memref<128xi32, #tpu.memory_space<hbm>>
      tpu.enqueue_dma source(%dma_start3A_120 : memref<128xi32, #tpu.memory_space<hbm>>) target(%arg7 : memref<128xi32, #tpu.memory_space<vmem>>) target_semaphore(%arg16 : memref<!tpu.dma_semaphore, #tpu.memory_space<semaphore_mem>>)
      %dma_wait3A_121 = tpu.memref_slice %arg3[%add3A_106] : memref<327680xi32, #tpu.memory_space<hbm>> -> memref<128xi32, #tpu.memory_space<hbm>>
      %dma_wait3A_122 = tpu.memref_slice %arg3[%add3A_106] : memref<327680xi32, #tpu.memory_space<hbm>> -> memref<128xi32, #tpu.memory_space<hbm>>
      tpu.wait_dma2 semaphore(%arg18 : memref<!tpu.dma_semaphore, #tpu.memory_space<semaphore_mem>>) src(%dma_wait3A_122 : memref<128xi32, #tpu.memory_space<hbm>>) dst(%arg9 : memref<128xi32, #tpu.memory_space<vmem>>)
      "tpu.region"() ({
        %run_scoped3A = tpu.sem_alloc : memref<!tpu.dma_semaphore, #tpu.memory_space<semaphore_mem>>
        %dma_start3A_130 = arith.constant 0 : i32
        %dma_start3A_131 = arith.constant 0 : i32
        %dma_start3A_132 = tpu.memref_slice %arg12[%dma_start3A_130, %dma_start3A_131] : memref<10240x128xf32, #tpu.memory_space<vmem_shared>> -> memref<10240x128xf32, #tpu.memory_space<vmem_shared>>
        tpu.enqueue_indirect_dma source(%arg11 : memref<128x128xf32, #tpu.memory_space<vmem>>) target(%dma_start3A_132 : memref<10240x128xf32, #tpu.memory_space<vmem_shared>>) offsets(%arg9 : memref<128xi32, #tpu.memory_space<vmem>>) semaphore(%run_scoped3A : memref<!tpu.dma_semaphore, #tpu.memory_space<semaphore_mem>>) {add = true}
        %dma_wait3A_133 = arith.constant 0 : i32
        %dma_wait3A_134 = arith.constant 0 : i32
        %dma_wait3A_135 = tpu.memref_slice %arg12[%dma_wait3A_133, %dma_wait3A_134] : memref<10240x128xf32, #tpu.memory_space<vmem_shared>> -> memref<10240x128xf32, #tpu.memory_space<vmem_shared>>
        tpu.wait_indirect_dma semaphore(%run_scoped3A : memref<!tpu.dma_semaphore, #tpu.memory_space<semaphore_mem>>) src(%arg11 : memref<128x128xf32, #tpu.memory_space<vmem>>) dst(%dma_wait3A_135 : memref<10240x128xf32, #tpu.memory_space<vmem_shared>>)
        tpu.yield
      }) : () -> ()
      %dma_start3A_123 = tpu.memref_slice %arg3[%add3A_115] : memref<327680xi32, #tpu.memory_space<hbm>> -> memref<128xi32, #tpu.memory_space<hbm>>
      %dma_start3A_124 = tpu.memref_slice %arg3[%add3A_115] : memref<327680xi32, #tpu.memory_space<hbm>> -> memref<128xi32, #tpu.memory_space<hbm>>
      tpu.enqueue_dma source(%dma_start3A_124 : memref<128xi32, #tpu.memory_space<hbm>>) target(%arg9 : memref<128xi32, #tpu.memory_space<vmem>>) target_semaphore(%arg18 : memref<!tpu.dma_semaphore, #tpu.memory_space<semaphore_mem>>)
      %dma_wait3A_125 = tpu.memref_slice %arg2[%add3A_115] : memref<327680xi32, #tpu.memory_space<hbm>> -> memref<128xi32, #tpu.memory_space<hbm>>
      %dma_wait3A_126 = tpu.memref_slice %arg2[%add3A_115] : memref<327680xi32, #tpu.memory_space<hbm>> -> memref<128xi32, #tpu.memory_space<hbm>>
      tpu.wait_dma2 semaphore(%arg16 : memref<!tpu.dma_semaphore, #tpu.memory_space<semaphore_mem>>) src(%dma_wait3A_126 : memref<128xi32, #tpu.memory_space<hbm>>) dst(%arg7 : memref<128xi32, #tpu.memory_space<vmem>>)
      %dma_start3A_127 = arith.constant 0 : i32
      %dma_start3A_128 = arith.constant 0 : i32
      %dma_start3A_129 = tpu.memref_slice %arg4[%dma_start3A_127, %dma_start3A_128] : memref<10240x128xf32, #tpu.memory_space<hbm>> -> memref<10240x128xf32, #tpu.memory_space<hbm>>
      tpu.enqueue_indirect_dma source(%dma_start3A_129 : memref<10240x128xf32, #tpu.memory_space<hbm>>) target(%arg11 : memref<128x128xf32, #tpu.memory_space<vmem>>) offsets(%arg7 : memref<128xi32, #tpu.memory_space<vmem>>) semaphore(%arg14 : memref<!tpu.dma_semaphore, #tpu.memory_space<semaphore_mem>>)
    }
    %scan3A_50 = arith.constant 39 : i32
    %add3A_51 = arith.constant 9984 : i32
    %add3A_52 = arith.addi %mul3A_27, %add3A_51 : i32
    %dma_wait3A = arith.constant 0 : i32
    %dma_wait3A_53 = arith.constant 0 : i32
    %dma_wait3A_54 = tpu.memref_slice %arg4[%dma_wait3A, %dma_wait3A_53] : memref<10240x128xf32, #tpu.memory_space<hbm>> -> memref<10240x128xf32, #tpu.memory_space<hbm>>
    tpu.wait_indirect_dma semaphore(%arg13 : memref<!tpu.dma_semaphore, #tpu.memory_space<semaphore_mem>>) src(%dma_wait3A_54 : memref<10240x128xf32, #tpu.memory_space<hbm>>) dst(%arg10 : memref<128x128xf32, #tpu.memory_space<vmem>>)
    %dma_wait3A_55 = tpu.memref_slice %arg3[%add3A_52] : memref<327680xi32, #tpu.memory_space<hbm>> -> memref<128xi32, #tpu.memory_space<hbm>>
    %dma_wait3A_56 = tpu.memref_slice %arg3[%add3A_52] : memref<327680xi32, #tpu.memory_space<hbm>> -> memref<128xi32, #tpu.memory_space<hbm>>
    tpu.wait_dma2 semaphore(%arg17 : memref<!tpu.dma_semaphore, #tpu.memory_space<semaphore_mem>>) src(%dma_wait3A_56 : memref<128xi32, #tpu.memory_space<hbm>>) dst(%arg8 : memref<128xi32, #tpu.memory_space<vmem>>)
    "tpu.region"() ({
      %run_scoped3A = tpu.sem_alloc : memref<!tpu.dma_semaphore, #tpu.memory_space<semaphore_mem>>
      %dma_start3A_69 = arith.constant 0 : i32
      %dma_start3A_70 = arith.constant 0 : i32
      %dma_start3A_71 = tpu.memref_slice %arg12[%dma_start3A_69, %dma_start3A_70] : memref<10240x128xf32, #tpu.memory_space<vmem_shared>> -> memref<10240x128xf32, #tpu.memory_space<vmem_shared>>
      tpu.enqueue_indirect_dma source(%arg10 : memref<128x128xf32, #tpu.memory_space<vmem>>) target(%dma_start3A_71 : memref<10240x128xf32, #tpu.memory_space<vmem_shared>>) offsets(%arg8 : memref<128xi32, #tpu.memory_space<vmem>>) semaphore(%run_scoped3A : memref<!tpu.dma_semaphore, #tpu.memory_space<semaphore_mem>>) {add = true}
      %dma_wait3A_72 = arith.constant 0 : i32
      %dma_wait3A_73 = arith.constant 0 : i32
      %dma_wait3A_74 = tpu.memref_slice %arg12[%dma_wait3A_72, %dma_wait3A_73] : memref<10240x128xf32, #tpu.memory_space<vmem_shared>> -> memref<10240x128xf32, #tpu.memory_space<vmem_shared>>
      tpu.wait_indirect_dma semaphore(%run_scoped3A : memref<!tpu.dma_semaphore, #tpu.memory_space<semaphore_mem>>) src(%arg10 : memref<128x128xf32, #tpu.memory_space<vmem>>) dst(%dma_wait3A_74 : memref<10240x128xf32, #tpu.memory_space<vmem_shared>>)
      tpu.yield
    }) : () -> ()
    %add3A_57 = arith.constant 10112 : i32
    %add3A_58 = arith.addi %mul3A_27, %add3A_57 : i32
    %dma_wait3A_59 = arith.constant 0 : i32
    %dma_wait3A_60 = arith.constant 0 : i32
    %dma_wait3A_61 = tpu.memref_slice %arg4[%dma_wait3A_59, %dma_wait3A_60] : memref<10240x128xf32, #tpu.memory_space<hbm>> -> memref<10240x128xf32, #tpu.memory_space<hbm>>
    tpu.wait_indirect_dma semaphore(%arg14 : memref<!tpu.dma_semaphore, #tpu.memory_space<semaphore_mem>>) src(%dma_wait3A_61 : memref<10240x128xf32, #tpu.memory_space<hbm>>) dst(%arg11 : memref<128x128xf32, #tpu.memory_space<vmem>>)
    %dma_wait3A_62 = tpu.memref_slice %arg3[%add3A_58] : memref<327680xi32, #tpu.memory_space<hbm>> -> memref<128xi32, #tpu.memory_space<hbm>>
    %dma_wait3A_63 = tpu.memref_slice %arg3[%add3A_58] : memref<327680xi32, #tpu.memory_space<hbm>> -> memref<128xi32, #tpu.memory_space<hbm>>
    tpu.wait_dma2 semaphore(%arg18 : memref<!tpu.dma_semaphore, #tpu.memory_space<semaphore_mem>>) src(%dma_wait3A_63 : memref<128xi32, #tpu.memory_space<hbm>>) dst(%arg9 : memref<128xi32, #tpu.memory_space<vmem>>)
    "tpu.region"() ({
      %run_scoped3A = tpu.sem_alloc : memref<!tpu.dma_semaphore, #tpu.memory_space<semaphore_mem>>
      %dma_start3A_69 = arith.constant 0 : i32
      %dma_start3A_70 = arith.constant 0 : i32
      %dma_start3A_71 = tpu.memref_slice %arg12[%dma_start3A_69, %dma_start3A_70] : memref<10240x128xf32, #tpu.memory_space<vmem_shared>> -> memref<10240x128xf32, #tpu.memory_space<vmem_shared>>
      tpu.enqueue_indirect_dma source(%arg11 : memref<128x128xf32, #tpu.memory_space<vmem>>) target(%dma_start3A_71 : memref<10240x128xf32, #tpu.memory_space<vmem_shared>>) offsets(%arg9 : memref<128xi32, #tpu.memory_space<vmem>>) semaphore(%run_scoped3A : memref<!tpu.dma_semaphore, #tpu.memory_space<semaphore_mem>>) {add = true}
      %dma_wait3A_72 = arith.constant 0 : i32
      %dma_wait3A_73 = arith.constant 0 : i32
      %dma_wait3A_74 = tpu.memref_slice %arg12[%dma_wait3A_72, %dma_wait3A_73] : memref<10240x128xf32, #tpu.memory_space<vmem_shared>> -> memref<10240x128xf32, #tpu.memory_space<vmem_shared>>
      tpu.wait_indirect_dma semaphore(%run_scoped3A : memref<!tpu.dma_semaphore, #tpu.memory_space<semaphore_mem>>) src(%arg11 : memref<128x128xf32, #tpu.memory_space<vmem>>) dst(%dma_wait3A_74 : memref<10240x128xf32, #tpu.memory_space<vmem_shared>>)
      tpu.yield
    }) : () -> ()
    %barrier3A_64 = arith.constant 0 : index
    tpu.barrier barrier_id(%barrier3A_64)
    %mul3A_65 = arith.constant 640 : i32
    %mul3A_66 = arith.muli %arg1, %mul3A_65 : i32
    %mul3A_67 = arith.constant 640 : i32
    %mul3A_68 = arith.muli %arg1, %mul3A_67 : i32
    "tpu.region"() ({
      %run_scoped3A = tpu.sem_alloc : memref<!tpu.dma_semaphore, #tpu.memory_space<semaphore_mem>>
      %dma_start3A_69 = arith.constant 0 : i32
      %dma_start3A_70 = tpu.memref_slice %arg5[%arg0, %mul3A_68, %dma_start3A_69] : memref<2x10240x128xf32, #tpu.memory_space<hbm>> -> memref<1x640x128xf32, #tpu.memory_space<hbm>>
      %dma_start3A_71 = tpu.memref_squeeze %dma_start3A_70 : memref<1x640x128xf32, #tpu.memory_space<hbm>> -> memref<640x128xf32, #tpu.memory_space<hbm>>
      %dma_start3A_72 = arith.constant 0 : i32
      %dma_start3A_73 = tpu.memref_slice %arg12[%mul3A_66, %dma_start3A_72] : memref<10240x128xf32, #tpu.memory_space<vmem_shared>> -> memref<640x128xf32, #tpu.memory_space<vmem_shared>>
      tpu.enqueue_dma source(%dma_start3A_73 : memref<640x128xf32, #tpu.memory_space<vmem_shared>>) target(%dma_start3A_71 : memref<640x128xf32, #tpu.memory_space<hbm>>) target_semaphore(%run_scoped3A : memref<!tpu.dma_semaphore, #tpu.memory_space<semaphore_mem>>)
      %dma_wait3A_74 = arith.constant 0 : i32
      %dma_wait3A_75 = tpu.memref_slice %arg5[%arg0, %mul3A_68, %dma_wait3A_74] : memref<2x10240x128xf32, #tpu.memory_space<hbm>> -> memref<1x640x128xf32, #tpu.memory_space<hbm>>
      %dma_wait3A_76 = tpu.memref_squeeze %dma_wait3A_75 : memref<1x640x128xf32, #tpu.memory_space<hbm>> -> memref<640x128xf32, #tpu.memory_space<hbm>>
      %dma_wait3A_77 = arith.constant 0 : i32
      %dma_wait3A_78 = tpu.memref_slice %arg12[%mul3A_66, %dma_wait3A_77] : memref<10240x128xf32, #tpu.memory_space<vmem_shared>> -> memref<640x128xf32, #tpu.memory_space<vmem_shared>>
      tpu.wait_dma2 semaphore(%run_scoped3A : memref<!tpu.dma_semaphore, #tpu.memory_space<semaphore_mem>>) src(%dma_wait3A_78 : memref<640x128xf32, #tpu.memory_space<vmem_shared>>) dst(%dma_wait3A_76 : memref<640x128xf32, #tpu.memory_space<hbm>>)
      tpu.yield
    }) : () -> ()
    return
  }
}

#map = affine_map<(d0, d1) -> (0)>
#map1 = affine_map<(d0, d1) -> (0, 0)>
#map2 = affine_map<(d0, d1) -> (0, 0, 0)>
module attributes {stable_mosaic.version = 14 : i64} {
  func.func @_scat_body(%arg0: i32, %arg1: i32, %arg2: memref<327680xi32, #tpu.memory_space<hbm>>, %arg3: memref<327680xi32, #tpu.memory_space<hbm>>, %arg4: memref<10240x128xf32, #tpu.memory_space<hbm>>, %arg5: memref<2x10240x128xf32, #tpu.memory_space<hbm>>, %arg6: memref<128xi32, #tpu.memory_space<vmem>>, %arg7: memref<128xi32, #tpu.memory_space<vmem>>, %arg8: memref<128xi32, #tpu.memory_space<vmem>>, %arg9: memref<128xi32, #tpu.memory_space<vmem>>, %arg10: memref<128x128xf32, #tpu.memory_space<vmem>>, %arg11: memref<128x128xf32, #tpu.memory_space<vmem>>, %arg12: memref<10240x128xf32, #tpu.memory_space<vmem_shared>>, %arg13: memref<!tpu.dma_semaphore, #tpu.memory_space<semaphore_mem>>, %arg14: memref<!tpu.dma_semaphore, #tpu.memory_space<semaphore_mem>>, %arg15: memref<!tpu.dma_semaphore, #tpu.memory_space<semaphore_mem>>, %arg16: memref<!tpu.dma_semaphore, #tpu.memory_space<semaphore_mem>>, %arg17: memref<!tpu.dma_semaphore, #tpu.memory_space<semaphore_mem>>, %arg18: memref<!tpu.dma_semaphore, #tpu.memory_space<semaphore_mem>>) attributes {dimension_semantics = [#tpu.dimension_semantics<core_parallel>, #tpu.dimension_semantics<subcore_parallel>], iteration_bounds = array<i64: 2, 16>, scalar_prefetch = 0 : i64, scratch_operands = 13 : i64, tpu.core_type = #tpu.core_type<sc_vector_subcore>, window_params = [{transform_indices = #map}, {transform_indices = #map}, {transform_indices = #map1}, {transform_indices = #map2}]} {
    %mul3A = arith.constant 16 : i32
    %mul3A_0 = arith.muli %arg0, %mul3A : i32
    %add3A = arith.addi %mul3A_0, %arg1 : i32
    %scan3A = arith.constant 0 : i32
    %scan3A_1 = arith.constant 0 : i32
    %scan3A_2 = arith.constant 128 : i32
    %scan3A_3 = arith.addi %scan3A_1, %scan3A_2 : i32
    %scan3A_4 = arith.constant 1 : i32
    scf.for %scan3A_69 = %scan3A_1 to %scan3A_3 step %scan3A_4  : i32 {
      %broadcast_in_dim3A = arith.constant 0.000000e+00 : f32
      %broadcast_in_dim3A_70 = vector.broadcast %broadcast_in_dim3A : f32 to vector<16xf32>
      %swap3A = arith.index_cast %scan3A_69 : i32 to index
      %swap3A_71 = arith.constant 0 : index
      %swap3A_72 = tpu.vector_load %arg10[%swap3A, %swap3A_71] {strides = array<i32>} : memref<128x128xf32, #tpu.memory_space<vmem>>, vector<1x16xf32>,
      %swap3A_73 = vector.shape_cast %swap3A_72 : vector<1x16xf32> to vector<16xf32>
      %swap3A_74 = vector.shape_cast %broadcast_in_dim3A_70 : vector<16xf32> to vector<1x16xf32>
      tpu.vector_store %arg10[%swap3A, %swap3A_71], %swap3A_74 {strides = array<i32>} : memref<128x128xf32, #tpu.memory_space<vmem>>, vector<1x16xf32>,
      %broadcast_in_dim3A_75 = arith.constant 0.000000e+00 : f32
      %broadcast_in_dim3A_76 = vector.broadcast %broadcast_in_dim3A_75 : f32 to vector<16xf32>
      %swap3A_77 = arith.index_cast %scan3A_69 : i32 to index
      %swap3A_78 = arith.constant 16 : index
      %swap3A_79 = tpu.vector_load %arg10[%swap3A_77, %swap3A_78] {strides = array<i32>} : memref<128x128xf32, #tpu.memory_space<vmem>>, vector<1x16xf32>,
      %swap3A_80 = vector.shape_cast %swap3A_79 : vector<1x16xf32> to vector<16xf32>
      %swap3A_81 = vector.shape_cast %broadcast_in_dim3A_76 : vector<16xf32> to vector<1x16xf32>
      tpu.vector_store %arg10[%swap3A_77, %swap3A_78], %swap3A_81 {strides = array<i32>} : memref<128x128xf32, #tpu.memory_space<vmem>>, vector<1x16xf32>,
      %broadcast_in_dim3A_82 = arith.constant 0.000000e+00 : f32
      %broadcast_in_dim3A_83 = vector.broadcast %broadcast_in_dim3A_82 : f32 to vector<16xf32>
      %swap3A_84 = arith.index_cast %scan3A_69 : i32 to index
      %swap3A_85 = arith.constant 32 : index
      %swap3A_86 = tpu.vector_load %arg10[%swap3A_84, %swap3A_85] {strides = array<i32>} : memref<128x128xf32, #tpu.memory_space<vmem>>, vector<1x16xf32>,
      %swap3A_87 = vector.shape_cast %swap3A_86 : vector<1x16xf32> to vector<16xf32>
      %swap3A_88 = vector.shape_cast %broadcast_in_dim3A_83 : vector<16xf32> to vector<1x16xf32>
      tpu.vector_store %arg10[%swap3A_84, %swap3A_85], %swap3A_88 {strides = array<i32>} : memref<128x128xf32, #tpu.memory_space<vmem>>, vector<1x16xf32>,
      %broadcast_in_dim3A_89 = arith.constant 0.000000e+00 : f32
      %broadcast_in_dim3A_90 = vector.broadcast %broadcast_in_dim3A_89 : f32 to vector<16xf32>
      %swap3A_91 = arith.index_cast %scan3A_69 : i32 to index
      %swap3A_92 = arith.constant 48 : index
      %swap3A_93 = tpu.vector_load %arg10[%swap3A_91, %swap3A_92] {strides = array<i32>} : memref<128x128xf32, #tpu.memory_space<vmem>>, vector<1x16xf32>,
      %swap3A_94 = vector.shape_cast %swap3A_93 : vector<1x16xf32> to vector<16xf32>
      %swap3A_95 = vector.shape_cast %broadcast_in_dim3A_90 : vector<16xf32> to vector<1x16xf32>
      tpu.vector_store %arg10[%swap3A_91, %swap3A_92], %swap3A_95 {strides = array<i32>} : memref<128x128xf32, #tpu.memory_space<vmem>>, vector<1x16xf32>,
      %broadcast_in_dim3A_96 = arith.constant 0.000000e+00 : f32
      %broadcast_in_dim3A_97 = vector.broadcast %broadcast_in_dim3A_96 : f32 to vector<16xf32>
      %swap3A_98 = arith.index_cast %scan3A_69 : i32 to index
      %swap3A_99 = arith.constant 64 : index
      %swap3A_100 = tpu.vector_load %arg10[%swap3A_98, %swap3A_99] {strides = array<i32>} : memref<128x128xf32, #tpu.memory_space<vmem>>, vector<1x16xf32>,
      %swap3A_101 = vector.shape_cast %swap3A_100 : vector<1x16xf32> to vector<16xf32>
      %swap3A_102 = vector.shape_cast %broadcast_in_dim3A_97 : vector<16xf32> to vector<1x16xf32>
      tpu.vector_store %arg10[%swap3A_98, %swap3A_99], %swap3A_102 {strides = array<i32>} : memref<128x128xf32, #tpu.memory_space<vmem>>, vector<1x16xf32>,
      %broadcast_in_dim3A_103 = arith.constant 0.000000e+00 : f32
      %broadcast_in_dim3A_104 = vector.broadcast %broadcast_in_dim3A_103 : f32 to vector<16xf32>
      %swap3A_105 = arith.index_cast %scan3A_69 : i32 to index
      %swap3A_106 = arith.constant 80 : index
      %swap3A_107 = tpu.vector_load %arg10[%swap3A_105, %swap3A_106] {strides = array<i32>} : memref<128x128xf32, #tpu.memory_space<vmem>>, vector<1x16xf32>,
      %swap3A_108 = vector.shape_cast %swap3A_107 : vector<1x16xf32> to vector<16xf32>
      %swap3A_109 = vector.shape_cast %broadcast_in_dim3A_104 : vector<16xf32> to vector<1x16xf32>
      tpu.vector_store %arg10[%swap3A_105, %swap3A_106], %swap3A_109 {strides = array<i32>} : memref<128x128xf32, #tpu.memory_space<vmem>>, vector<1x16xf32>,
      %broadcast_in_dim3A_110 = arith.constant 0.000000e+00 : f32
      %broadcast_in_dim3A_111 = vector.broadcast %broadcast_in_dim3A_110 : f32 to vector<16xf32>
      %swap3A_112 = arith.index_cast %scan3A_69 : i32 to index
      %swap3A_113 = arith.constant 96 : index
      %swap3A_114 = tpu.vector_load %arg10[%swap3A_112, %swap3A_113] {strides = array<i32>} : memref<128x128xf32, #tpu.memory_space<vmem>>, vector<1x16xf32>,
      %swap3A_115 = vector.shape_cast %swap3A_114 : vector<1x16xf32> to vector<16xf32>
      %swap3A_116 = vector.shape_cast %broadcast_in_dim3A_111 : vector<16xf32> to vector<1x16xf32>
      tpu.vector_store %arg10[%swap3A_112, %swap3A_113], %swap3A_116 {strides = array<i32>} : memref<128x128xf32, #tpu.memory_space<vmem>>, vector<1x16xf32>,
      %broadcast_in_dim3A_117 = arith.constant 0.000000e+00 : f32
      %broadcast_in_dim3A_118 = vector.broadcast %broadcast_in_dim3A_117 : f32 to vector<16xf32>
      %swap3A_119 = arith.index_cast %scan3A_69 : i32 to index
      %swap3A_120 = arith.constant 112 : index
      %swap3A_121 = tpu.vector_load %arg10[%swap3A_119, %swap3A_120] {strides = array<i32>} : memref<128x128xf32, #tpu.memory_space<vmem>>, vector<1x16xf32>,
      %swap3A_122 = vector.shape_cast %swap3A_121 : vector<1x16xf32> to vector<16xf32>
      %swap3A_123 = vector.shape_cast %broadcast_in_dim3A_118 : vector<16xf32> to vector<1x16xf32>
      tpu.vector_store %arg10[%swap3A_119, %swap3A_120], %swap3A_123 {strides = array<i32>} : memref<128x128xf32, #tpu.memory_space<vmem>>, vector<1x16xf32>,
    }
    %scan3A_5 = arith.constant 128 : i32
    %mul3A_6 = arith.constant 640 : i32
    %mul3A_7 = arith.muli %arg1, %mul3A_6 : i32
    %add3A_8 = arith.constant 0 : i32
    %add3A_9 = arith.addi %mul3A_7, %add3A_8 : i32
    "tpu.region"() ({
      %run_scoped3A = tpu.sem_alloc : memref<!tpu.dma_semaphore, #tpu.memory_space<semaphore_mem>>
      %dma_start3A_69 = arith.constant 0 : i32
      %dma_start3A_70 = tpu.memref_slice %arg12[%add3A_9, %dma_start3A_69] : memref<10240x128xf32, #tpu.memory_space<vmem_shared>> -> memref<128x128xf32, #tpu.memory_space<vmem_shared>>
      %dma_start3A_71 = arith.constant 0 : i32
      %dma_start3A_72 = tpu.memref_slice %arg12[%add3A_9, %dma_start3A_71] : memref<10240x128xf32, #tpu.memory_space<vmem_shared>> -> memref<128x128xf32, #tpu.memory_space<vmem_shared>>
      tpu.enqueue_dma source(%arg10 : memref<128x128xf32, #tpu.memory_space<vmem>>) target(%dma_start3A_72 : memref<128x128xf32, #tpu.memory_space<vmem_shared>>) target_semaphore(%run_scoped3A : memref<!tpu.dma_semaphore, #tpu.memory_space<semaphore_mem>>)
      %dma_wait3A_73 = arith.constant 0 : i32
      %dma_wait3A_74 = tpu.memref_slice %arg12[%add3A_9, %dma_wait3A_73] : memref<10240x128xf32, #tpu.memory_space<vmem_shared>> -> memref<128x128xf32, #tpu.memory_space<vmem_shared>>
      %dma_wait3A_75 = arith.constant 0 : i32
      %dma_wait3A_76 = tpu.memref_slice %arg12[%add3A_9, %dma_wait3A_75] : memref<10240x128xf32, #tpu.memory_space<vmem_shared>> -> memref<128x128xf32, #tpu.memory_space<vmem_shared>>
      tpu.wait_dma2 semaphore(%run_scoped3A : memref<!tpu.dma_semaphore, #tpu.memory_space<semaphore_mem>>) src(%arg10 : memref<128x128xf32, #tpu.memory_space<vmem>>) dst(%dma_wait3A_76 : memref<128x128xf32, #tpu.memory_space<vmem_shared>>)
      tpu.yield
    }) : () -> ()
    %mul3A_10 = arith.constant 640 : i32
    %mul3A_11 = arith.muli %arg1, %mul3A_10 : i32
    %add3A_12 = arith.constant 128 : i32
    %add3A_13 = arith.addi %mul3A_11, %add3A_12 : i32
    "tpu.region"() ({
      %run_scoped3A = tpu.sem_alloc : memref<!tpu.dma_semaphore, #tpu.memory_space<semaphore_mem>>
      %dma_start3A_69 = arith.constant 0 : i32
      %dma_start3A_70 = tpu.memref_slice %arg12[%add3A_13, %dma_start3A_69] : memref<10240x128xf32, #tpu.memory_space<vmem_shared>> -> memref<128x128xf32, #tpu.memory_space<vmem_shared>>
      %dma_start3A_71 = arith.constant 0 : i32
      %dma_start3A_72 = tpu.memref_slice %arg12[%add3A_13, %dma_start3A_71] : memref<10240x128xf32, #tpu.memory_space<vmem_shared>> -> memref<128x128xf32, #tpu.memory_space<vmem_shared>>
      tpu.enqueue_dma source(%arg10 : memref<128x128xf32, #tpu.memory_space<vmem>>) target(%dma_start3A_72 : memref<128x128xf32, #tpu.memory_space<vmem_shared>>) target_semaphore(%run_scoped3A : memref<!tpu.dma_semaphore, #tpu.memory_space<semaphore_mem>>)
      %dma_wait3A_73 = arith.constant 0 : i32
      %dma_wait3A_74 = tpu.memref_slice %arg12[%add3A_13, %dma_wait3A_73] : memref<10240x128xf32, #tpu.memory_space<vmem_shared>> -> memref<128x128xf32, #tpu.memory_space<vmem_shared>>
      %dma_wait3A_75 = arith.constant 0 : i32
      %dma_wait3A_76 = tpu.memref_slice %arg12[%add3A_13, %dma_wait3A_75] : memref<10240x128xf32, #tpu.memory_space<vmem_shared>> -> memref<128x128xf32, #tpu.memory_space<vmem_shared>>
      tpu.wait_dma2 semaphore(%run_scoped3A : memref<!tpu.dma_semaphore, #tpu.memory_space<semaphore_mem>>) src(%arg10 : memref<128x128xf32, #tpu.memory_space<vmem>>) dst(%dma_wait3A_76 : memref<128x128xf32, #tpu.memory_space<vmem_shared>>)
      tpu.yield
    }) : () -> ()
    %mul3A_14 = arith.constant 640 : i32
    %mul3A_15 = arith.muli %arg1, %mul3A_14 : i32
    %add3A_16 = arith.constant 256 : i32
    %add3A_17 = arith.addi %mul3A_15, %add3A_16 : i32
    "tpu.region"() ({
      %run_scoped3A = tpu.sem_alloc : memref<!tpu.dma_semaphore, #tpu.memory_space<semaphore_mem>>
      %dma_start3A_69 = arith.constant 0 : i32
      %dma_start3A_70 = tpu.memref_slice %arg12[%add3A_17, %dma_start3A_69] : memref<10240x128xf32, #tpu.memory_space<vmem_shared>> -> memref<128x128xf32, #tpu.memory_space<vmem_shared>>
      %dma_start3A_71 = arith.constant 0 : i32
      %dma_start3A_72 = tpu.memref_slice %arg12[%add3A_17, %dma_start3A_71] : memref<10240x128xf32, #tpu.memory_space<vmem_shared>> -> memref<128x128xf32, #tpu.memory_space<vmem_shared>>
      tpu.enqueue_dma source(%arg10 : memref<128x128xf32, #tpu.memory_space<vmem>>) target(%dma_start3A_72 : memref<128x128xf32, #tpu.memory_space<vmem_shared>>) target_semaphore(%run_scoped3A : memref<!tpu.dma_semaphore, #tpu.memory_space<semaphore_mem>>)
      %dma_wait3A_73 = arith.constant 0 : i32
      %dma_wait3A_74 = tpu.memref_slice %arg12[%add3A_17, %dma_wait3A_73] : memref<10240x128xf32, #tpu.memory_space<vmem_shared>> -> memref<128x128xf32, #tpu.memory_space<vmem_shared>>
      %dma_wait3A_75 = arith.constant 0 : i32
      %dma_wait3A_76 = tpu.memref_slice %arg12[%add3A_17, %dma_wait3A_75] : memref<10240x128xf32, #tpu.memory_space<vmem_shared>> -> memref<128x128xf32, #tpu.memory_space<vmem_shared>>
      tpu.wait_dma2 semaphore(%run_scoped3A : memref<!tpu.dma_semaphore, #tpu.memory_space<semaphore_mem>>) src(%arg10 : memref<128x128xf32, #tpu.memory_space<vmem>>) dst(%dma_wait3A_76 : memref<128x128xf32, #tpu.memory_space<vmem_shared>>)
      tpu.yield
    }) : () -> ()
    %mul3A_18 = arith.constant 640 : i32
    %mul3A_19 = arith.muli %arg1, %mul3A_18 : i32
    %add3A_20 = arith.constant 384 : i32
    %add3A_21 = arith.addi %mul3A_19, %add3A_20 : i32
    "tpu.region"() ({
      %run_scoped3A = tpu.sem_alloc : memref<!tpu.dma_semaphore, #tpu.memory_space<semaphore_mem>>
      %dma_start3A_69 = arith.constant 0 : i32
      %dma_start3A_70 = tpu.memref_slice %arg12[%add3A_21, %dma_start3A_69] : memref<10240x128xf32, #tpu.memory_space<vmem_shared>> -> memref<128x128xf32, #tpu.memory_space<vmem_shared>>
      %dma_start3A_71 = arith.constant 0 : i32
      %dma_start3A_72 = tpu.memref_slice %arg12[%add3A_21, %dma_start3A_71] : memref<10240x128xf32, #tpu.memory_space<vmem_shared>> -> memref<128x128xf32, #tpu.memory_space<vmem_shared>>
      tpu.enqueue_dma source(%arg10 : memref<128x128xf32, #tpu.memory_space<vmem>>) target(%dma_start3A_72 : memref<128x128xf32, #tpu.memory_space<vmem_shared>>) target_semaphore(%run_scoped3A : memref<!tpu.dma_semaphore, #tpu.memory_space<semaphore_mem>>)
      %dma_wait3A_73 = arith.constant 0 : i32
      %dma_wait3A_74 = tpu.memref_slice %arg12[%add3A_21, %dma_wait3A_73] : memref<10240x128xf32, #tpu.memory_space<vmem_shared>> -> memref<128x128xf32, #tpu.memory_space<vmem_shared>>
      %dma_wait3A_75 = arith.constant 0 : i32
      %dma_wait3A_76 = tpu.memref_slice %arg12[%add3A_21, %dma_wait3A_75] : memref<10240x128xf32, #tpu.memory_space<vmem_shared>> -> memref<128x128xf32, #tpu.memory_space<vmem_shared>>
      tpu.wait_dma2 semaphore(%run_scoped3A : memref<!tpu.dma_semaphore, #tpu.memory_space<semaphore_mem>>) src(%arg10 : memref<128x128xf32, #tpu.memory_space<vmem>>) dst(%dma_wait3A_76 : memref<128x128xf32, #tpu.memory_space<vmem_shared>>)
      tpu.yield
    }) : () -> ()
    %mul3A_22 = arith.constant 640 : i32
    %mul3A_23 = arith.muli %arg1, %mul3A_22 : i32
    %add3A_24 = arith.constant 512 : i32
    %add3A_25 = arith.addi %mul3A_23, %add3A_24 : i32
    "tpu.region"() ({
      %run_scoped3A = tpu.sem_alloc : memref<!tpu.dma_semaphore, #tpu.memory_space<semaphore_mem>>
      %dma_start3A_69 = arith.constant 0 : i32
      %dma_start3A_70 = tpu.memref_slice %arg12[%add3A_25, %dma_start3A_69] : memref<10240x128xf32, #tpu.memory_space<vmem_shared>> -> memref<128x128xf32, #tpu.memory_space<vmem_shared>>
      %dma_start3A_71 = arith.constant 0 : i32
      %dma_start3A_72 = tpu.memref_slice %arg12[%add3A_25, %dma_start3A_71] : memref<10240x128xf32, #tpu.memory_space<vmem_shared>> -> memref<128x128xf32, #tpu.memory_space<vmem_shared>>
      tpu.enqueue_dma source(%arg10 : memref<128x128xf32, #tpu.memory_space<vmem>>) target(%dma_start3A_72 : memref<128x128xf32, #tpu.memory_space<vmem_shared>>) target_semaphore(%run_scoped3A : memref<!tpu.dma_semaphore, #tpu.memory_space<semaphore_mem>>)
      %dma_wait3A_73 = arith.constant 0 : i32
      %dma_wait3A_74 = tpu.memref_slice %arg12[%add3A_25, %dma_wait3A_73] : memref<10240x128xf32, #tpu.memory_space<vmem_shared>> -> memref<128x128xf32, #tpu.memory_space<vmem_shared>>
      %dma_wait3A_75 = arith.constant 0 : i32
      %dma_wait3A_76 = tpu.memref_slice %arg12[%add3A_25, %dma_wait3A_75] : memref<10240x128xf32, #tpu.memory_space<vmem_shared>> -> memref<128x128xf32, #tpu.memory_space<vmem_shared>>
      tpu.wait_dma2 semaphore(%run_scoped3A : memref<!tpu.dma_semaphore, #tpu.memory_space<semaphore_mem>>) src(%arg10 : memref<128x128xf32, #tpu.memory_space<vmem>>) dst(%dma_wait3A_76 : memref<128x128xf32, #tpu.memory_space<vmem_shared>>)
      tpu.yield
    }) : () -> ()
    %barrier3A = arith.constant 0 : index
    tpu.barrier barrier_id(%barrier3A)
    %mul3A_26 = arith.constant 10240 : i32
    %mul3A_27 = arith.muli %add3A, %mul3A_26 : i32
    %add3A_28 = arith.constant 0 : i32
    %add3A_29 = arith.addi %mul3A_27, %add3A_28 : i32
    "tpu.region"() ({
      %run_scoped3A = tpu.sem_alloc : memref<!tpu.dma_semaphore, #tpu.memory_space<semaphore_mem>>
      %dma_start3A_69 = tpu.memref_slice %arg2[%add3A_29] : memref<327680xi32, #tpu.memory_space<hbm>> -> memref<128xi32, #tpu.memory_space<hbm>>
      %dma_start3A_70 = tpu.memref_slice %arg2[%add3A_29] : memref<327680xi32, #tpu.memory_space<hbm>> -> memref<128xi32, #tpu.memory_space<hbm>>
      tpu.enqueue_dma source(%dma_start3A_70 : memref<128xi32, #tpu.memory_space<hbm>>) target(%arg6 : memref<128xi32, #tpu.memory_space<vmem>>) target_semaphore(%run_scoped3A : memref<!tpu.dma_semaphore, #tpu.memory_space<semaphore_mem>>)
      %dma_wait3A_71 = tpu.memref_slice %arg2[%add3A_29] : memref<327680xi32, #tpu.memory_space<hbm>> -> memref<128xi32, #tpu.memory_space<hbm>>
      %dma_wait3A_72 = tpu.memref_slice %arg2[%add3A_29] : memref<327680xi32, #tpu.memory_space<hbm>> -> memref<128xi32, #tpu.memory_space<hbm>>
      tpu.wait_dma2 semaphore(%run_scoped3A : memref<!tpu.dma_semaphore, #tpu.memory_space<semaphore_mem>>) src(%dma_wait3A_72 : memref<128xi32, #tpu.memory_space<hbm>>) dst(%arg6 : memref<128xi32, #tpu.memory_space<vmem>>)
      tpu.yield
    }) : () -> ()
    %add3A_30 = arith.constant 0 : i32
    %add3A_31 = arith.addi %mul3A_27, %add3A_30 : i32
    %dma_start3A = tpu.memref_slice %arg3[%add3A_31] : memref<327680xi32, #tpu.memory_space<hbm>> -> memref<128xi32, #tpu.memory_space<hbm>>
    %dma_start3A_32 = tpu.memref_slice %arg3[%add3A_31] : memref<327680xi32, #tpu.memory_space<hbm>> -> memref<128xi32, #tpu.memory_space<hbm>>
    tpu.enqueue_dma source(%dma_start3A_32 : memref<128xi32, #tpu.memory_space<hbm>>) target(%arg8 : memref<128xi32, #tpu.memory_space<vmem>>) target_semaphore(%arg17 : memref<!tpu.dma_semaphore, #tpu.memory_space<semaphore_mem>>)
    %dma_start3A_33 = arith.constant 0 : i32
    %dma_start3A_34 = arith.constant 0 : i32
    %dma_start3A_35 = tpu.memref_slice %arg4[%dma_start3A_33, %dma_start3A_34] : memref<10240x128xf32, #tpu.memory_space<hbm>> -> memref<10240x128xf32, #tpu.memory_space<hbm>>
    tpu.enqueue_indirect_dma source(%dma_start3A_35 : memref<10240x128xf32, #tpu.memory_space<hbm>>) target(%arg10 : memref<128x128xf32, #tpu.memory_space<vmem>>) offsets(%arg6 : memref<128xi32, #tpu.memory_space<vmem>>) semaphore(%arg13 : memref<!tpu.dma_semaphore, #tpu.memory_space<semaphore_mem>>)
    %add3A_36 = arith.constant 128 : i32
    %add3A_37 = arith.addi %mul3A_27, %add3A_36 : i32
    "tpu.region"() ({
      %run_scoped3A = tpu.sem_alloc : memref<!tpu.dma_semaphore, #tpu.memory_space<semaphore_mem>>
      %dma_start3A_69 = tpu.memref_slice %arg2[%add3A_37] : memref<327680xi32, #tpu.memory_space<hbm>> -> memref<128xi32, #tpu.memory_space<hbm>>
      %dma_start3A_70 = tpu.memref_slice %arg2[%add3A_37] : memref<327680xi32, #tpu.memory_space<hbm>> -> memref<128xi32, #tpu.memory_space<hbm>>
      tpu.enqueue_dma source(%dma_start3A_70 : memref<128xi32, #tpu.memory_space<hbm>>) target(%arg7 : memref<128xi32, #tpu.memory_space<vmem>>) target_semaphore(%run_scoped3A : memref<!tpu.dma_semaphore, #tpu.memory_space<semaphore_mem>>)
      %dma_wait3A_71 = tpu.memref_slice %arg2[%add3A_37] : memref<327680xi32, #tpu.memory_space<hbm>> -> memref<128xi32, #tpu.memory_space<hbm>>
      %dma_wait3A_72 = tpu.memref_slice %arg2[%add3A_37] : memref<327680xi32, #tpu.memory_space<hbm>> -> memref<128xi32, #tpu.memory_space<hbm>>
      tpu.wait_dma2 semaphore(%run_scoped3A : memref<!tpu.dma_semaphore, #tpu.memory_space<semaphore_mem>>) src(%dma_wait3A_72 : memref<128xi32, #tpu.memory_space<hbm>>) dst(%arg7 : memref<128xi32, #tpu.memory_space<vmem>>)
      tpu.yield
    }) : () -> ()
    %add3A_38 = arith.constant 128 : i32
    %add3A_39 = arith.addi %mul3A_27, %add3A_38 : i32
    %dma_start3A_40 = tpu.memref_slice %arg3[%add3A_39] : memref<327680xi32, #tpu.memory_space<hbm>> -> memref<128xi32, #tpu.memory_space<hbm>>
    %dma_start3A_41 = tpu.memref_slice %arg3[%add3A_39] : memref<327680xi32, #tpu.memory_space<hbm>> -> memref<128xi32, #tpu.memory_space<hbm>>
    tpu.enqueue_dma source(%dma_start3A_41 : memref<128xi32, #tpu.memory_space<hbm>>) target(%arg9 : memref<128xi32, #tpu.memory_space<vmem>>) target_semaphore(%arg18 : memref<!tpu.dma_semaphore, #tpu.memory_space<semaphore_mem>>)
    %dma_start3A_42 = arith.constant 0 : i32
    %dma_start3A_43 = arith.constant 0 : i32
    %dma_start3A_44 = tpu.memref_slice %arg4[%dma_start3A_42, %dma_start3A_43] : memref<10240x128xf32, #tpu.memory_space<hbm>> -> memref<10240x128xf32, #tpu.memory_space<hbm>>
    tpu.enqueue_indirect_dma source(%dma_start3A_44 : memref<10240x128xf32, #tpu.memory_space<hbm>>) target(%arg11 : memref<128x128xf32, #tpu.memory_space<vmem>>) offsets(%arg7 : memref<128xi32, #tpu.memory_space<vmem>>) semaphore(%arg14 : memref<!tpu.dma_semaphore, #tpu.memory_space<semaphore_mem>>)
    %scan3A_45 = arith.constant 0 : i32
    %scan3A_46 = arith.constant 0 : i32
    %scan3A_47 = arith.constant 39 : i32
    %scan3A_48 = arith.addi %scan3A_46, %scan3A_47 : i32
    %scan3A_49 = arith.constant 1 : i32
    scf.for %scan3A_69 = %scan3A_46 to %scan3A_48 step %scan3A_49  : i32 {
      %mul3A_70 = arith.constant 2 : i32
      %mul3A_71 = arith.muli %mul3A_70, %scan3A_69 : i32
      %add3A_72 = arith.constant 0 : i32
      %add3A_73 = arith.addi %mul3A_71, %add3A_72 : i32
      %mul3A_74 = arith.constant 128 : i32
      %mul3A_75 = arith.muli %add3A_73, %mul3A_74 : i32
      %add3A_76 = arith.addi %mul3A_27, %mul3A_75 : i32
      %add3A_77 = arith.constant 1 : i32
      %add3A_78 = arith.addi %scan3A_69, %add3A_77 : i32
      %mul3A_79 = arith.constant 2 : i32
      %mul3A_80 = arith.muli %add3A_78, %mul3A_79 : i32
      %add3A_81 = arith.constant 0 : i32
      %add3A_82 = arith.addi %mul3A_80, %add3A_81 : i32
      %mul3A_83 = arith.constant 128 : i32
      %mul3A_84 = arith.muli %add3A_82, %mul3A_83 : i32
      %add3A_85 = arith.addi %mul3A_27, %mul3A_84 : i32
      %dma_wait3A_86 = arith.constant 0 : i32
      %dma_wait3A_87 = arith.constant 0 : i32
      %dma_wait3A_88 = tpu.memref_slice %arg4[%dma_wait3A_86, %dma_wait3A_87] : memref<10240x128xf32, #tpu.memory_space<hbm>> -> memref<10240x128xf32, #tpu.memory_space<hbm>>
      tpu.wait_indirect_dma semaphore(%arg13 : memref<!tpu.dma_semaphore, #tpu.memory_space<semaphore_mem>>) src(%dma_wait3A_88 : memref<10240x128xf32, #tpu.memory_space<hbm>>) dst(%arg10 : memref<128x128xf32, #tpu.memory_space<vmem>>)
      %dma_start3A_89 = tpu.memref_slice %arg2[%add3A_85] : memref<327680xi32, #tpu.memory_space<hbm>> -> memref<128xi32, #tpu.memory_space<hbm>>
      %dma_start3A_90 = tpu.memref_slice %arg2[%add3A_85] : memref<327680xi32, #tpu.memory_space<hbm>> -> memref<128xi32, #tpu.memory_space<hbm>>
      tpu.enqueue_dma source(%dma_start3A_90 : memref<128xi32, #tpu.memory_space<hbm>>) target(%arg6 : memref<128xi32, #tpu.memory_space<vmem>>) target_semaphore(%arg15 : memref<!tpu.dma_semaphore, #tpu.memory_space<semaphore_mem>>)
      %dma_wait3A_91 = tpu.memref_slice %arg3[%add3A_76] : memref<327680xi32, #tpu.memory_space<hbm>> -> memref<128xi32, #tpu.memory_space<hbm>>
      %dma_wait3A_92 = tpu.memref_slice %arg3[%add3A_76] : memref<327680xi32, #tpu.memory_space<hbm>> -> memref<128xi32, #tpu.memory_space<hbm>>
      tpu.wait_dma2 semaphore(%arg17 : memref<!tpu.dma_semaphore, #tpu.memory_space<semaphore_mem>>) src(%dma_wait3A_92 : memref<128xi32, #tpu.memory_space<hbm>>) dst(%arg8 : memref<128xi32, #tpu.memory_space<vmem>>)
      "tpu.region"() ({
        %run_scoped3A = tpu.sem_alloc : memref<!tpu.dma_semaphore, #tpu.memory_space<semaphore_mem>>
        %dma_start3A_130 = arith.constant 0 : i32
        %dma_start3A_131 = arith.constant 0 : i32
        %dma_start3A_132 = tpu.memref_slice %arg12[%dma_start3A_130, %dma_start3A_131] : memref<10240x128xf32, #tpu.memory_space<vmem_shared>> -> memref<10240x128xf32, #tpu.memory_space<vmem_shared>>
        tpu.enqueue_indirect_dma source(%arg10 : memref<128x128xf32, #tpu.memory_space<vmem>>) target(%dma_start3A_132 : memref<10240x128xf32, #tpu.memory_space<vmem_shared>>) offsets(%arg8 : memref<128xi32, #tpu.memory_space<vmem>>) semaphore(%run_scoped3A : memref<!tpu.dma_semaphore, #tpu.memory_space<semaphore_mem>>) {add = true}
        %dma_wait3A_133 = arith.constant 0 : i32
        %dma_wait3A_134 = arith.constant 0 : i32
        %dma_wait3A_135 = tpu.memref_slice %arg12[%dma_wait3A_133, %dma_wait3A_134] : memref<10240x128xf32, #tpu.memory_space<vmem_shared>> -> memref<10240x128xf32, #tpu.memory_space<vmem_shared>>
        tpu.wait_indirect_dma semaphore(%run_scoped3A : memref<!tpu.dma_semaphore, #tpu.memory_space<semaphore_mem>>) src(%arg10 : memref<128x128xf32, #tpu.memory_space<vmem>>) dst(%dma_wait3A_135 : memref<10240x128xf32, #tpu.memory_space<vmem_shared>>)
        tpu.yield
      }) : () -> ()
      %dma_start3A_93 = tpu.memref_slice %arg3[%add3A_85] : memref<327680xi32, #tpu.memory_space<hbm>> -> memref<128xi32, #tpu.memory_space<hbm>>
      %dma_start3A_94 = tpu.memref_slice %arg3[%add3A_85] : memref<327680xi32, #tpu.memory_space<hbm>> -> memref<128xi32, #tpu.memory_space<hbm>>
      tpu.enqueue_dma source(%dma_start3A_94 : memref<128xi32, #tpu.memory_space<hbm>>) target(%arg8 : memref<128xi32, #tpu.memory_space<vmem>>) target_semaphore(%arg17 : memref<!tpu.dma_semaphore, #tpu.memory_space<semaphore_mem>>)
      %dma_wait3A_95 = tpu.memref_slice %arg2[%add3A_85] : memref<327680xi32, #tpu.memory_space<hbm>> -> memref<128xi32, #tpu.memory_space<hbm>>
      %dma_wait3A_96 = tpu.memref_slice %arg2[%add3A_85] : memref<327680xi32, #tpu.memory_space<hbm>> -> memref<128xi32, #tpu.memory_space<hbm>>
      tpu.wait_dma2 semaphore(%arg15 : memref<!tpu.dma_semaphore, #tpu.memory_space<semaphore_mem>>) src(%dma_wait3A_96 : memref<128xi32, #tpu.memory_space<hbm>>) dst(%arg6 : memref<128xi32, #tpu.memory_space<vmem>>)
      %dma_start3A_97 = arith.constant 0 : i32
      %dma_start3A_98 = arith.constant 0 : i32
      %dma_start3A_99 = tpu.memref_slice %arg4[%dma_start3A_97, %dma_start3A_98] : memref<10240x128xf32, #tpu.memory_space<hbm>> -> memref<10240x128xf32, #tpu.memory_space<hbm>>
      tpu.enqueue_indirect_dma source(%dma_start3A_99 : memref<10240x128xf32, #tpu.memory_space<hbm>>) target(%arg10 : memref<128x128xf32, #tpu.memory_space<vmem>>) offsets(%arg6 : memref<128xi32, #tpu.memory_space<vmem>>) semaphore(%arg13 : memref<!tpu.dma_semaphore, #tpu.memory_space<semaphore_mem>>)
      %mul3A_100 = arith.constant 2 : i32
      %mul3A_101 = arith.muli %mul3A_100, %scan3A_69 : i32
      %add3A_102 = arith.constant 1 : i32
      %add3A_103 = arith.addi %mul3A_101, %add3A_102 : i32
      %mul3A_104 = arith.constant 128 : i32
      %mul3A_105 = arith.muli %add3A_103, %mul3A_104 : i32
      %add3A_106 = arith.addi %mul3A_27, %mul3A_105 : i32
      %add3A_107 = arith.constant 1 : i32
      %add3A_108 = arith.addi %scan3A_69, %add3A_107 : i32
      %mul3A_109 = arith.constant 2 : i32
      %mul3A_110 = arith.muli %add3A_108, %mul3A_109 : i32
      %add3A_111 = arith.constant 1 : i32
      %add3A_112 = arith.addi %mul3A_110, %add3A_111 : i32
      %mul3A_113 = arith.constant 128 : i32
      %mul3A_114 = arith.muli %add3A_112, %mul3A_113 : i32
      %add3A_115 = arith.addi %mul3A_27, %mul3A_114 : i32
      %dma_wait3A_116 = arith.constant 0 : i32
      %dma_wait3A_117 = arith.constant 0 : i32
      %dma_wait3A_118 = tpu.memref_slice %arg4[%dma_wait3A_116, %dma_wait3A_117] : memref<10240x128xf32, #tpu.memory_space<hbm>> -> memref<10240x128xf32, #tpu.memory_space<hbm>>
      tpu.wait_indirect_dma semaphore(%arg14 : memref<!tpu.dma_semaphore, #tpu.memory_space<semaphore_mem>>) src(%dma_wait3A_118 : memref<10240x128xf32, #tpu.memory_space<hbm>>) dst(%arg11 : memref<128x128xf32, #tpu.memory_space<vmem>>)
      %dma_start3A_119 = tpu.memref_slice %arg2[%add3A_115] : memref<327680xi32, #tpu.memory_space<hbm>> -> memref<128xi32, #tpu.memory_space<hbm>>
      %dma_start3A_120 = tpu.memref_slice %arg2[%add3A_115] : memref<327680xi32, #tpu.memory_space<hbm>> -> memref<128xi32, #tpu.memory_space<hbm>>
      tpu.enqueue_dma source(%dma_start3A_120 : memref<128xi32, #tpu.memory_space<hbm>>) target(%arg7 : memref<128xi32, #tpu.memory_space<vmem>>) target_semaphore(%arg16 : memref<!tpu.dma_semaphore, #tpu.memory_space<semaphore_mem>>)
      %dma_wait3A_121 = tpu.memref_slice %arg3[%add3A_106] : memref<327680xi32, #tpu.memory_space<hbm>> -> memref<128xi32, #tpu.memory_space<hbm>>
      %dma_wait3A_122 = tpu.memref_slice %arg3[%add3A_106] : memref<327680xi32, #tpu.memory_space<hbm>> -> memref<128xi32, #tpu.memory_space<hbm>>
      tpu.wait_dma2 semaphore(%arg18 : memref<!tpu.dma_semaphore, #tpu.memory_space<semaphore_mem>>) src(%dma_wait3A_122 : memref<128xi32, #tpu.memory_space<hbm>>) dst(%arg9 : memref<128xi32, #tpu.memory_space<vmem>>)
      "tpu.region"() ({
        %run_scoped3A = tpu.sem_alloc : memref<!tpu.dma_semaphore, #tpu.memory_space<semaphore_mem>>
        %dma_start3A_130 = arith.constant 0 : i32
        %dma_start3A_131 = arith.constant 0 : i32
        %dma_start3A_132 = tpu.memref_slice %arg12[%dma_start3A_130, %dma_start3A_131] : memref<10240x128xf32, #tpu.memory_space<vmem_shared>> -> memref<10240x128xf32, #tpu.memory_space<vmem_shared>>
        tpu.enqueue_indirect_dma source(%arg11 : memref<128x128xf32, #tpu.memory_space<vmem>>) target(%dma_start3A_132 : memref<10240x128xf32, #tpu.memory_space<vmem_shared>>) offsets(%arg9 : memref<128xi32, #tpu.memory_space<vmem>>) semaphore(%run_scoped3A : memref<!tpu.dma_semaphore, #tpu.memory_space<semaphore_mem>>) {add = true}
        %dma_wait3A_133 = arith.constant 0 : i32
        %dma_wait3A_134 = arith.constant 0 : i32
        %dma_wait3A_135 = tpu.memref_slice %arg12[%dma_wait3A_133, %dma_wait3A_134] : memref<10240x128xf32, #tpu.memory_space<vmem_shared>> -> memref<10240x128xf32, #tpu.memory_space<vmem_shared>>
        tpu.wait_indirect_dma semaphore(%run_scoped3A : memref<!tpu.dma_semaphore, #tpu.memory_space<semaphore_mem>>) src(%arg11 : memref<128x128xf32, #tpu.memory_space<vmem>>) dst(%dma_wait3A_135 : memref<10240x128xf32, #tpu.memory_space<vmem_shared>>)
        tpu.yield
      }) : () -> ()
      %dma_start3A_123 = tpu.memref_slice %arg3[%add3A_115] : memref<327680xi32, #tpu.memory_space<hbm>> -> memref<128xi32, #tpu.memory_space<hbm>>
      %dma_start3A_124 = tpu.memref_slice %arg3[%add3A_115] : memref<327680xi32, #tpu.memory_space<hbm>> -> memref<128xi32, #tpu.memory_space<hbm>>
      tpu.enqueue_dma source(%dma_start3A_124 : memref<128xi32, #tpu.memory_space<hbm>>) target(%arg9 : memref<128xi32, #tpu.memory_space<vmem>>) target_semaphore(%arg18 : memref<!tpu.dma_semaphore, #tpu.memory_space<semaphore_mem>>)
      %dma_wait3A_125 = tpu.memref_slice %arg2[%add3A_115] : memref<327680xi32, #tpu.memory_space<hbm>> -> memref<128xi32, #tpu.memory_space<hbm>>
      %dma_wait3A_126 = tpu.memref_slice %arg2[%add3A_115] : memref<327680xi32, #tpu.memory_space<hbm>> -> memref<128xi32, #tpu.memory_space<hbm>>
      tpu.wait_dma2 semaphore(%arg16 : memref<!tpu.dma_semaphore, #tpu.memory_space<semaphore_mem>>) src(%dma_wait3A_126 : memref<128xi32, #tpu.memory_space<hbm>>) dst(%arg7 : memref<128xi32, #tpu.memory_space<vmem>>)
      %dma_start3A_127 = arith.constant 0 : i32
      %dma_start3A_128 = arith.constant 0 : i32
      %dma_start3A_129 = tpu.memref_slice %arg4[%dma_start3A_127, %dma_start3A_128] : memref<10240x128xf32, #tpu.memory_space<hbm>> -> memref<10240x128xf32, #tpu.memory_space<hbm>>
      tpu.enqueue_indirect_dma source(%dma_start3A_129 : memref<10240x128xf32, #tpu.memory_space<hbm>>) target(%arg11 : memref<128x128xf32, #tpu.memory_space<vmem>>) offsets(%arg7 : memref<128xi32, #tpu.memory_space<vmem>>) semaphore(%arg14 : memref<!tpu.dma_semaphore, #tpu.memory_space<semaphore_mem>>)
    }
    %scan3A_50 = arith.constant 39 : i32
    %add3A_51 = arith.constant 9984 : i32
    %add3A_52 = arith.addi %mul3A_27, %add3A_51 : i32
    %dma_wait3A = arith.constant 0 : i32
    %dma_wait3A_53 = arith.constant 0 : i32
    %dma_wait3A_54 = tpu.memref_slice %arg4[%dma_wait3A, %dma_wait3A_53] : memref<10240x128xf32, #tpu.memory_space<hbm>> -> memref<10240x128xf32, #tpu.memory_space<hbm>>
    tpu.wait_indirect_dma semaphore(%arg13 : memref<!tpu.dma_semaphore, #tpu.memory_space<semaphore_mem>>) src(%dma_wait3A_54 : memref<10240x128xf32, #tpu.memory_space<hbm>>) dst(%arg10 : memref<128x128xf32, #tpu.memory_space<vmem>>)
    %dma_wait3A_55 = tpu.memref_slice %arg3[%add3A_52] : memref<327680xi32, #tpu.memory_space<hbm>> -> memref<128xi32, #tpu.memory_space<hbm>>
    %dma_wait3A_56 = tpu.memref_slice %arg3[%add3A_52] : memref<327680xi32, #tpu.memory_space<hbm>> -> memref<128xi32, #tpu.memory_space<hbm>>
    tpu.wait_dma2 semaphore(%arg17 : memref<!tpu.dma_semaphore, #tpu.memory_space<semaphore_mem>>) src(%dma_wait3A_56 : memref<128xi32, #tpu.memory_space<hbm>>) dst(%arg8 : memref<128xi32, #tpu.memory_space<vmem>>)
    "tpu.region"() ({
      %run_scoped3A = tpu.sem_alloc : memref<!tpu.dma_semaphore, #tpu.memory_space<semaphore_mem>>
      %dma_start3A_69 = arith.constant 0 : i32
      %dma_start3A_70 = arith.constant 0 : i32
      %dma_start3A_71 = tpu.memref_slice %arg12[%dma_start3A_69, %dma_start3A_70] : memref<10240x128xf32, #tpu.memory_space<vmem_shared>> -> memref<10240x128xf32, #tpu.memory_space<vmem_shared>>
      tpu.enqueue_indirect_dma source(%arg10 : memref<128x128xf32, #tpu.memory_space<vmem>>) target(%dma_start3A_71 : memref<10240x128xf32, #tpu.memory_space<vmem_shared>>) offsets(%arg8 : memref<128xi32, #tpu.memory_space<vmem>>) semaphore(%run_scoped3A : memref<!tpu.dma_semaphore, #tpu.memory_space<semaphore_mem>>) {add = true}
      %dma_wait3A_72 = arith.constant 0 : i32
      %dma_wait3A_73 = arith.constant 0 : i32
      %dma_wait3A_74 = tpu.memref_slice %arg12[%dma_wait3A_72, %dma_wait3A_73] : memref<10240x128xf32, #tpu.memory_space<vmem_shared>> -> memref<10240x128xf32, #tpu.memory_space<vmem_shared>>
      tpu.wait_indirect_dma semaphore(%run_scoped3A : memref<!tpu.dma_semaphore, #tpu.memory_space<semaphore_mem>>) src(%arg10 : memref<128x128xf32, #tpu.memory_space<vmem>>) dst(%dma_wait3A_74 : memref<10240x128xf32, #tpu.memory_space<vmem_shared>>)
      tpu.yield
    }) : () -> ()
    %add3A_57 = arith.constant 10112 : i32
    %add3A_58 = arith.addi %mul3A_27, %add3A_57 : i32
    %dma_wait3A_59 = arith.constant 0 : i32
    %dma_wait3A_60 = arith.constant 0 : i32
    %dma_wait3A_61 = tpu.memref_slice %arg4[%dma_wait3A_59, %dma_wait3A_60] : memref<10240x128xf32, #tpu.memory_space<hbm>> -> memref<10240x128xf32, #tpu.memory_space<hbm>>
    tpu.wait_indirect_dma semaphore(%arg14 : memref<!tpu.dma_semaphore, #tpu.memory_space<semaphore_mem>>) src(%dma_wait3A_61 : memref<10240x128xf32, #tpu.memory_space<hbm>>) dst(%arg11 : memref<128x128xf32, #tpu.memory_space<vmem>>)
    %dma_wait3A_62 = tpu.memref_slice %arg3[%add3A_58] : memref<327680xi32, #tpu.memory_space<hbm>> -> memref<128xi32, #tpu.memory_space<hbm>>
    %dma_wait3A_63 = tpu.memref_slice %arg3[%add3A_58] : memref<327680xi32, #tpu.memory_space<hbm>> -> memref<128xi32, #tpu.memory_space<hbm>>
    tpu.wait_dma2 semaphore(%arg18 : memref<!tpu.dma_semaphore, #tpu.memory_space<semaphore_mem>>) src(%dma_wait3A_63 : memref<128xi32, #tpu.memory_space<hbm>>) dst(%arg9 : memref<128xi32, #tpu.memory_space<vmem>>)
    "tpu.region"() ({
      %run_scoped3A = tpu.sem_alloc : memref<!tpu.dma_semaphore, #tpu.memory_space<semaphore_mem>>
      %dma_start3A_69 = arith.constant 0 : i32
      %dma_start3A_70 = arith.constant 0 : i32
      %dma_start3A_71 = tpu.memref_slice %arg12[%dma_start3A_69, %dma_start3A_70] : memref<10240x128xf32, #tpu.memory_space<vmem_shared>> -> memref<10240x128xf32, #tpu.memory_space<vmem_shared>>
      tpu.enqueue_indirect_dma source(%arg11 : memref<128x128xf32, #tpu.memory_space<vmem>>) target(%dma_start3A_71 : memref<10240x128xf32, #tpu.memory_space<vmem_shared>>) offsets(%arg9 : memref<128xi32, #tpu.memory_space<vmem>>) semaphore(%run_scoped3A : memref<!tpu.dma_semaphore, #tpu.memory_space<semaphore_mem>>) {add = true}
      %dma_wait3A_72 = arith.constant 0 : i32
      %dma_wait3A_73 = arith.constant 0 : i32
      %dma_wait3A_74 = tpu.memref_slice %arg12[%dma_wait3A_72, %dma_wait3A_73] : memref<10240x128xf32, #tpu.memory_space<vmem_shared>> -> memref<10240x128xf32, #tpu.memory_space<vmem_shared>>
      tpu.wait_indirect_dma semaphore(%run_scoped3A : memref<!tpu.dma_semaphore, #tpu.memory_space<semaphore_mem>>) src(%arg11 : memref<128x128xf32, #tpu.memory_space<vmem>>) dst(%dma_wait3A_74 : memref<10240x128xf32, #tpu.memory_space<vmem_shared>>)
      tpu.yield
    }) : () -> ()
    %barrier3A_64 = arith.constant 0 : index
    tpu.barrier barrier_id(%barrier3A_64)
    %mul3A_65 = arith.constant 640 : i32
    %mul3A_66 = arith.muli %arg1, %mul3A_65 : i32
    %mul3A_67 = arith.constant 640 : i32
    %mul3A_68 = arith.muli %arg1, %mul3A_67 : i32
    "tpu.region"() ({
      %run_scoped3A = tpu.sem_alloc : memref<!tpu.dma_semaphore, #tpu.memory_space<semaphore_mem>>
      %dma_start3A_69 = arith.constant 0 : i32
      %dma_start3A_70 = tpu.memref_slice %arg5[%arg0, %mul3A_68, %dma_start3A_69] : memref<2x10240x128xf32, #tpu.memory_space<hbm>> -> memref<1x640x128xf32, #tpu.memory_space<hbm>>
      %dma_start3A_71 = tpu.memref_squeeze %dma_start3A_70 : memref<1x640x128xf32, #tpu.memory_space<hbm>> -> memref<640x128xf32, #tpu.memory_space<hbm>>
      %dma_start3A_72 = arith.constant 0 : i32
      %dma_start3A_73 = tpu.memref_slice %arg12[%mul3A_66, %dma_start3A_72] : memref<10240x128xf32, #tpu.memory_space<vmem_shared>> -> memref<640x128xf32, #tpu.memory_space<vmem_shared>>
      tpu.enqueue_dma source(%dma_start3A_73 : memref<640x128xf32, #tpu.memory_space<vmem_shared>>) target(%dma_start3A_71 : memref<640x128xf32, #tpu.memory_space<hbm>>) target_semaphore(%run_scoped3A : memref<!tpu.dma_semaphore, #tpu.memory_space<semaphore_mem>>)
      %dma_wait3A_74 = arith.constant 0 : i32
      %dma_wait3A_75 = tpu.memref_slice %arg5[%arg0, %mul3A_68, %dma_wait3A_74] : memref<2x10240x128xf32, #tpu.memory_space<hbm>> -> memref<1x640x128xf32, #tpu.memory_space<hbm>>
      %dma_wait3A_76 = tpu.memref_squeeze %dma_wait3A_75 : memref<1x640x128xf32, #tpu.memory_space<hbm>> -> memref<640x128xf32, #tpu.memory_space<hbm>>
      %dma_wait3A_77 = arith.constant 0 : i32
      %dma_wait3A_78 = tpu.memref_slice %arg12[%mul3A_66, %dma_wait3A_77] : memref<10240x128xf32, #tpu.memory_space<vmem_shared>> -> memref<640x128xf32, #tpu.memory_space<vmem_shared>>
      tpu.wait_dma2 semaphore(%run_scoped3A : memref<!tpu.dma_semaphore, #tpu.memory_space<semaphore_mem>>) src(%dma_wait3A_78 : memref<640x128xf32, #tpu.memory_space<vmem_shared>>) dst(%dma_wait3A_76 : memref<640x128xf32, #tpu.memory_space<hbm>>)
      tpu.yield
    }) : () -> ()
    return
  }
}

#map = affine_map<(d0, d1) -> (0)>
#map1 = affine_map<(d0, d1) -> (0, 0)>
#map2 = affine_map<(d0, d1) -> (0, 0, 0)>
module attributes {stable_mosaic.version = 14 : i64} {
  func.func @_scat_body(%arg0: i32, %arg1: i32, %arg2: memref<327680xi32, #tpu.memory_space<hbm>>, %arg3: memref<327680xi32, #tpu.memory_space<hbm>>, %arg4: memref<10240x128xf32, #tpu.memory_space<hbm>>, %arg5: memref<2x10240x128xf32, #tpu.memory_space<hbm>>, %arg6: memref<128xi32, #tpu.memory_space<vmem>>, %arg7: memref<128xi32, #tpu.memory_space<vmem>>, %arg8: memref<128xi32, #tpu.memory_space<vmem>>, %arg9: memref<128xi32, #tpu.memory_space<vmem>>, %arg10: memref<128x128xf32, #tpu.memory_space<vmem>>, %arg11: memref<128x128xf32, #tpu.memory_space<vmem>>, %arg12: memref<10240x128xf32, #tpu.memory_space<vmem_shared>>, %arg13: memref<!tpu.dma_semaphore, #tpu.memory_space<semaphore_mem>>, %arg14: memref<!tpu.dma_semaphore, #tpu.memory_space<semaphore_mem>>, %arg15: memref<!tpu.dma_semaphore, #tpu.memory_space<semaphore_mem>>, %arg16: memref<!tpu.dma_semaphore, #tpu.memory_space<semaphore_mem>>, %arg17: memref<!tpu.dma_semaphore, #tpu.memory_space<semaphore_mem>>, %arg18: memref<!tpu.dma_semaphore, #tpu.memory_space<semaphore_mem>>) attributes {dimension_semantics = [#tpu.dimension_semantics<core_parallel>, #tpu.dimension_semantics<subcore_parallel>], iteration_bounds = array<i64: 2, 16>, scalar_prefetch = 0 : i64, scratch_operands = 13 : i64, tpu.core_type = #tpu.core_type<sc_vector_subcore>, window_params = [{transform_indices = #map}, {transform_indices = #map}, {transform_indices = #map1}, {transform_indices = #map2}]} {
    %mul3A = arith.constant 16 : i32
    %mul3A_0 = arith.muli %arg0, %mul3A : i32
    %add3A = arith.addi %mul3A_0, %arg1 : i32
    %scan3A = arith.constant 0 : i32
    %scan3A_1 = arith.constant 0 : i32
    %scan3A_2 = arith.constant 128 : i32
    %scan3A_3 = arith.addi %scan3A_1, %scan3A_2 : i32
    %scan3A_4 = arith.constant 1 : i32
    scf.for %scan3A_69 = %scan3A_1 to %scan3A_3 step %scan3A_4  : i32 {
      %broadcast_in_dim3A = arith.constant 0.000000e+00 : f32
      %broadcast_in_dim3A_70 = vector.broadcast %broadcast_in_dim3A : f32 to vector<16xf32>
      %swap3A = arith.index_cast %scan3A_69 : i32 to index
      %swap3A_71 = arith.constant 0 : index
      %swap3A_72 = tpu.vector_load %arg10[%swap3A, %swap3A_71] {strides = array<i32>} : memref<128x128xf32, #tpu.memory_space<vmem>>, vector<1x16xf32>,
      %swap3A_73 = vector.shape_cast %swap3A_72 : vector<1x16xf32> to vector<16xf32>
      %swap3A_74 = vector.shape_cast %broadcast_in_dim3A_70 : vector<16xf32> to vector<1x16xf32>
      tpu.vector_store %arg10[%swap3A, %swap3A_71], %swap3A_74 {strides = array<i32>} : memref<128x128xf32, #tpu.memory_space<vmem>>, vector<1x16xf32>,
      %broadcast_in_dim3A_75 = arith.constant 0.000000e+00 : f32
      %broadcast_in_dim3A_76 = vector.broadcast %broadcast_in_dim3A_75 : f32 to vector<16xf32>
      %swap3A_77 = arith.index_cast %scan3A_69 : i32 to index
      %swap3A_78 = arith.constant 16 : index
      %swap3A_79 = tpu.vector_load %arg10[%swap3A_77, %swap3A_78] {strides = array<i32>} : memref<128x128xf32, #tpu.memory_space<vmem>>, vector<1x16xf32>,
      %swap3A_80 = vector.shape_cast %swap3A_79 : vector<1x16xf32> to vector<16xf32>
      %swap3A_81 = vector.shape_cast %broadcast_in_dim3A_76 : vector<16xf32> to vector<1x16xf32>
      tpu.vector_store %arg10[%swap3A_77, %swap3A_78], %swap3A_81 {strides = array<i32>} : memref<128x128xf32, #tpu.memory_space<vmem>>, vector<1x16xf32>,
      %broadcast_in_dim3A_82 = arith.constant 0.000000e+00 : f32
      %broadcast_in_dim3A_83 = vector.broadcast %broadcast_in_dim3A_82 : f32 to vector<16xf32>
      %swap3A_84 = arith.index_cast %scan3A_69 : i32 to index
      %swap3A_85 = arith.constant 32 : index
      %swap3A_86 = tpu.vector_load %arg10[%swap3A_84, %swap3A_85] {strides = array<i32>} : memref<128x128xf32, #tpu.memory_space<vmem>>, vector<1x16xf32>,
      %swap3A_87 = vector.shape_cast %swap3A_86 : vector<1x16xf32> to vector<16xf32>
      %swap3A_88 = vector.shape_cast %broadcast_in_dim3A_83 : vector<16xf32> to vector<1x16xf32>
      tpu.vector_store %arg10[%swap3A_84, %swap3A_85], %swap3A_88 {strides = array<i32>} : memref<128x128xf32, #tpu.memory_space<vmem>>, vector<1x16xf32>,
      %broadcast_in_dim3A_89 = arith.constant 0.000000e+00 : f32
      %broadcast_in_dim3A_90 = vector.broadcast %broadcast_in_dim3A_89 : f32 to vector<16xf32>
      %swap3A_91 = arith.index_cast %scan3A_69 : i32 to index
      %swap3A_92 = arith.constant 48 : index
      %swap3A_93 = tpu.vector_load %arg10[%swap3A_91, %swap3A_92] {strides = array<i32>} : memref<128x128xf32, #tpu.memory_space<vmem>>, vector<1x16xf32>,
      %swap3A_94 = vector.shape_cast %swap3A_93 : vector<1x16xf32> to vector<16xf32>
      %swap3A_95 = vector.shape_cast %broadcast_in_dim3A_90 : vector<16xf32> to vector<1x16xf32>
      tpu.vector_store %arg10[%swap3A_91, %swap3A_92], %swap3A_95 {strides = array<i32>} : memref<128x128xf32, #tpu.memory_space<vmem>>, vector<1x16xf32>,
      %broadcast_in_dim3A_96 = arith.constant 0.000000e+00 : f32
      %broadcast_in_dim3A_97 = vector.broadcast %broadcast_in_dim3A_96 : f32 to vector<16xf32>
      %swap3A_98 = arith.index_cast %scan3A_69 : i32 to index
      %swap3A_99 = arith.constant 64 : index
      %swap3A_100 = tpu.vector_load %arg10[%swap3A_98, %swap3A_99] {strides = array<i32>} : memref<128x128xf32, #tpu.memory_space<vmem>>, vector<1x16xf32>,
      %swap3A_101 = vector.shape_cast %swap3A_100 : vector<1x16xf32> to vector<16xf32>
      %swap3A_102 = vector.shape_cast %broadcast_in_dim3A_97 : vector<16xf32> to vector<1x16xf32>
      tpu.vector_store %arg10[%swap3A_98, %swap3A_99], %swap3A_102 {strides = array<i32>} : memref<128x128xf32, #tpu.memory_space<vmem>>, vector<1x16xf32>,
      %broadcast_in_dim3A_103 = arith.constant 0.000000e+00 : f32
      %broadcast_in_dim3A_104 = vector.broadcast %broadcast_in_dim3A_103 : f32 to vector<16xf32>
      %swap3A_105 = arith.index_cast %scan3A_69 : i32 to index
      %swap3A_106 = arith.constant 80 : index
      %swap3A_107 = tpu.vector_load %arg10[%swap3A_105, %swap3A_106] {strides = array<i32>} : memref<128x128xf32, #tpu.memory_space<vmem>>, vector<1x16xf32>,
      %swap3A_108 = vector.shape_cast %swap3A_107 : vector<1x16xf32> to vector<16xf32>
      %swap3A_109 = vector.shape_cast %broadcast_in_dim3A_104 : vector<16xf32> to vector<1x16xf32>
      tpu.vector_store %arg10[%swap3A_105, %swap3A_106], %swap3A_109 {strides = array<i32>} : memref<128x128xf32, #tpu.memory_space<vmem>>, vector<1x16xf32>,
      %broadcast_in_dim3A_110 = arith.constant 0.000000e+00 : f32
      %broadcast_in_dim3A_111 = vector.broadcast %broadcast_in_dim3A_110 : f32 to vector<16xf32>
      %swap3A_112 = arith.index_cast %scan3A_69 : i32 to index
      %swap3A_113 = arith.constant 96 : index
      %swap3A_114 = tpu.vector_load %arg10[%swap3A_112, %swap3A_113] {strides = array<i32>} : memref<128x128xf32, #tpu.memory_space<vmem>>, vector<1x16xf32>,
      %swap3A_115 = vector.shape_cast %swap3A_114 : vector<1x16xf32> to vector<16xf32>
      %swap3A_116 = vector.shape_cast %broadcast_in_dim3A_111 : vector<16xf32> to vector<1x16xf32>
      tpu.vector_store %arg10[%swap3A_112, %swap3A_113], %swap3A_116 {strides = array<i32>} : memref<128x128xf32, #tpu.memory_space<vmem>>, vector<1x16xf32>,
      %broadcast_in_dim3A_117 = arith.constant 0.000000e+00 : f32
      %broadcast_in_dim3A_118 = vector.broadcast %broadcast_in_dim3A_117 : f32 to vector<16xf32>
      %swap3A_119 = arith.index_cast %scan3A_69 : i32 to index
      %swap3A_120 = arith.constant 112 : index
      %swap3A_121 = tpu.vector_load %arg10[%swap3A_119, %swap3A_120] {strides = array<i32>} : memref<128x128xf32, #tpu.memory_space<vmem>>, vector<1x16xf32>,
      %swap3A_122 = vector.shape_cast %swap3A_121 : vector<1x16xf32> to vector<16xf32>
      %swap3A_123 = vector.shape_cast %broadcast_in_dim3A_118 : vector<16xf32> to vector<1x16xf32>
      tpu.vector_store %arg10[%swap3A_119, %swap3A_120], %swap3A_123 {strides = array<i32>} : memref<128x128xf32, #tpu.memory_space<vmem>>, vector<1x16xf32>,
    }
    %scan3A_5 = arith.constant 128 : i32
    %mul3A_6 = arith.constant 640 : i32
    %mul3A_7 = arith.muli %arg1, %mul3A_6 : i32
    %add3A_8 = arith.constant 0 : i32
    %add3A_9 = arith.addi %mul3A_7, %add3A_8 : i32
    "tpu.region"() ({
      %run_scoped3A = tpu.sem_alloc : memref<!tpu.dma_semaphore, #tpu.memory_space<semaphore_mem>>
      %dma_start3A_69 = arith.constant 0 : i32
      %dma_start3A_70 = tpu.memref_slice %arg12[%add3A_9, %dma_start3A_69] : memref<10240x128xf32, #tpu.memory_space<vmem_shared>> -> memref<128x128xf32, #tpu.memory_space<vmem_shared>>
      %dma_start3A_71 = arith.constant 0 : i32
      %dma_start3A_72 = tpu.memref_slice %arg12[%add3A_9, %dma_start3A_71] : memref<10240x128xf32, #tpu.memory_space<vmem_shared>> -> memref<128x128xf32, #tpu.memory_space<vmem_shared>>
      tpu.enqueue_dma source(%arg10 : memref<128x128xf32, #tpu.memory_space<vmem>>) target(%dma_start3A_72 : memref<128x128xf32, #tpu.memory_space<vmem_shared>>) target_semaphore(%run_scoped3A : memref<!tpu.dma_semaphore, #tpu.memory_space<semaphore_mem>>)
      %dma_wait3A_73 = arith.constant 0 : i32
      %dma_wait3A_74 = tpu.memref_slice %arg12[%add3A_9, %dma_wait3A_73] : memref<10240x128xf32, #tpu.memory_space<vmem_shared>> -> memref<128x128xf32, #tpu.memory_space<vmem_shared>>
      %dma_wait3A_75 = arith.constant 0 : i32
      %dma_wait3A_76 = tpu.memref_slice %arg12[%add3A_9, %dma_wait3A_75] : memref<10240x128xf32, #tpu.memory_space<vmem_shared>> -> memref<128x128xf32, #tpu.memory_space<vmem_shared>>
      tpu.wait_dma2 semaphore(%run_scoped3A : memref<!tpu.dma_semaphore, #tpu.memory_space<semaphore_mem>>) src(%arg10 : memref<128x128xf32, #tpu.memory_space<vmem>>) dst(%dma_wait3A_76 : memref<128x128xf32, #tpu.memory_space<vmem_shared>>)
      tpu.yield
    }) : () -> ()
    %mul3A_10 = arith.constant 640 : i32
    %mul3A_11 = arith.muli %arg1, %mul3A_10 : i32
    %add3A_12 = arith.constant 128 : i32
    %add3A_13 = arith.addi %mul3A_11, %add3A_12 : i32
    "tpu.region"() ({
      %run_scoped3A = tpu.sem_alloc : memref<!tpu.dma_semaphore, #tpu.memory_space<semaphore_mem>>
      %dma_start3A_69 = arith.constant 0 : i32
      %dma_start3A_70 = tpu.memref_slice %arg12[%add3A_13, %dma_start3A_69] : memref<10240x128xf32, #tpu.memory_space<vmem_shared>> -> memref<128x128xf32, #tpu.memory_space<vmem_shared>>
      %dma_start3A_71 = arith.constant 0 : i32
      %dma_start3A_72 = tpu.memref_slice %arg12[%add3A_13, %dma_start3A_71] : memref<10240x128xf32, #tpu.memory_space<vmem_shared>> -> memref<128x128xf32, #tpu.memory_space<vmem_shared>>
      tpu.enqueue_dma source(%arg10 : memref<128x128xf32, #tpu.memory_space<vmem>>) target(%dma_start3A_72 : memref<128x128xf32, #tpu.memory_space<vmem_shared>>) target_semaphore(%run_scoped3A : memref<!tpu.dma_semaphore, #tpu.memory_space<semaphore_mem>>)
      %dma_wait3A_73 = arith.constant 0 : i32
      %dma_wait3A_74 = tpu.memref_slice %arg12[%add3A_13, %dma_wait3A_73] : memref<10240x128xf32, #tpu.memory_space<vmem_shared>> -> memref<128x128xf32, #tpu.memory_space<vmem_shared>>
      %dma_wait3A_75 = arith.constant 0 : i32
      %dma_wait3A_76 = tpu.memref_slice %arg12[%add3A_13, %dma_wait3A_75] : memref<10240x128xf32, #tpu.memory_space<vmem_shared>> -> memref<128x128xf32, #tpu.memory_space<vmem_shared>>
      tpu.wait_dma2 semaphore(%run_scoped3A : memref<!tpu.dma_semaphore, #tpu.memory_space<semaphore_mem>>) src(%arg10 : memref<128x128xf32, #tpu.memory_space<vmem>>) dst(%dma_wait3A_76 : memref<128x128xf32, #tpu.memory_space<vmem_shared>>)
      tpu.yield
    }) : () -> ()
    %mul3A_14 = arith.constant 640 : i32
    %mul3A_15 = arith.muli %arg1, %mul3A_14 : i32
    %add3A_16 = arith.constant 256 : i32
    %add3A_17 = arith.addi %mul3A_15, %add3A_16 : i32
    "tpu.region"() ({
      %run_scoped3A = tpu.sem_alloc : memref<!tpu.dma_semaphore, #tpu.memory_space<semaphore_mem>>
      %dma_start3A_69 = arith.constant 0 : i32
      %dma_start3A_70 = tpu.memref_slice %arg12[%add3A_17, %dma_start3A_69] : memref<10240x128xf32, #tpu.memory_space<vmem_shared>> -> memref<128x128xf32, #tpu.memory_space<vmem_shared>>
      %dma_start3A_71 = arith.constant 0 : i32
      %dma_start3A_72 = tpu.memref_slice %arg12[%add3A_17, %dma_start3A_71] : memref<10240x128xf32, #tpu.memory_space<vmem_shared>> -> memref<128x128xf32, #tpu.memory_space<vmem_shared>>
      tpu.enqueue_dma source(%arg10 : memref<128x128xf32, #tpu.memory_space<vmem>>) target(%dma_start3A_72 : memref<128x128xf32, #tpu.memory_space<vmem_shared>>) target_semaphore(%run_scoped3A : memref<!tpu.dma_semaphore, #tpu.memory_space<semaphore_mem>>)
      %dma_wait3A_73 = arith.constant 0 : i32
      %dma_wait3A_74 = tpu.memref_slice %arg12[%add3A_17, %dma_wait3A_73] : memref<10240x128xf32, #tpu.memory_space<vmem_shared>> -> memref<128x128xf32, #tpu.memory_space<vmem_shared>>
      %dma_wait3A_75 = arith.constant 0 : i32
      %dma_wait3A_76 = tpu.memref_slice %arg12[%add3A_17, %dma_wait3A_75] : memref<10240x128xf32, #tpu.memory_space<vmem_shared>> -> memref<128x128xf32, #tpu.memory_space<vmem_shared>>
      tpu.wait_dma2 semaphore(%run_scoped3A : memref<!tpu.dma_semaphore, #tpu.memory_space<semaphore_mem>>) src(%arg10 : memref<128x128xf32, #tpu.memory_space<vmem>>) dst(%dma_wait3A_76 : memref<128x128xf32, #tpu.memory_space<vmem_shared>>)
      tpu.yield
    }) : () -> ()
    %mul3A_18 = arith.constant 640 : i32
    %mul3A_19 = arith.muli %arg1, %mul3A_18 : i32
    %add3A_20 = arith.constant 384 : i32
    %add3A_21 = arith.addi %mul3A_19, %add3A_20 : i32
    "tpu.region"() ({
      %run_scoped3A = tpu.sem_alloc : memref<!tpu.dma_semaphore, #tpu.memory_space<semaphore_mem>>
      %dma_start3A_69 = arith.constant 0 : i32
      %dma_start3A_70 = tpu.memref_slice %arg12[%add3A_21, %dma_start3A_69] : memref<10240x128xf32, #tpu.memory_space<vmem_shared>> -> memref<128x128xf32, #tpu.memory_space<vmem_shared>>
      %dma_start3A_71 = arith.constant 0 : i32
      %dma_start3A_72 = tpu.memref_slice %arg12[%add3A_21, %dma_start3A_71] : memref<10240x128xf32, #tpu.memory_space<vmem_shared>> -> memref<128x128xf32, #tpu.memory_space<vmem_shared>>
      tpu.enqueue_dma source(%arg10 : memref<128x128xf32, #tpu.memory_space<vmem>>) target(%dma_start3A_72 : memref<128x128xf32, #tpu.memory_space<vmem_shared>>) target_semaphore(%run_scoped3A : memref<!tpu.dma_semaphore, #tpu.memory_space<semaphore_mem>>)
      %dma_wait3A_73 = arith.constant 0 : i32
      %dma_wait3A_74 = tpu.memref_slice %arg12[%add3A_21, %dma_wait3A_73] : memref<10240x128xf32, #tpu.memory_space<vmem_shared>> -> memref<128x128xf32, #tpu.memory_space<vmem_shared>>
      %dma_wait3A_75 = arith.constant 0 : i32
      %dma_wait3A_76 = tpu.memref_slice %arg12[%add3A_21, %dma_wait3A_75] : memref<10240x128xf32, #tpu.memory_space<vmem_shared>> -> memref<128x128xf32, #tpu.memory_space<vmem_shared>>
      tpu.wait_dma2 semaphore(%run_scoped3A : memref<!tpu.dma_semaphore, #tpu.memory_space<semaphore_mem>>) src(%arg10 : memref<128x128xf32, #tpu.memory_space<vmem>>) dst(%dma_wait3A_76 : memref<128x128xf32, #tpu.memory_space<vmem_shared>>)
      tpu.yield
    }) : () -> ()
    %mul3A_22 = arith.constant 640 : i32
    %mul3A_23 = arith.muli %arg1, %mul3A_22 : i32
    %add3A_24 = arith.constant 512 : i32
    %add3A_25 = arith.addi %mul3A_23, %add3A_24 : i32
    "tpu.region"() ({
      %run_scoped3A = tpu.sem_alloc : memref<!tpu.dma_semaphore, #tpu.memory_space<semaphore_mem>>
      %dma_start3A_69 = arith.constant 0 : i32
      %dma_start3A_70 = tpu.memref_slice %arg12[%add3A_25, %dma_start3A_69] : memref<10240x128xf32, #tpu.memory_space<vmem_shared>> -> memref<128x128xf32, #tpu.memory_space<vmem_shared>>
      %dma_start3A_71 = arith.constant 0 : i32
      %dma_start3A_72 = tpu.memref_slice %arg12[%add3A_25, %dma_start3A_71] : memref<10240x128xf32, #tpu.memory_space<vmem_shared>> -> memref<128x128xf32, #tpu.memory_space<vmem_shared>>
      tpu.enqueue_dma source(%arg10 : memref<128x128xf32, #tpu.memory_space<vmem>>) target(%dma_start3A_72 : memref<128x128xf32, #tpu.memory_space<vmem_shared>>) target_semaphore(%run_scoped3A : memref<!tpu.dma_semaphore, #tpu.memory_space<semaphore_mem>>)
      %dma_wait3A_73 = arith.constant 0 : i32
      %dma_wait3A_74 = tpu.memref_slice %arg12[%add3A_25, %dma_wait3A_73] : memref<10240x128xf32, #tpu.memory_space<vmem_shared>> -> memref<128x128xf32, #tpu.memory_space<vmem_shared>>
      %dma_wait3A_75 = arith.constant 0 : i32
      %dma_wait3A_76 = tpu.memref_slice %arg12[%add3A_25, %dma_wait3A_75] : memref<10240x128xf32, #tpu.memory_space<vmem_shared>> -> memref<128x128xf32, #tpu.memory_space<vmem_shared>>
      tpu.wait_dma2 semaphore(%run_scoped3A : memref<!tpu.dma_semaphore, #tpu.memory_space<semaphore_mem>>) src(%arg10 : memref<128x128xf32, #tpu.memory_space<vmem>>) dst(%dma_wait3A_76 : memref<128x128xf32, #tpu.memory_space<vmem_shared>>)
      tpu.yield
    }) : () -> ()
    %barrier3A = arith.constant 0 : index
    tpu.barrier barrier_id(%barrier3A)
    %mul3A_26 = arith.constant 10240 : i32
    %mul3A_27 = arith.muli %add3A, %mul3A_26 : i32
    %add3A_28 = arith.constant 0 : i32
    %add3A_29 = arith.addi %mul3A_27, %add3A_28 : i32
    "tpu.region"() ({
      %run_scoped3A = tpu.sem_alloc : memref<!tpu.dma_semaphore, #tpu.memory_space<semaphore_mem>>
      %dma_start3A_69 = tpu.memref_slice %arg2[%add3A_29] : memref<327680xi32, #tpu.memory_space<hbm>> -> memref<128xi32, #tpu.memory_space<hbm>>
      %dma_start3A_70 = tpu.memref_slice %arg2[%add3A_29] : memref<327680xi32, #tpu.memory_space<hbm>> -> memref<128xi32, #tpu.memory_space<hbm>>
      tpu.enqueue_dma source(%dma_start3A_70 : memref<128xi32, #tpu.memory_space<hbm>>) target(%arg6 : memref<128xi32, #tpu.memory_space<vmem>>) target_semaphore(%run_scoped3A : memref<!tpu.dma_semaphore, #tpu.memory_space<semaphore_mem>>)
      %dma_wait3A_71 = tpu.memref_slice %arg2[%add3A_29] : memref<327680xi32, #tpu.memory_space<hbm>> -> memref<128xi32, #tpu.memory_space<hbm>>
      %dma_wait3A_72 = tpu.memref_slice %arg2[%add3A_29] : memref<327680xi32, #tpu.memory_space<hbm>> -> memref<128xi32, #tpu.memory_space<hbm>>
      tpu.wait_dma2 semaphore(%run_scoped3A : memref<!tpu.dma_semaphore, #tpu.memory_space<semaphore_mem>>) src(%dma_wait3A_72 : memref<128xi32, #tpu.memory_space<hbm>>) dst(%arg6 : memref<128xi32, #tpu.memory_space<vmem>>)
      tpu.yield
    }) : () -> ()
    %add3A_30 = arith.constant 0 : i32
    %add3A_31 = arith.addi %mul3A_27, %add3A_30 : i32
    %dma_start3A = tpu.memref_slice %arg3[%add3A_31] : memref<327680xi32, #tpu.memory_space<hbm>> -> memref<128xi32, #tpu.memory_space<hbm>>
    %dma_start3A_32 = tpu.memref_slice %arg3[%add3A_31] : memref<327680xi32, #tpu.memory_space<hbm>> -> memref<128xi32, #tpu.memory_space<hbm>>
    tpu.enqueue_dma source(%dma_start3A_32 : memref<128xi32, #tpu.memory_space<hbm>>) target(%arg8 : memref<128xi32, #tpu.memory_space<vmem>>) target_semaphore(%arg17 : memref<!tpu.dma_semaphore, #tpu.memory_space<semaphore_mem>>)
    %dma_start3A_33 = arith.constant 0 : i32
    %dma_start3A_34 = arith.constant 0 : i32
    %dma_start3A_35 = tpu.memref_slice %arg4[%dma_start3A_33, %dma_start3A_34] : memref<10240x128xf32, #tpu.memory_space<hbm>> -> memref<10240x128xf32, #tpu.memory_space<hbm>>
    tpu.enqueue_indirect_dma source(%dma_start3A_35 : memref<10240x128xf32, #tpu.memory_space<hbm>>) target(%arg10 : memref<128x128xf32, #tpu.memory_space<vmem>>) offsets(%arg6 : memref<128xi32, #tpu.memory_space<vmem>>) semaphore(%arg13 : memref<!tpu.dma_semaphore, #tpu.memory_space<semaphore_mem>>)
    %add3A_36 = arith.constant 128 : i32
    %add3A_37 = arith.addi %mul3A_27, %add3A_36 : i32
    "tpu.region"() ({
      %run_scoped3A = tpu.sem_alloc : memref<!tpu.dma_semaphore, #tpu.memory_space<semaphore_mem>>
      %dma_start3A_69 = tpu.memref_slice %arg2[%add3A_37] : memref<327680xi32, #tpu.memory_space<hbm>> -> memref<128xi32, #tpu.memory_space<hbm>>
      %dma_start3A_70 = tpu.memref_slice %arg2[%add3A_37] : memref<327680xi32, #tpu.memory_space<hbm>> -> memref<128xi32, #tpu.memory_space<hbm>>
      tpu.enqueue_dma source(%dma_start3A_70 : memref<128xi32, #tpu.memory_space<hbm>>) target(%arg7 : memref<128xi32, #tpu.memory_space<vmem>>) target_semaphore(%run_scoped3A : memref<!tpu.dma_semaphore, #tpu.memory_space<semaphore_mem>>)
      %dma_wait3A_71 = tpu.memref_slice %arg2[%add3A_37] : memref<327680xi32, #tpu.memory_space<hbm>> -> memref<128xi32, #tpu.memory_space<hbm>>
      %dma_wait3A_72 = tpu.memref_slice %arg2[%add3A_37] : memref<327680xi32, #tpu.memory_space<hbm>> -> memref<128xi32, #tpu.memory_space<hbm>>
      tpu.wait_dma2 semaphore(%run_scoped3A : memref<!tpu.dma_semaphore, #tpu.memory_space<semaphore_mem>>) src(%dma_wait3A_72 : memref<128xi32, #tpu.memory_space<hbm>>) dst(%arg7 : memref<128xi32, #tpu.memory_space<vmem>>)
      tpu.yield
    }) : () -> ()
    %add3A_38 = arith.constant 128 : i32
    %add3A_39 = arith.addi %mul3A_27, %add3A_38 : i32
    %dma_start3A_40 = tpu.memref_slice %arg3[%add3A_39] : memref<327680xi32, #tpu.memory_space<hbm>> -> memref<128xi32, #tpu.memory_space<hbm>>
    %dma_start3A_41 = tpu.memref_slice %arg3[%add3A_39] : memref<327680xi32, #tpu.memory_space<hbm>> -> memref<128xi32, #tpu.memory_space<hbm>>
    tpu.enqueue_dma source(%dma_start3A_41 : memref<128xi32, #tpu.memory_space<hbm>>) target(%arg9 : memref<128xi32, #tpu.memory_space<vmem>>) target_semaphore(%arg18 : memref<!tpu.dma_semaphore, #tpu.memory_space<semaphore_mem>>)
    %dma_start3A_42 = arith.constant 0 : i32
    %dma_start3A_43 = arith.constant 0 : i32
    %dma_start3A_44 = tpu.memref_slice %arg4[%dma_start3A_42, %dma_start3A_43] : memref<10240x128xf32, #tpu.memory_space<hbm>> -> memref<10240x128xf32, #tpu.memory_space<hbm>>
    tpu.enqueue_indirect_dma source(%dma_start3A_44 : memref<10240x128xf32, #tpu.memory_space<hbm>>) target(%arg11 : memref<128x128xf32, #tpu.memory_space<vmem>>) offsets(%arg7 : memref<128xi32, #tpu.memory_space<vmem>>) semaphore(%arg14 : memref<!tpu.dma_semaphore, #tpu.memory_space<semaphore_mem>>)
    %scan3A_45 = arith.constant 0 : i32
    %scan3A_46 = arith.constant 0 : i32
    %scan3A_47 = arith.constant 39 : i32
    %scan3A_48 = arith.addi %scan3A_46, %scan3A_47 : i32
    %scan3A_49 = arith.constant 1 : i32
    scf.for %scan3A_69 = %scan3A_46 to %scan3A_48 step %scan3A_49  : i32 {
      %mul3A_70 = arith.constant 2 : i32
      %mul3A_71 = arith.muli %mul3A_70, %scan3A_69 : i32
      %add3A_72 = arith.constant 0 : i32
      %add3A_73 = arith.addi %mul3A_71, %add3A_72 : i32
      %mul3A_74 = arith.constant 128 : i32
      %mul3A_75 = arith.muli %add3A_73, %mul3A_74 : i32
      %add3A_76 = arith.addi %mul3A_27, %mul3A_75 : i32
      %add3A_77 = arith.constant 1 : i32
      %add3A_78 = arith.addi %scan3A_69, %add3A_77 : i32
      %mul3A_79 = arith.constant 2 : i32
      %mul3A_80 = arith.muli %add3A_78, %mul3A_79 : i32
      %add3A_81 = arith.constant 0 : i32
      %add3A_82 = arith.addi %mul3A_80, %add3A_81 : i32
      %mul3A_83 = arith.constant 128 : i32
      %mul3A_84 = arith.muli %add3A_82, %mul3A_83 : i32
      %add3A_85 = arith.addi %mul3A_27, %mul3A_84 : i32
      %dma_wait3A_86 = arith.constant 0 : i32
      %dma_wait3A_87 = arith.constant 0 : i32
      %dma_wait3A_88 = tpu.memref_slice %arg4[%dma_wait3A_86, %dma_wait3A_87] : memref<10240x128xf32, #tpu.memory_space<hbm>> -> memref<10240x128xf32, #tpu.memory_space<hbm>>
      tpu.wait_indirect_dma semaphore(%arg13 : memref<!tpu.dma_semaphore, #tpu.memory_space<semaphore_mem>>) src(%dma_wait3A_88 : memref<10240x128xf32, #tpu.memory_space<hbm>>) dst(%arg10 : memref<128x128xf32, #tpu.memory_space<vmem>>)
      %dma_start3A_89 = tpu.memref_slice %arg2[%add3A_85] : memref<327680xi32, #tpu.memory_space<hbm>> -> memref<128xi32, #tpu.memory_space<hbm>>
      %dma_start3A_90 = tpu.memref_slice %arg2[%add3A_85] : memref<327680xi32, #tpu.memory_space<hbm>> -> memref<128xi32, #tpu.memory_space<hbm>>
      tpu.enqueue_dma source(%dma_start3A_90 : memref<128xi32, #tpu.memory_space<hbm>>) target(%arg6 : memref<128xi32, #tpu.memory_space<vmem>>) target_semaphore(%arg15 : memref<!tpu.dma_semaphore, #tpu.memory_space<semaphore_mem>>)
      %dma_wait3A_91 = tpu.memref_slice %arg3[%add3A_76] : memref<327680xi32, #tpu.memory_space<hbm>> -> memref<128xi32, #tpu.memory_space<hbm>>
      %dma_wait3A_92 = tpu.memref_slice %arg3[%add3A_76] : memref<327680xi32, #tpu.memory_space<hbm>> -> memref<128xi32, #tpu.memory_space<hbm>>
      tpu.wait_dma2 semaphore(%arg17 : memref<!tpu.dma_semaphore, #tpu.memory_space<semaphore_mem>>) src(%dma_wait3A_92 : memref<128xi32, #tpu.memory_space<hbm>>) dst(%arg8 : memref<128xi32, #tpu.memory_space<vmem>>)
      "tpu.region"() ({
        %run_scoped3A = tpu.sem_alloc : memref<!tpu.dma_semaphore, #tpu.memory_space<semaphore_mem>>
        %dma_start3A_130 = arith.constant 0 : i32
        %dma_start3A_131 = arith.constant 0 : i32
        %dma_start3A_132 = tpu.memref_slice %arg12[%dma_start3A_130, %dma_start3A_131] : memref<10240x128xf32, #tpu.memory_space<vmem_shared>> -> memref<10240x128xf32, #tpu.memory_space<vmem_shared>>
        tpu.enqueue_indirect_dma source(%arg10 : memref<128x128xf32, #tpu.memory_space<vmem>>) target(%dma_start3A_132 : memref<10240x128xf32, #tpu.memory_space<vmem_shared>>) offsets(%arg8 : memref<128xi32, #tpu.memory_space<vmem>>) semaphore(%run_scoped3A : memref<!tpu.dma_semaphore, #tpu.memory_space<semaphore_mem>>) {add = true}
        %dma_wait3A_133 = arith.constant 0 : i32
        %dma_wait3A_134 = arith.constant 0 : i32
        %dma_wait3A_135 = tpu.memref_slice %arg12[%dma_wait3A_133, %dma_wait3A_134] : memref<10240x128xf32, #tpu.memory_space<vmem_shared>> -> memref<10240x128xf32, #tpu.memory_space<vmem_shared>>
        tpu.wait_indirect_dma semaphore(%run_scoped3A : memref<!tpu.dma_semaphore, #tpu.memory_space<semaphore_mem>>) src(%arg10 : memref<128x128xf32, #tpu.memory_space<vmem>>) dst(%dma_wait3A_135 : memref<10240x128xf32, #tpu.memory_space<vmem_shared>>)
        tpu.yield
      }) : () -> ()
      %dma_start3A_93 = tpu.memref_slice %arg3[%add3A_85] : memref<327680xi32, #tpu.memory_space<hbm>> -> memref<128xi32, #tpu.memory_space<hbm>>
      %dma_start3A_94 = tpu.memref_slice %arg3[%add3A_85] : memref<327680xi32, #tpu.memory_space<hbm>> -> memref<128xi32, #tpu.memory_space<hbm>>
      tpu.enqueue_dma source(%dma_start3A_94 : memref<128xi32, #tpu.memory_space<hbm>>) target(%arg8 : memref<128xi32, #tpu.memory_space<vmem>>) target_semaphore(%arg17 : memref<!tpu.dma_semaphore, #tpu.memory_space<semaphore_mem>>)
      %dma_wait3A_95 = tpu.memref_slice %arg2[%add3A_85] : memref<327680xi32, #tpu.memory_space<hbm>> -> memref<128xi32, #tpu.memory_space<hbm>>
      %dma_wait3A_96 = tpu.memref_slice %arg2[%add3A_85] : memref<327680xi32, #tpu.memory_space<hbm>> -> memref<128xi32, #tpu.memory_space<hbm>>
      tpu.wait_dma2 semaphore(%arg15 : memref<!tpu.dma_semaphore, #tpu.memory_space<semaphore_mem>>) src(%dma_wait3A_96 : memref<128xi32, #tpu.memory_space<hbm>>) dst(%arg6 : memref<128xi32, #tpu.memory_space<vmem>>)
      %dma_start3A_97 = arith.constant 0 : i32
      %dma_start3A_98 = arith.constant 0 : i32
      %dma_start3A_99 = tpu.memref_slice %arg4[%dma_start3A_97, %dma_start3A_98] : memref<10240x128xf32, #tpu.memory_space<hbm>> -> memref<10240x128xf32, #tpu.memory_space<hbm>>
      tpu.enqueue_indirect_dma source(%dma_start3A_99 : memref<10240x128xf32, #tpu.memory_space<hbm>>) target(%arg10 : memref<128x128xf32, #tpu.memory_space<vmem>>) offsets(%arg6 : memref<128xi32, #tpu.memory_space<vmem>>) semaphore(%arg13 : memref<!tpu.dma_semaphore, #tpu.memory_space<semaphore_mem>>)
      %mul3A_100 = arith.constant 2 : i32
      %mul3A_101 = arith.muli %mul3A_100, %scan3A_69 : i32
      %add3A_102 = arith.constant 1 : i32
      %add3A_103 = arith.addi %mul3A_101, %add3A_102 : i32
      %mul3A_104 = arith.constant 128 : i32
      %mul3A_105 = arith.muli %add3A_103, %mul3A_104 : i32
      %add3A_106 = arith.addi %mul3A_27, %mul3A_105 : i32
      %add3A_107 = arith.constant 1 : i32
      %add3A_108 = arith.addi %scan3A_69, %add3A_107 : i32
      %mul3A_109 = arith.constant 2 : i32
      %mul3A_110 = arith.muli %add3A_108, %mul3A_109 : i32
      %add3A_111 = arith.constant 1 : i32
      %add3A_112 = arith.addi %mul3A_110, %add3A_111 : i32
      %mul3A_113 = arith.constant 128 : i32
      %mul3A_114 = arith.muli %add3A_112, %mul3A_113 : i32
      %add3A_115 = arith.addi %mul3A_27, %mul3A_114 : i32
      %dma_wait3A_116 = arith.constant 0 : i32
      %dma_wait3A_117 = arith.constant 0 : i32
      %dma_wait3A_118 = tpu.memref_slice %arg4[%dma_wait3A_116, %dma_wait3A_117] : memref<10240x128xf32, #tpu.memory_space<hbm>> -> memref<10240x128xf32, #tpu.memory_space<hbm>>
      tpu.wait_indirect_dma semaphore(%arg14 : memref<!tpu.dma_semaphore, #tpu.memory_space<semaphore_mem>>) src(%dma_wait3A_118 : memref<10240x128xf32, #tpu.memory_space<hbm>>) dst(%arg11 : memref<128x128xf32, #tpu.memory_space<vmem>>)
      %dma_start3A_119 = tpu.memref_slice %arg2[%add3A_115] : memref<327680xi32, #tpu.memory_space<hbm>> -> memref<128xi32, #tpu.memory_space<hbm>>
      %dma_start3A_120 = tpu.memref_slice %arg2[%add3A_115] : memref<327680xi32, #tpu.memory_space<hbm>> -> memref<128xi32, #tpu.memory_space<hbm>>
      tpu.enqueue_dma source(%dma_start3A_120 : memref<128xi32, #tpu.memory_space<hbm>>) target(%arg7 : memref<128xi32, #tpu.memory_space<vmem>>) target_semaphore(%arg16 : memref<!tpu.dma_semaphore, #tpu.memory_space<semaphore_mem>>)
      %dma_wait3A_121 = tpu.memref_slice %arg3[%add3A_106] : memref<327680xi32, #tpu.memory_space<hbm>> -> memref<128xi32, #tpu.memory_space<hbm>>
      %dma_wait3A_122 = tpu.memref_slice %arg3[%add3A_106] : memref<327680xi32, #tpu.memory_space<hbm>> -> memref<128xi32, #tpu.memory_space<hbm>>
      tpu.wait_dma2 semaphore(%arg18 : memref<!tpu.dma_semaphore, #tpu.memory_space<semaphore_mem>>) src(%dma_wait3A_122 : memref<128xi32, #tpu.memory_space<hbm>>) dst(%arg9 : memref<128xi32, #tpu.memory_space<vmem>>)
      "tpu.region"() ({
        %run_scoped3A = tpu.sem_alloc : memref<!tpu.dma_semaphore, #tpu.memory_space<semaphore_mem>>
        %dma_start3A_130 = arith.constant 0 : i32
        %dma_start3A_131 = arith.constant 0 : i32
        %dma_start3A_132 = tpu.memref_slice %arg12[%dma_start3A_130, %dma_start3A_131] : memref<10240x128xf32, #tpu.memory_space<vmem_shared>> -> memref<10240x128xf32, #tpu.memory_space<vmem_shared>>
        tpu.enqueue_indirect_dma source(%arg11 : memref<128x128xf32, #tpu.memory_space<vmem>>) target(%dma_start3A_132 : memref<10240x128xf32, #tpu.memory_space<vmem_shared>>) offsets(%arg9 : memref<128xi32, #tpu.memory_space<vmem>>) semaphore(%run_scoped3A : memref<!tpu.dma_semaphore, #tpu.memory_space<semaphore_mem>>) {add = true}
        %dma_wait3A_133 = arith.constant 0 : i32
        %dma_wait3A_134 = arith.constant 0 : i32
        %dma_wait3A_135 = tpu.memref_slice %arg12[%dma_wait3A_133, %dma_wait3A_134] : memref<10240x128xf32, #tpu.memory_space<vmem_shared>> -> memref<10240x128xf32, #tpu.memory_space<vmem_shared>>
        tpu.wait_indirect_dma semaphore(%run_scoped3A : memref<!tpu.dma_semaphore, #tpu.memory_space<semaphore_mem>>) src(%arg11 : memref<128x128xf32, #tpu.memory_space<vmem>>) dst(%dma_wait3A_135 : memref<10240x128xf32, #tpu.memory_space<vmem_shared>>)
        tpu.yield
      }) : () -> ()
      %dma_start3A_123 = tpu.memref_slice %arg3[%add3A_115] : memref<327680xi32, #tpu.memory_space<hbm>> -> memref<128xi32, #tpu.memory_space<hbm>>
      %dma_start3A_124 = tpu.memref_slice %arg3[%add3A_115] : memref<327680xi32, #tpu.memory_space<hbm>> -> memref<128xi32, #tpu.memory_space<hbm>>
      tpu.enqueue_dma source(%dma_start3A_124 : memref<128xi32, #tpu.memory_space<hbm>>) target(%arg9 : memref<128xi32, #tpu.memory_space<vmem>>) target_semaphore(%arg18 : memref<!tpu.dma_semaphore, #tpu.memory_space<semaphore_mem>>)
      %dma_wait3A_125 = tpu.memref_slice %arg2[%add3A_115] : memref<327680xi32, #tpu.memory_space<hbm>> -> memref<128xi32, #tpu.memory_space<hbm>>
      %dma_wait3A_126 = tpu.memref_slice %arg2[%add3A_115] : memref<327680xi32, #tpu.memory_space<hbm>> -> memref<128xi32, #tpu.memory_space<hbm>>
      tpu.wait_dma2 semaphore(%arg16 : memref<!tpu.dma_semaphore, #tpu.memory_space<semaphore_mem>>) src(%dma_wait3A_126 : memref<128xi32, #tpu.memory_space<hbm>>) dst(%arg7 : memref<128xi32, #tpu.memory_space<vmem>>)
      %dma_start3A_127 = arith.constant 0 : i32
      %dma_start3A_128 = arith.constant 0 : i32
      %dma_start3A_129 = tpu.memref_slice %arg4[%dma_start3A_127, %dma_start3A_128] : memref<10240x128xf32, #tpu.memory_space<hbm>> -> memref<10240x128xf32, #tpu.memory_space<hbm>>
      tpu.enqueue_indirect_dma source(%dma_start3A_129 : memref<10240x128xf32, #tpu.memory_space<hbm>>) target(%arg11 : memref<128x128xf32, #tpu.memory_space<vmem>>) offsets(%arg7 : memref<128xi32, #tpu.memory_space<vmem>>) semaphore(%arg14 : memref<!tpu.dma_semaphore, #tpu.memory_space<semaphore_mem>>)
    }
    %scan3A_50 = arith.constant 39 : i32
    %add3A_51 = arith.constant 9984 : i32
    %add3A_52 = arith.addi %mul3A_27, %add3A_51 : i32
    %dma_wait3A = arith.constant 0 : i32
    %dma_wait3A_53 = arith.constant 0 : i32
    %dma_wait3A_54 = tpu.memref_slice %arg4[%dma_wait3A, %dma_wait3A_53] : memref<10240x128xf32, #tpu.memory_space<hbm>> -> memref<10240x128xf32, #tpu.memory_space<hbm>>
    tpu.wait_indirect_dma semaphore(%arg13 : memref<!tpu.dma_semaphore, #tpu.memory_space<semaphore_mem>>) src(%dma_wait3A_54 : memref<10240x128xf32, #tpu.memory_space<hbm>>) dst(%arg10 : memref<128x128xf32, #tpu.memory_space<vmem>>)
    %dma_wait3A_55 = tpu.memref_slice %arg3[%add3A_52] : memref<327680xi32, #tpu.memory_space<hbm>> -> memref<128xi32, #tpu.memory_space<hbm>>
    %dma_wait3A_56 = tpu.memref_slice %arg3[%add3A_52] : memref<327680xi32, #tpu.memory_space<hbm>> -> memref<128xi32, #tpu.memory_space<hbm>>
    tpu.wait_dma2 semaphore(%arg17 : memref<!tpu.dma_semaphore, #tpu.memory_space<semaphore_mem>>) src(%dma_wait3A_56 : memref<128xi32, #tpu.memory_space<hbm>>) dst(%arg8 : memref<128xi32, #tpu.memory_space<vmem>>)
    "tpu.region"() ({
      %run_scoped3A = tpu.sem_alloc : memref<!tpu.dma_semaphore, #tpu.memory_space<semaphore_mem>>
      %dma_start3A_69 = arith.constant 0 : i32
      %dma_start3A_70 = arith.constant 0 : i32
      %dma_start3A_71 = tpu.memref_slice %arg12[%dma_start3A_69, %dma_start3A_70] : memref<10240x128xf32, #tpu.memory_space<vmem_shared>> -> memref<10240x128xf32, #tpu.memory_space<vmem_shared>>
      tpu.enqueue_indirect_dma source(%arg10 : memref<128x128xf32, #tpu.memory_space<vmem>>) target(%dma_start3A_71 : memref<10240x128xf32, #tpu.memory_space<vmem_shared>>) offsets(%arg8 : memref<128xi32, #tpu.memory_space<vmem>>) semaphore(%run_scoped3A : memref<!tpu.dma_semaphore, #tpu.memory_space<semaphore_mem>>) {add = true}
      %dma_wait3A_72 = arith.constant 0 : i32
      %dma_wait3A_73 = arith.constant 0 : i32
      %dma_wait3A_74 = tpu.memref_slice %arg12[%dma_wait3A_72, %dma_wait3A_73] : memref<10240x128xf32, #tpu.memory_space<vmem_shared>> -> memref<10240x128xf32, #tpu.memory_space<vmem_shared>>
      tpu.wait_indirect_dma semaphore(%run_scoped3A : memref<!tpu.dma_semaphore, #tpu.memory_space<semaphore_mem>>) src(%arg10 : memref<128x128xf32, #tpu.memory_space<vmem>>) dst(%dma_wait3A_74 : memref<10240x128xf32, #tpu.memory_space<vmem_shared>>)
      tpu.yield
    }) : () -> ()
    %add3A_57 = arith.constant 10112 : i32
    %add3A_58 = arith.addi %mul3A_27, %add3A_57 : i32
    %dma_wait3A_59 = arith.constant 0 : i32
    %dma_wait3A_60 = arith.constant 0 : i32
    %dma_wait3A_61 = tpu.memref_slice %arg4[%dma_wait3A_59, %dma_wait3A_60] : memref<10240x128xf32, #tpu.memory_space<hbm>> -> memref<10240x128xf32, #tpu.memory_space<hbm>>
    tpu.wait_indirect_dma semaphore(%arg14 : memref<!tpu.dma_semaphore, #tpu.memory_space<semaphore_mem>>) src(%dma_wait3A_61 : memref<10240x128xf32, #tpu.memory_space<hbm>>) dst(%arg11 : memref<128x128xf32, #tpu.memory_space<vmem>>)
    %dma_wait3A_62 = tpu.memref_slice %arg3[%add3A_58] : memref<327680xi32, #tpu.memory_space<hbm>> -> memref<128xi32, #tpu.memory_space<hbm>>
    %dma_wait3A_63 = tpu.memref_slice %arg3[%add3A_58] : memref<327680xi32, #tpu.memory_space<hbm>> -> memref<128xi32, #tpu.memory_space<hbm>>
    tpu.wait_dma2 semaphore(%arg18 : memref<!tpu.dma_semaphore, #tpu.memory_space<semaphore_mem>>) src(%dma_wait3A_63 : memref<128xi32, #tpu.memory_space<hbm>>) dst(%arg9 : memref<128xi32, #tpu.memory_space<vmem>>)
    "tpu.region"() ({
      %run_scoped3A = tpu.sem_alloc : memref<!tpu.dma_semaphore, #tpu.memory_space<semaphore_mem>>
      %dma_start3A_69 = arith.constant 0 : i32
      %dma_start3A_70 = arith.constant 0 : i32
      %dma_start3A_71 = tpu.memref_slice %arg12[%dma_start3A_69, %dma_start3A_70] : memref<10240x128xf32, #tpu.memory_space<vmem_shared>> -> memref<10240x128xf32, #tpu.memory_space<vmem_shared>>
      tpu.enqueue_indirect_dma source(%arg11 : memref<128x128xf32, #tpu.memory_space<vmem>>) target(%dma_start3A_71 : memref<10240x128xf32, #tpu.memory_space<vmem_shared>>) offsets(%arg9 : memref<128xi32, #tpu.memory_space<vmem>>) semaphore(%run_scoped3A : memref<!tpu.dma_semaphore, #tpu.memory_space<semaphore_mem>>) {add = true}
      %dma_wait3A_72 = arith.constant 0 : i32
      %dma_wait3A_73 = arith.constant 0 : i32
      %dma_wait3A_74 = tpu.memref_slice %arg12[%dma_wait3A_72, %dma_wait3A_73] : memref<10240x128xf32, #tpu.memory_space<vmem_shared>> -> memref<10240x128xf32, #tpu.memory_space<vmem_shared>>
      tpu.wait_indirect_dma semaphore(%run_scoped3A : memref<!tpu.dma_semaphore, #tpu.memory_space<semaphore_mem>>) src(%arg11 : memref<128x128xf32, #tpu.memory_space<vmem>>) dst(%dma_wait3A_74 : memref<10240x128xf32, #tpu.memory_space<vmem_shared>>)
      tpu.yield
    }) : () -> ()
    %barrier3A_64 = arith.constant 0 : index
    tpu.barrier barrier_id(%barrier3A_64)
    %mul3A_65 = arith.constant 640 : i32
    %mul3A_66 = arith.muli %arg1, %mul3A_65 : i32
    %mul3A_67 = arith.constant 640 : i32
    %mul3A_68 = arith.muli %arg1, %mul3A_67 : i32
    "tpu.region"() ({
      %run_scoped3A = tpu.sem_alloc : memref<!tpu.dma_semaphore, #tpu.memory_space<semaphore_mem>>
      %dma_start3A_69 = arith.constant 0 : i32
      %dma_start3A_70 = tpu.memref_slice %arg5[%arg0, %mul3A_68, %dma_start3A_69] : memref<2x10240x128xf32, #tpu.memory_space<hbm>> -> memref<1x640x128xf32, #tpu.memory_space<hbm>>
      %dma_start3A_71 = tpu.memref_squeeze %dma_start3A_70 : memref<1x640x128xf32, #tpu.memory_space<hbm>> -> memref<640x128xf32, #tpu.memory_space<hbm>>
      %dma_start3A_72 = arith.constant 0 : i32
      %dma_start3A_73 = tpu.memref_slice %arg12[%mul3A_66, %dma_start3A_72] : memref<10240x128xf32, #tpu.memory_space<vmem_shared>> -> memref<640x128xf32, #tpu.memory_space<vmem_shared>>
      tpu.enqueue_dma source(%dma_start3A_73 : memref<640x128xf32, #tpu.memory_space<vmem_shared>>) target(%dma_start3A_71 : memref<640x128xf32, #tpu.memory_space<hbm>>) target_semaphore(%run_scoped3A : memref<!tpu.dma_semaphore, #tpu.memory_space<semaphore_mem>>)
      %dma_wait3A_74 = arith.constant 0 : i32
      %dma_wait3A_75 = tpu.memref_slice %arg5[%arg0, %mul3A_68, %dma_wait3A_74] : memref<2x10240x128xf32, #tpu.memory_space<hbm>> -> memref<1x640x128xf32, #tpu.memory_space<hbm>>
      %dma_wait3A_76 = tpu.memref_squeeze %dma_wait3A_75 : memref<1x640x128xf32, #tpu.memory_space<hbm>> -> memref<640x128xf32, #tpu.memory_space<hbm>>
      %dma_wait3A_77 = arith.constant 0 : i32
      %dma_wait3A_78 = tpu.memref_slice %arg12[%mul3A_66, %dma_wait3A_77] : memref<10240x128xf32, #tpu.memory_space<vmem_shared>> -> memref<640x128xf32, #tpu.memory_space<vmem_shared>>
      tpu.wait_dma2 semaphore(%run_scoped3A : memref<!tpu.dma_semaphore, #tpu.memory_space<semaphore_mem>>) src(%dma_wait3A_78 : memref<640x128xf32, #tpu.memory_space<vmem_shared>>) dst(%dma_wait3A_76 : memref<640x128xf32, #tpu.memory_space<hbm>>)
      tpu.yield
    }) : () -> ()
    return
  }
}

module attributes {stable_mosaic.version = 14 : i64} {
  func.func @_scale_body(%arg0: i32, %arg1: memref<640x128xf32, #tpu.memory_space<vmem>>, %arg2: memref<2x640x1xf32, #tpu.memory_space<vmem>>, %arg3: memref<640x128xf32, #tpu.memory_space<vmem>>, %arg4: memref<640x1xf32, #tpu.memory_space<vmem>>) attributes {dimension_semantics = [#tpu.dimension_semantics<arbitrary>], iteration_bounds = array<i64: 16>, scalar_prefetch = 0 : i64, scratch_operands = 0 : i64, tpu.core_type = #tpu.core_type<tc>, window_params = [{transform_indices = @transform_0, window_bounds = array<i64: 640, 128>}, {transform_indices = @transform_1, window_bounds = array<i64: 2, 640, 1>}, {transform_indices = @transform_2, window_bounds = array<i64: 640, 128>}, {transform_indices = @transform_3, window_bounds = array<i64: 640, 1>}]} {
    %get3A = arith.constant 0 : index
    %get3A_0 = arith.constant 0 : index
    %get3A_1 = arith.constant 0 : index
    %get3A_2 = vector.load %arg2[%get3A, %get3A_0, %get3A_1] : memref<2x640x1xf32, #tpu.memory_space<vmem>>, vector<1x640x1xf32>
    %get3A_3 = vector.shape_cast %get3A_2 : vector<1x640x1xf32> to vector<640x1xf32>
    %get3A_4 = arith.constant 1 : index
    %get3A_5 = arith.constant 0 : index
    %get3A_6 = arith.constant 0 : index
    %get3A_7 = vector.load %arg2[%get3A_4, %get3A_5, %get3A_6] : memref<2x640x1xf32, #tpu.memory_space<vmem>>, vector<1x640x1xf32>
    %get3A_8 = vector.shape_cast %get3A_7 : vector<1x640x1xf32> to vector<640x1xf32>
    %add3A = arith.addf %get3A_3, %get3A_8 : vector<640x1xf32>
    %add3A_9 = arith.constant 1.000000e+00 : f32
    %add3A_10 = vector.broadcast %add3A_9 : f32 to vector<640x1xf32>
    %add3A_11 = arith.addf %add3A, %add3A_10 : vector<640x1xf32>
    %mul3A = arith.constant 640 : i32
    %mul3A_12 = arith.muli %arg0, %mul3A : i32
    %iota3A = tpu.iota {dimensions = array<i32: 0>} : vector<640x1xi32>
    %add3A_13 = vector.broadcast %mul3A_12 : i32 to vector<640x1xi32>
    %add3A_14 = arith.addi %add3A_13, %iota3A : vector<640x1xi32>
    %lt3A = arith.constant 10000 : i32
    %lt3A_15 = vector.broadcast %lt3A : i32 to vector<640x1xi32>
    %lt3A_16 = arith.cmpi slt, %add3A_14, %lt3A_15 : vector<640x1xi32>
    %rsqrt3A = math.rsqrt %add3A_11 : vector<640x1xf32>
    %jit3A = arith.constant 0.000000e+00 : f32
    %broadcast_in_dim3A = vector.broadcast %jit3A : f32 to vector<640x1xf32>
    %select_n3A = arith.select %lt3A_16, %rsqrt3A, %broadcast_in_dim3A : vector<640x1xi1>, vector<640x1xf32>
    %swap3A = arith.constant 0 : index
    %swap3A_17 = arith.constant 0 : index
    %swap3A_18 = vector.load %arg4[%swap3A, %swap3A_17] : memref<640x1xf32, #tpu.memory_space<vmem>>, vector<640x1xf32>
    tpu.vector_store %arg4[%swap3A, %swap3A_17], %select_n3A {strides = array<i32>} : memref<640x1xf32, #tpu.memory_space<vmem>>, vector<640x1xf32>,
    %get3A_19 = arith.constant 0 : index
    %get3A_20 = arith.constant 0 : index
    %get3A_21 = vector.load %arg1[%get3A_19, %get3A_20] : memref<640x128xf32, #tpu.memory_space<vmem>>, vector<640x128xf32>
    %mul3A_22 = vector.broadcast %select_n3A : vector<640x1xf32> to vector<640x128xf32>
    %mul3A_23 = arith.mulf %get3A_21, %mul3A_22 : vector<640x128xf32>
    %swap3A_24 = arith.constant 0 : index
    %swap3A_25 = arith.constant 0 : index
    %swap3A_26 = vector.load %arg3[%swap3A_24, %swap3A_25] : memref<640x128xf32, #tpu.memory_space<vmem>>, vector<640x128xf32>
    tpu.vector_store %arg3[%swap3A_24, %swap3A_25], %mul3A_23 {strides = array<i32>} : memref<640x128xf32, #tpu.memory_space<vmem>>, vector<640x128xf32>,
    return
  }
  func.func @transform_0(%arg0: i32) -> (i32, i32) {
    %c0_i32 = arith.constant 0 : i32
    %c0_i32_0 = arith.constant 0 : i32
    return %arg0, %c0_i32 : i32, i32
  }
  func.func @transform_1(%arg0: i32) -> (i32, i32, i32) {
    %c0_i32 = arith.constant 0 : i32
    %c0_i32_0 = arith.constant 0 : i32
    %c0_i32_1 = arith.constant 0 : i32
    return %c0_i32, %arg0, %c0_i32_0 : i32, i32, i32
  }
  func.func @transform_2(%arg0: i32) -> (i32, i32) {
    %c0_i32 = arith.constant 0 : i32
    %c0_i32_0 = arith.constant 0 : i32
    return %arg0, %c0_i32 : i32, i32
  }
  func.func @transform_3(%arg0: i32) -> (i32, i32) {
    %c0_i32 = arith.constant 0 : i32
    %c0_i32_0 = arith.constant 0 : i32
    return %arg0, %c0_i32 : i32, i32
  }
}

module attributes {stable_mosaic.version = 14 : i64} {
  func.func @_mm_body(%arg0: i32, %arg1: memref<640x128xf32, #tpu.memory_space<vmem>>, %arg2: memref<128x128xf32, #tpu.memory_space<vmem>>, %arg3: memref<640x128xf32, #tpu.memory_space<vmem>>) attributes {dimension_semantics = [#tpu.dimension_semantics<arbitrary>], iteration_bounds = array<i64: 16>, scalar_prefetch = 0 : i64, scratch_operands = 0 : i64, tpu.core_type = #tpu.core_type<tc>, window_params = [{transform_indices = @transform_0, window_bounds = array<i64: 640, 128>}, {pipeline_mode = #tpu.pipeline_mode<synchronous>, transform_indices = @transform_1, window_bounds = array<i64: 128, 128>}, {transform_indices = @transform_2, window_bounds = array<i64: 640, 128>}]} {
    %get3A = arith.constant 0 : index
    %get3A_0 = arith.constant 0 : index
    %get3A_1 = vector.load %arg1[%get3A, %get3A_0] : memref<640x128xf32, #tpu.memory_space<vmem>>, vector<640x128xf32>
    %get3A_2 = arith.constant 0 : index
    %get3A_3 = arith.constant 0 : index
    %get3A_4 = vector.load %arg2[%get3A_2, %get3A_3] : memref<128x128xf32, #tpu.memory_space<vmem>>, vector<128x128xf32>
    %dot_general3A = arith.constant dense<0.000000e+00> : vector<640x128xf32>
    %dot_general3A_5 = tpu.matmul %get3A_1, %get3A_4, %dot_general3A {dimension_numbers = #tpu.dot_dimension_numbers<[1], [0], [0], [1], [0, 0, 1, 1], [], []>, transpose_lhs_hint = false} : vector<640x128xf32>, vector<128x128xf32>, vector<640x128xf32> -> vector<640x128xf32>
    %swap3A = arith.constant 0 : index
    %swap3A_6 = arith.constant 0 : index
    %swap3A_7 = vector.load %arg3[%swap3A, %swap3A_6] : memref<640x128xf32, #tpu.memory_space<vmem>>, vector<640x128xf32>
    tpu.vector_store %arg3[%swap3A, %swap3A_6], %dot_general3A_5 {strides = array<i32>} : memref<640x128xf32, #tpu.memory_space<vmem>>, vector<640x128xf32>,
    return
  }
  func.func @transform_0(%arg0: i32) -> (i32, i32) {
    %c0_i32 = arith.constant 0 : i32
    %c0_i32_0 = arith.constant 0 : i32
    return %arg0, %c0_i32 : i32, i32
  }
  func.func @transform_1(%arg0: i32) -> (i32, i32) {
    %c0_i32 = arith.constant 0 : i32
    %c0_i32_0 = arith.constant 0 : i32
    %c0_i32_1 = arith.constant 0 : i32
    return %c0_i32, %c0_i32_0 : i32, i32
  }
  func.func @transform_2(%arg0: i32) -> (i32, i32) {
    %c0_i32 = arith.constant 0 : i32
    %c0_i32_0 = arith.constant 0 : i32
    return %arg0, %c0_i32 : i32, i32
  }
}

module attributes {stable_mosaic.version = 14 : i64} {
  func.func @_fin_body(%arg0: i32, %arg1: memref<2x640x128xf32, #tpu.memory_space<vmem>>, %arg2: memref<640x128xf32, #tpu.memory_space<vmem>>, %arg3: memref<640x1xf32, #tpu.memory_space<vmem>>, %arg4: memref<1x128xf32, #tpu.memory_space<vmem>>, %arg5: memref<640x128xf32, #tpu.memory_space<vmem>>) attributes {dimension_semantics = [#tpu.dimension_semantics<arbitrary>], iteration_bounds = array<i64: 16>, scalar_prefetch = 0 : i64, scratch_operands = 0 : i64, tpu.core_type = #tpu.core_type<tc>, window_params = [{transform_indices = @transform_0, window_bounds = array<i64: 2, 640, 128>}, {transform_indices = @transform_1, window_bounds = array<i64: 640, 128>}, {transform_indices = @transform_2, window_bounds = array<i64: 640, 1>}, {pipeline_mode = #tpu.pipeline_mode<synchronous>, transform_indices = @transform_3, window_bounds = array<i64: 1, 128>}, {transform_indices = @transform_4, window_bounds = array<i64: 640, 128>}]} {
    %get3A = arith.constant 0 : index
    %get3A_0 = arith.constant 0 : index
    %get3A_1 = vector.load %arg3[%get3A, %get3A_0] : memref<640x1xf32, #tpu.memory_space<vmem>>, vector<640x1xf32>
    %get3A_2 = arith.constant 0 : index
    %get3A_3 = arith.constant 0 : index
    %get3A_4 = arith.constant 0 : index
    %get3A_5 = vector.load %arg1[%get3A_2, %get3A_3, %get3A_4] : memref<2x640x128xf32, #tpu.memory_space<vmem>>, vector<1x640x128xf32>
    %get3A_6 = vector.shape_cast %get3A_5 : vector<1x640x128xf32> to vector<640x128xf32>
    %get3A_7 = arith.constant 1 : index
    %get3A_8 = arith.constant 0 : index
    %get3A_9 = arith.constant 0 : index
    %get3A_10 = vector.load %arg1[%get3A_7, %get3A_8, %get3A_9] : memref<2x640x128xf32, #tpu.memory_space<vmem>>, vector<1x640x128xf32>
    %get3A_11 = vector.shape_cast %get3A_10 : vector<1x640x128xf32> to vector<640x128xf32>
    %add3A = arith.addf %get3A_6, %get3A_11 : vector<640x128xf32>
    %get3A_12 = arith.constant 0 : index
    %get3A_13 = arith.constant 0 : index
    %get3A_14 = vector.load %arg2[%get3A_12, %get3A_13] : memref<640x128xf32, #tpu.memory_space<vmem>>, vector<640x128xf32>
    %add3A_15 = arith.addf %add3A, %get3A_14 : vector<640x128xf32>
    %mul3A = vector.broadcast %get3A_1 : vector<640x1xf32> to vector<640x128xf32>
    %mul3A_16 = arith.mulf %mul3A, %add3A_15 : vector<640x128xf32>
    %get3A_17 = arith.constant 0 : index
    %get3A_18 = arith.constant 0 : index
    %get3A_19 = vector.load %arg4[%get3A_17, %get3A_18] : memref<1x128xf32, #tpu.memory_space<vmem>>, vector<1x128xf32>
    %add3A_20 = vector.broadcast %get3A_19 : vector<1x128xf32> to vector<640x128xf32>
    %add3A_21 = arith.addf %mul3A_16, %add3A_20 : vector<640x128xf32>
    %swap3A = arith.constant 0 : index
    %swap3A_22 = arith.constant 0 : index
    %swap3A_23 = vector.load %arg5[%swap3A, %swap3A_22] : memref<640x128xf32, #tpu.memory_space<vmem>>, vector<640x128xf32>
    tpu.vector_store %arg5[%swap3A, %swap3A_22], %add3A_21 {strides = array<i32>} : memref<640x128xf32, #tpu.memory_space<vmem>>, vector<640x128xf32>,
    return
  }
  func.func @transform_0(%arg0: i32) -> (i32, i32, i32) {
    %c0_i32 = arith.constant 0 : i32
    %c0_i32_0 = arith.constant 0 : i32
    %c0_i32_1 = arith.constant 0 : i32
    return %c0_i32, %arg0, %c0_i32_0 : i32, i32, i32
  }
  func.func @transform_1(%arg0: i32) -> (i32, i32) {
    %c0_i32 = arith.constant 0 : i32
    %c0_i32_0 = arith.constant 0 : i32
    return %arg0, %c0_i32 : i32, i32
  }
  func.func @transform_2(%arg0: i32) -> (i32, i32) {
    %c0_i32 = arith.constant 0 : i32
    %c0_i32_0 = arith.constant 0 : i32
    return %arg0, %c0_i32 : i32, i32
  }
  func.func @transform_3(%arg0: i32) -> (i32, i32) {
    %c0_i32 = arith.constant 0 : i32
    %c0_i32_0 = arith.constant 0 : i32
    %c0_i32_1 = arith.constant 0 : i32
    return %c0_i32, %c0_i32_0 : i32, i32
  }
  func.func @transform_4(%arg0: i32) -> (i32, i32) {
    %c0_i32 = arith.constant 0 : i32
    %c0_i32_0 = arith.constant 0 : i32
    return %arg0, %c0_i32 : i32, i32
  }
}

module attributes {stable_mosaic.version = 14 : i64} {
  func.func @_ep_body(%arg0: i32, %arg1: memref<2x640x128xf32, #tpu.memory_space<vmem>>, %arg2: memref<640x128xf32, #tpu.memory_space<vmem>>, %arg3: memref<640x1xf32, #tpu.memory_space<vmem>>, %arg4: memref<1x128xf32, #tpu.memory_space<vmem>>, %arg5: memref<128x128xf32, #tpu.memory_space<vmem>>, %arg6: memref<640x128xf32, #tpu.memory_space<vmem>>) attributes {dimension_semantics = [#tpu.dimension_semantics<arbitrary>], iteration_bounds = array<i64: 16>, scalar_prefetch = 0 : i64, scratch_operands = 0 : i64, tpu.core_type = #tpu.core_type<tc>, window_params = [{transform_indices = @transform_0, window_bounds = array<i64: 2, 640, 128>}, {transform_indices = @transform_1, window_bounds = array<i64: 640, 128>}, {transform_indices = @transform_2, window_bounds = array<i64: 640, 1>}, {pipeline_mode = #tpu.pipeline_mode<synchronous>, transform_indices = @transform_3, window_bounds = array<i64: 1, 128>}, {pipeline_mode = #tpu.pipeline_mode<synchronous>, transform_indices = @transform_4, window_bounds = array<i64: 128, 128>}, {transform_indices = @transform_5, window_bounds = array<i64: 640, 128>}]} {
    %get3A = arith.constant 0 : index
    %get3A_0 = arith.constant 0 : index
    %get3A_1 = vector.load %arg3[%get3A, %get3A_0] : memref<640x1xf32, #tpu.memory_space<vmem>>, vector<640x1xf32>
    %get3A_2 = arith.constant 0 : index
    %get3A_3 = arith.constant 0 : index
    %get3A_4 = arith.constant 0 : index
    %get3A_5 = vector.load %arg1[%get3A_2, %get3A_3, %get3A_4] : memref<2x640x128xf32, #tpu.memory_space<vmem>>, vector<1x640x128xf32>
    %get3A_6 = vector.shape_cast %get3A_5 : vector<1x640x128xf32> to vector<640x128xf32>
    %get3A_7 = arith.constant 1 : index
    %get3A_8 = arith.constant 0 : index
    %get3A_9 = arith.constant 0 : index
    %get3A_10 = vector.load %arg1[%get3A_7, %get3A_8, %get3A_9] : memref<2x640x128xf32, #tpu.memory_space<vmem>>, vector<1x640x128xf32>
    %get3A_11 = vector.shape_cast %get3A_10 : vector<1x640x128xf32> to vector<640x128xf32>
    %add3A = arith.addf %get3A_6, %get3A_11 : vector<640x128xf32>
    %get3A_12 = arith.constant 0 : index
    %get3A_13 = arith.constant 0 : index
    %get3A_14 = vector.load %arg2[%get3A_12, %get3A_13] : memref<640x128xf32, #tpu.memory_space<vmem>>, vector<640x128xf32>
    %add3A_15 = arith.addf %add3A, %get3A_14 : vector<640x128xf32>
    %mul3A = vector.broadcast %get3A_1 : vector<640x1xf32> to vector<640x128xf32>
    %mul3A_16 = arith.mulf %mul3A, %add3A_15 : vector<640x128xf32>
    %get3A_17 = arith.constant 0 : index
    %get3A_18 = arith.constant 0 : index
    %get3A_19 = vector.load %arg4[%get3A_17, %get3A_18] : memref<1x128xf32, #tpu.memory_space<vmem>>, vector<1x128xf32>
    %add3A_20 = vector.broadcast %get3A_19 : vector<1x128xf32> to vector<640x128xf32>
    %add3A_21 = arith.addf %mul3A_16, %add3A_20 : vector<640x128xf32>
    %max3A = arith.constant 0.000000e+00 : f32
    %max3A_22 = vector.broadcast %max3A : f32 to vector<640x128xf32>
    %max3A_23 = arith.maximumf %add3A_21, %max3A_22 : vector<640x128xf32>
    %get3A_24 = arith.constant 0 : index
    %get3A_25 = arith.constant 0 : index
    %get3A_26 = vector.load %arg5[%get3A_24, %get3A_25] : memref<128x128xf32, #tpu.memory_space<vmem>>, vector<128x128xf32>
    %dot_general3A = arith.constant dense<0.000000e+00> : vector<640x128xf32>
    %dot_general3A_27 = tpu.matmul %max3A_23, %get3A_26, %dot_general3A {dimension_numbers = #tpu.dot_dimension_numbers<[1], [0], [0], [1], [0, 0, 1, 1], [], []>, transpose_lhs_hint = false} : vector<640x128xf32>, vector<128x128xf32>, vector<640x128xf32> -> vector<640x128xf32>
    %mul3A_28 = vector.broadcast %get3A_1 : vector<640x1xf32> to vector<640x128xf32>
    %mul3A_29 = arith.mulf %dot_general3A_27, %mul3A_28 : vector<640x128xf32>
    %swap3A = arith.constant 0 : index
    %swap3A_30 = arith.constant 0 : index
    %swap3A_31 = vector.load %arg6[%swap3A, %swap3A_30] : memref<640x128xf32, #tpu.memory_space<vmem>>, vector<640x128xf32>
    tpu.vector_store %arg6[%swap3A, %swap3A_30], %mul3A_29 {strides = array<i32>} : memref<640x128xf32, #tpu.memory_space<vmem>>, vector<640x128xf32>,
    return
  }
  func.func @transform_0(%arg0: i32) -> (i32, i32, i32) {
    %c0_i32 = arith.constant 0 : i32
    %c0_i32_0 = arith.constant 0 : i32
    %c0_i32_1 = arith.constant 0 : i32
    return %c0_i32, %arg0, %c0_i32_0 : i32, i32, i32
  }
  func.func @transform_1(%arg0: i32) -> (i32, i32) {
    %c0_i32 = arith.constant 0 : i32
    %c0_i32_0 = arith.constant 0 : i32
    return %arg0, %c0_i32 : i32, i32
  }
  func.func @transform_2(%arg0: i32) -> (i32, i32) {
    %c0_i32 = arith.constant 0 : i32
    %c0_i32_0 = arith.constant 0 : i32
    return %arg0, %c0_i32 : i32, i32
  }
  func.func @transform_3(%arg0: i32) -> (i32, i32) {
    %c0_i32 = arith.constant 0 : i32
    %c0_i32_0 = arith.constant 0 : i32
    %c0_i32_1 = arith.constant 0 : i32
    return %c0_i32, %c0_i32_0 : i32, i32
  }
  func.func @transform_4(%arg0: i32) -> (i32, i32) {
    %c0_i32 = arith.constant 0 : i32
    %c0_i32_0 = arith.constant 0 : i32
    %c0_i32_1 = arith.constant 0 : i32
    return %c0_i32, %c0_i32_0 : i32, i32
  }
  func.func @transform_5(%arg0: i32) -> (i32, i32) {
    %c0_i32 = arith.constant 0 : i32
    %c0_i32_0 = arith.constant 0 : i32
    return %arg0, %c0_i32 : i32, i32
  }
}

</mosaic_0001>

<sc_bundles>
// kernel: kernel.11.cloned.1.call-start
scs
__scs_entry_jumppad:
0x0: {  	(pc) =	sbr.rel $0x88, $3  }
0x1: {  	(tag) =	ssettag $0x0;
	lr =	simm.s32 $0x1  }
0x2: {  	[smem:$0x3F99] =	sst lr;
	_ =	strace $0xD0000000  }
0x3: {  	_ = 	snop  }
0x4: {  	_ = 	snop  }
0x5: {  	_ = 	snop  }
0x6: {  	_ = 	snop  }
0x7: {  	_ = 	snop  }
__scs_overlays_trampoline_lowered:
0x8: {  	[smem:$0x3FA8] =	sst s0  }
0x9: {  	[smem:$0x3FA9] =	sst s1  }
0xa: {  	[smem:$0x3FAA] =	sst s2  }
0xb: {  	[smem:$0x3FAB] =	sst s3  }
0xc: {  	[smem:$0x3FAC] =	sst s4  }
0xd: {  	[smem:$0x3FAD] =	sst s5  }
0xe: {  	[smem:$0x3FAE] =	sst s6  }
0xf: {  	[smem:$0x3FAF] =	sst s7  }
0x10: {  	[smem:$0x3FB0] =	sst s8  }
0x11: {  	[smem:$0x3FB1] =	sst s9;
	s0 =	simm.s32 @!p0 $0x0  }
0x12: {  	s1 =	sld [smem:$0x3F97];
	s0 =	simm.s32 @p0 $0x1  }
0x13: {  	[smem:$0x3FB2] =	sst s0;
	s0 =	simm.s32 @!p1 $0x0  }
0x14: {  	s2 =	sld [smem:$0x3F96];
	s0 =	simm.s32 @p1 $0x1  }
0x15: {  	[smem:$0x3FB3] =	sst s0;
	s0 =	simm.s32 @!p2 $0x0  }
0x16: {  	s3 =	sld [smem:$0x3FDB];
	s0 =	simm.s32 @p2 $0x1  }
0x17: {  	s4 =	simm.s32 $0x1BF5;
	[smem:$0x3FB5] =	sst s0  }
0x18: {  	s0 =	sld [smem:$0x3F98];
	_ =	swait.ge [sflag:s4], $0x0  }
0x19: {  	s7 =	sld [smem:$0x3F99]  }
0x1a: {  	s8 =	sadd.s32 $0xFFFFE003, lr  }
0x1b: {  	s9 =	sadd.s32 $0xFFFFFEF7, lr;
	s5 =	simm.s32 $0xFFFFFFFF;
	p2 =	slt.u32 s8, $0xFFFFF086  }
0x1c: {  	p1 =	slt.u32 s9, $0xF7A;
	s5 =	simm.s32 @!p2 $0x0  }
0x1d: {  	s5 =	simm.s32 @p1 $0x1;
	p0 =	seq.s32 s7, s2  }
0x1e: {  	s7 =	smul.u32 @!p0 $0xF7A, s2;
	p2 =	seq.s32 @!p0 s5, $0x0  }
0x1f: {  	s9 =	smul.u32 $0xF7A, s1;
	s8 =	simm.s32 @!p0 $0x1BF5;
	p2 =	por !p2, p0  }
0x20: {  	[sflag:s8] =	ssyncset.s32 @!p0 $0xFFFFF086;
	s6 =	sadd.s32 @!p0 s3, s7;
	s7 =	simm.s32 @!p0 $0x108  }
0x21: {  	s3 =	sadd.s32 s3, s9;
	s6 =	sadd.s32 @!p0 $0x88, s6;
	s7 =	simm.s32 @p2 $0x1082  }
0x22: {  	[simem:s7], [sflag:s8] =	dma.local @!p0 [hbm:s6], $0xF7A  }
0x23: {  	s9 =	sor.u32 $0xD0000000, s2;
	s6 =	simm.s32 $0x108;
	_ =	swait.ge @!p0 [sflag:s8], $0x0  }
0x24: {  	s3 =	sadd.s32 $0x88, s3;
	s6 =	simm.s32 @!p1 $0x1082;
	[sflag:s4] =	ssyncset.s32 $0xFFFFF086  }
0x25: {  	[simem:s6], [sflag:s4] =	dma.local [hbm:s3], $0xF7A  }
0x26: {  	[smem:$0x3F99] =	sst s1;
	(tag) =	ssettag s2;
	_ =	strace s9  }
0x27: {  	s1 =	sld [smem:$0x3FA9]  }
0x28: {  	s2 =	sld [smem:$0x3FAA]  }
0x29: {  	s4 =	sld [smem:$0x3FAC]  }
0x2a: {  	p0 =	seq.s32 s5, $0x0;
	s5 =	sld [smem:$0x3FAD]  }
0x2b: {  	s6 =	sld [smem:$0x3FAE]  }
0x2c: {  	s7 =	sld [smem:$0x3FAF]  }
0x2d: {  	s3 =	simm.s32 $0x108;
	s8 =	sld [smem:$0x3FB0]  }
0x2e: {  	s3 =	simm.s32 @!p0 $0x1082;
	s9 =	sld [smem:$0x3FB1]  }
0x2f: {  	lr =	sadd.s32 s0, s3;
	s0 =	sld [smem:$0x3FA8]  }
0x30: {  	s3 =	sld [smem:$0x3FAB]  }
0x31: {  	[smem:$0x3FB4] =	sst s10  }
0x32: {  	s10 =	sld [smem:$0x3FB2];
	_ =	sdelay $0x3  }
0x33: {  	p0 =	seq.s32 s10, $0x1;
	s10 =	sld [smem:$0x3FB4];
	_ =	sdelay $0x3  }
0x34: {  	[smem:$0x3FB4] =	sst s10  }
0x35: {  	s10 =	sld [smem:$0x3FB3];
	_ =	sdelay $0x3  }
0x36: {  	p1 =	seq.s32 s10, $0x1;
	s10 =	sld [smem:$0x3FB4];
	_ =	sdelay $0x3  }
0x37: {  	[smem:$0x3FB4] =	sst s10  }
0x38: {  	s10 =	sld [smem:$0x3FB5]  }
0x39: {  	_ = 	snop;
	(pc) =	sbr.ind lr, $3  }
0x3a: {  	_ = 	snop  }
0x3b: {  	_ = 	snop  }
0x3c: {  	p2 =	seq.s32 s10, $0x1;
	s10 =	sld [smem:$0x3FB4]  }
0x3d: {  	_ =	shalt  }
0x3e: {  	_ =	shalt  }
0x3f: {  	_ =	shalt  }
0x40: {  	_ =	shalt  }
0x41: {  	_ =	shalt  }
0x42: {  	_ =	shalt  }
0x43: {  	_ =	shalt  }
0x44: {  	_ =	shalt  }
0x45: {  	_ =	shalt  }
0x46: {  	_ =	shalt  }
0x47: {  	_ =	shalt  }
0x48: {  	_ =	shalt  }
0x49: {  	_ =	shalt  }
0x4a: {  	_ =	shalt  }
0x4b: {  	_ =	shalt  }
0x4c: {  	_ =	shalt  }
0x4d: {  	_ =	shalt  }
0x4e: {  	_ =	shalt  }
0x4f: {  	_ =	shalt  }
0x50: {  	_ =	shalt  }
0x51: {  	_ =	shalt  }
0x52: {  	_ =	shalt  }
0x53: {  	_ =	shalt  }
0x54: {  	_ =	shalt  }
0x55: {  	_ =	shalt  }
0x56: {  	_ =	shalt  }
0x57: {  	_ =	shalt  }
0x58: {  	_ =	shalt  }
0x59: {  	_ =	shalt  }
0x5a: {  	_ =	shalt  }
0x5b: {  	_ =	shalt  }
0x5c: {  	_ =	shalt  }
0x5d: {  	_ =	shalt  }
0x5e: {  	_ =	shalt  }
0x5f: {  	_ =	shalt  }
0x60: {  	_ =	shalt  }
0x61: {  	_ =	shalt  }
0x62: {  	_ =	shalt  }
0x63: {  	_ =	shalt  }
0x64: {  	_ =	shalt  }
0x65: {  	_ =	shalt  }
0x66: {  	_ =	shalt  }
0x67: {  	_ =	shalt  }
0x68: {  	_ =	shalt  }
0x69: {  	_ =	shalt  }
0x6a: {  	_ =	shalt  }
0x6b: {  	_ =	shalt  }
0x6c: {  	_ =	shalt  }
0x6d: {  	_ =	shalt  }
0x6e: {  	_ =	shalt  }
0x6f: {  	_ =	shalt  }
0x70: {  	_ =	shalt  }
0x71: {  	_ =	shalt  }
0x72: {  	_ =	shalt  }
0x73: {  	_ =	shalt  }
0x74: {  	_ =	shalt  }
0x75: {  	_ =	shalt  }
0x76: {  	_ =	shalt  }
0x77: {  	_ =	shalt  }
0x78: {  	_ =	shalt  }
0x79: {  	_ =	shalt  }
0x7a: {  	_ =	shalt  }
0x7b: {  	_ =	shalt  }
0x7c: {  	_ =	shalt  }
0x7d: {  	_ =	shalt  }
0x7e: {  	_ =	shalt  }
0x7f: {  	_ =	shalt  }
0x80: {  	_ =	shalt  }
0x81: {  	_ =	shalt  }
0x82: {  	_ =	shalt  }
0x83: {  	_ =	shalt  }
0x84: {  	_ =	shalt  }
0x85: {  	_ =	shalt  }
0x86: {  	_ =	shalt  }
0x87: {  	_ =	shalt  }
.Lfunc_end0:
.L_simem_size_0:
called_computation_lowered:
.L_overlay_start_0:
0x88: {  	s2 =	sld [smem:$0x3FD9]  }
0x89: {  	s3 =	sld [smem:$0x3FFE];
	_ =	sdelay $0x1  }
0x8a: {  	s1 =	srdreg.scid  }
0x8b: {  	s0 =	sand.u32 $0x1, s1  }
0x8c: {  	s16 =	sshll.u32 s0, $0xA;
	s2 =	sadd.s32 s3, s2  }
0x8d: {  	s2 =	sadd.s32 s2, s16  }
0x8e: {  	[smem:$0x3FC0] =	sst s2  }
0x8f: {  	_ = 	snop  }
0x90: {  	(tm) =	ssettm $0x1  }
0x91: {  	s17 =	sld [smem:$0x3FFB];
	_ =	sdelay $0x3  }
0x92: {  	_ =	strace s17  }
0x93: {  	s2 =	sld [smem:$0x3FFC];
	_ =	sdelay $0x3  }
0x94: {  	_ =	strace s2  }
0x95: {  	s2 =	sld [smem:$0x3FFD];
	_ =	sdelay $0x3  }
0x96: {  	_ =	strace s2  }
0x97: {  	_ =	strace $0x8FFFFFFF  }
0x98: {  	s18 =	sld [smem:$0x3FDB];
	_ =	sdelay $0x1  }
0x99: {  	s19 =	simm.s32 $_scs_section_size  }
0x9a: {  	s4 =	simm.s32 $_size__tile_overlayer_lowered;
	s5 =	simm.s32 $_tile_overlayer_lowered  }
0x9b: {  	s22 =	simm.s32 $0x1BFF;
	s21 =	sshll.u32 s5, $0x1;
	s2 =	sadd.s32 s19, s18  }
0x9c: {  	s6 =	simm.s32 $0x0;
	s20 =	sshll.u32 s4, $0x1;
	s4 =	sadd.s32 s21, s2  }
0x9d: {  	[timem:s6], [sflag:s22] =	dma.local [hbm:s4], s20  }
0x9e: {  	_ =	swait.ge [sflag:s22], s20  }
0x9f: {  	s3 =	ssub.s32 $0x0, s20;
	[sflag:s22] =	ssyncset.done $0x0  }
0xa0: {  	[sflag:s22] =	ssyncadd.s32 s3;
	_ =	sdelay $0x1  }
0xa1: {  	s23 =	simm.s32 $0x1B8B  }
0xa2: {  	_ =	swait.ge [sflag:s23], $0x1  }
0xa3: {  	[sflag:s23] =	ssyncset.done $0x0  }
0xa4: {  	s25 =	simm.s32 $0x1B8E;
	s24 =	sld [smem:$0x3FFE];
	[sflag:s23] =	ssyncadd.s32 $0xFFFFFFFF  }
0xa5: {  	s26 =	simm.s32 $execute0_lowered;
	[smem:$0x3FD2] =	sst s25  }
0xa6: {  	s4 =	sshll.u32 s26, $0x1;
	_ =	strace $0x80000046;
	[dreg:$0x1] =	wrdreg $0xFFFFFFFF  }
0xa7: {  	s28 =	simm.s32 $_size_execute0_lowered;
	s2 =	sadd.s32 s2, s4;
	[dreg:$0x0] =	wrdreg $0x0  }
0xa8: {  	s4 =	sshll.u32 s28, $0x1;
	[dreg:$0x2] =	wrdreg s2  }
0xa9: {  	[dreg:$0x3] =	wrdreg s4  }
0xaa: {  	[dreg:$0x4] =	wrdreg $0xC0  }
0xab: {  	_ =	task [dreg:s6], $0x5FFFF  }
0xac: {  	[dreg:$0x1] =	wrdreg $0xFFFFFFFF  }
0xad: {  	[dreg:$0x0] =	wrdreg $0x60  }
0xae: {  	[dreg:$0x2] =	wrdreg s24  }
0xaf: {  	[dreg:$0x3] =	wrdreg $0x3800  }
0xb0: {  	[dreg:$0x4] =	wrdreg $0x9  }
0xb1: {  	_ =	task.clear_ibuf [dreg:s6], $0x5FFFF;
	_ =	strace $0x90000046  }
0xb2: {  	s29 =	simm.s32 $0x9;
	_ =	strace $0x80000048  }
0xb3: {  	_ =	swait.ge [sflag:s29], $0x1  }
0xb4: {  	[sflag:s29] =	ssyncadd.s32 $0xFFFFFFFF  }
0xb5: {  	_ =	strace $0x90000048  }
0xb6: {  	_ =	sfence  }
0xb7: {  	s30 =	sld [smem:$0x0];
	_ =	sdelay $0x2  }
0xb8: {  	s31 =	sshll.u32 s1, $0xD;
	s1 =	sshrl.u32 s1, $0x2  }
0xb9: {  	s3 =	sand.u32 $0x4000, s31;
	s1 =	sadd.s32 s1, s30  }
0xba: {  	s0 =	sor.u32 s3, s0;
	s1 =	sshll.u32 s1, $0x11  }
0xbb: {  	s0 =	sor.u32 s1, s0  }
0xbc: {  	s0 =	sadd.s32 $0x8F2B, s0  }
0xbd: {  	[sflag:s0] =	ssyncadd.remote.s32 $0x1  }
0xbe: {  	_ =	sfence.sel $0xFFFF  }
0xbf: {  	[dreg:$0x0] =	wrdreg $0xFFFFFFFF;
	(pc) =	sbr.abs _section_cstart, $3  }
0xc0: {  	[dreg:$0x1] =	wrdreg $0xFFFFFFFF  }
0xc1: {  	_ =	task.clear_ibuf [dreg:s6], $0x2FFFF;
	_ =	strace $0x9FFFFFFF  }
0xc2: {  	(tm) =	ssettm $0x7FFFFFFF  }
0xc3: {  	_ =	shalt  }
tec
execute0_lowered:
.L_overlay_start_1:
0x0: {  	(tag) =	ssettag $0x1  }
0x1: {  	s4 =	rddreg [dreg:$0x0]  }
0x2: {  	s2 =	rddreg [dreg:$0x1]  }
0x3: {  	s0 =	rddreg [dreg:$0x2]  }
0x4: {  	s5 =	srdreg.scid;
	s1 =	stileid.u32  }
0x5: {  	s3 =	simm.s32 $0x0;
	s13 =	simm.s32 $0x20;
	s14 =	simm.s32 $0x10  }
0x6: {  	s15 =	simm.s32 $0x0;
	s5 =	sand.u32 $0x1, s5;
	s6 =	smul.u32 $0x500, s1  }
0x7: {  	[smem:$0x7FF] =	sst s3;
	s9 =	smul.u32 $0xA00, s1;
	s11 =	sshll.u32 s1, $0x6  }
0x8: {  	s7 =	smul.u32 $0x5000, s5;
	s8 =	sshll.u32 s5, $0x7;
	_ =	strace $0x80000047  }
0x9: {  	s5 =	ssub.s32 $0x2, s5;
	s11 =	sor.u32 $0x1C01, s11;
	s8 =	sor.u32 s8, s6  }
0xa: {  	s31 =	sshrl.u32 s5, $0x1;
	s9 =	sshrl.u32 s9, $0x2;
	s8 =	sshrl.u32 s8, $0x3  }
0xb: {  	s7 =	sadd.s32 s7, s4;
	s10 =	ssub.s32 s5, s31;
	s8 =	sadd.s32 s8, s4  }
0xc: {  	s4 =	sadd.s32 s9, s2;
	s7 =	sadd.s32 s6, s7;
	s6 =	smax.u32 s10, $0x1  }
0xd: {  	s9 =	simm.s32 $0x1;
	s10 =	simm.s32 $0x80;
	s5 =	sadd.s32 $0xD200, s8  }
0xe: {  	v0 =	vimm.f32 $1.000000000e+00;
	v1 =	vimm.f32 $0.0e+00;
	s7 =	sadd.s32 $0x3200, s7;
	s8 =	simm.s32 $0x100;
	s12 =	sshrl.u32 s4, $0x3  }
.LBB2_1:
0xf: {  	[tilespmem:$0x80] =	vst v0  }
0x10: {  	[tilespmem:$0x90] =	vst v0  }
0x11: {  	[tilespmem:$0xA0] =	vst v0  }
0x12: {  	[tilespmem:$0xB0] =	vst v0  }
0x13: {  	[tilespmem:$0xC0] =	vst v0  }
0x14: {  	[tilespmem:$0xD0] =	vst v0  }
0x15: {  	[tilespmem:$0xE0] =	vst v0  }
0x16: {  	[tilespmem:$0xF0] =	vst v0  }
0x17: {  	[tilespmem:$0x100] =	vst v1  }
0x18: {  	[tilespmem:$0x110] =	vst v1  }
0x19: {  	[tilespmem:$0x120] =	vst v1  }
0x1a: {  	[tilespmem:$0x130] =	vst v1  }
0x1b: {  	[tilespmem:$0x140] =	vst v1  }
0x1c: {  	[tilespmem:$0x150] =	vst v1  }
0x1d: {  	[tilespmem:$0x160] =	vst v1  }
0x1e: {  	[tilespmem:$0x170] =	vst v1  }
0x1f: {  	[tilespmem:$0x180] =	vst v1  }
0x20: {  	[tilespmem:$0x190] =	vst v1  }
0x21: {  	[tilespmem:$0x1A0] =	vst v1  }
0x22: {  	[tilespmem:$0x1B0] =	vst v1  }
0x23: {  	[tilespmem:$0x1C0] =	vst v1  }
0x24: {  	[tilespmem:$0x1D0] =	vst v1  }
0x25: {  	[tilespmem:$0x1E0] =	vst v1  }
0x26: {  	[tilespmem:$0x1F0] =	vst v1  }
0x27: {  	[tilespmem:$0x200] =	vst v1  }
0x28: {  	[tilespmem:$0x210] =	vst v1  }
0x29: {  	[tilespmem:$0x220] =	vst v1  }
0x2a: {  	[tilespmem:$0x230] =	vst v1  }
0x2b: {  	[tilespmem:$0x240] =	vst v1  }
0x2c: {  	[tilespmem:$0x250] =	vst v1  }
0x2d: {  	[tilespmem:$0x260] =	vst v1  }
0x2e: {  	[tilespmem:$0x270] =	vst v1  }
0x2f: {  	[tilespmem:$0x280] =	vst v1  }
0x30: {  	[tilespmem:$0x290] =	vst v1  }
0x31: {  	[tilespmem:$0x2A0] =	vst v1  }
0x32: {  	[tilespmem:$0x2B0] =	vst v1  }
0x33: {  	[tilespmem:$0x2C0] =	vst v1  }
0x34: {  	[tilespmem:$0x2D0] =	vst v1  }
0x35: {  	[tilespmem:$0x2E0] =	vst v1  }
0x36: {  	[tilespmem:$0x2F0] =	vst v1  }
0x37: {  	[tilespmem:$0x300] =	vst v1  }
0x38: {  	[tilespmem:$0x310] =	vst v1  }
0x39: {  	[tilespmem:$0x320] =	vst v1  }
0x3a: {  	[tilespmem:$0x330] =	vst v1  }
0x3b: {  	[tilespmem:$0x340] =	vst v1  }
0x3c: {  	[tilespmem:$0x350] =	vst v1  }
0x3d: {  	[tilespmem:$0x360] =	vst v1  }
0x3e: {  	[tilespmem:$0x370] =	vst v1  }
0x3f: {  	[spmem:s4] =	stream.linear.scatter [tilespmem:s8], [sflag:$0x1], $0x280, $0x38;
	[tilespmem:$0x600] =	vst v63  }
0x40: {  	_ =	swait.ge [sflag:s9], $0x280  }
0x41: {  	[sflag:s9] =	ssyncset.done $0x0  }
0x42: {  	[sflag:s9] =	ssyncadd.s32 $0xFFFFFD80  }
0x43: {  	s16 =	sadd.s32 $0x0, s7;
	[bflag:$0x0] =	sbarrier.arrive $0xFFFF  }
0x44: {  	[tilespmem:s3], [sflag:$0x1] =	stream.linear.gather [hbm4b:s16+s3], $0x80, $0x38;
	[tilespmem:$0x600] =	vst v63  }
0x45: {  	_ =	swait.ge [sflag:s9], $0x80  }
0x46: {  	[sflag:s9] =	ssyncset.done $0x0  }
0x47: {  	[sflag:s9] =	ssyncadd.s32 $0xFFFFFF80  }
0x48: {  	[spmem:s2] =	stream.indirect.scatter.add.f32 [tilespmem:s10], [sflag:$0x1], $0x1, s3, s10, $0xb8;
	[tilespmem:$0x600] =	vst v63  }
0x49: {  	_ =	swait.ge [sflag:s9], $0x80  }
0x4a: {  	s17 =	simm.s32 $0x20;
	s16 =	simm.s32 $0x10;
	[sflag:s9] =	ssyncset.done $0x0  }
.LBB2_2:
0x4b: {  	s18 =	sadd.s32 s16, s7  }
0x4c: {  	[sflag:s9] =	ssyncadd.s32 $0xFFFFFF80;
	s16 =	smov.u32 s17;
	s19 =	sadd.s32 $0x10, s17  }
0x4d: {  	[tilespmem:s3], [sflag:$0x1] =	stream.linear.gather [hbm4b:s18+s3], $0x80, $0x38;
	[tilespmem:$0x600] =	vst v63  }
0x4e: {  	p0 =	sne.s32 s17, $0x4F0;
	_ =	swait.ge [sflag:s9], $0x80  }
.Ltmp0:
0x4f: {  	[sflag:s9] =	ssyncset.done $0x0;
	(pc) =	sbr.rel @p0 .LBB2_2-.Ltmp0, $4  }
0x50: {  	[sflag:s9] =	ssyncadd.s32 $0xFFFFFF80  }
0x51: {  	[spmem:s2] =	stream.indirect.scatter.add.f32 [tilespmem:s10], [sflag:$0x1], $0x1, s3, s10, $0xb8;
	[tilespmem:$0x600] =	vst v63  }
0x52: {  	_ =	swait.ge [sflag:s9], $0x80  }
0x53: {  	s17 =	smov.u32 s19;
	[sflag:s9] =	ssyncset.done $0x0  }
0x54: {  	s16 =	sadd.s32 s16, s7;
	[sflag:s9] =	ssyncadd.s32 $0xFFFFFF80  }
0x55: {  	[tilespmem:s3], [sflag:$0x1] =	stream.linear.gather [hbm4b:s16+s3], $0x80, $0x38;
	[tilespmem:$0x600] =	vst v63  }
0x56: {  	_ =	swait.ge [sflag:s9], $0x80  }
0x57: {  	[sflag:s9] =	ssyncset.done $0x0  }
0x58: {  	[sflag:s9] =	ssyncadd.s32 $0xFFFFFF80  }
0x59: {  	[spmem:s2] =	stream.indirect.scatter.add.f32 [tilespmem:s10], [sflag:$0x1], $0x1, s3, s10, $0xb8;
	[tilespmem:$0x600] =	vst v63  }
0x5a: {  	_ =	swait.ge [sflag:s9], $0x80  }
0x5b: {  	s15 =	sadd.s32 $0x1, s15;
	[sflag:s9] =	ssyncset.done $0x0  }
0x5c: {  	p0 =	sne.s32 s15, s6;
	[sflag:s9] =	ssyncadd.s32 $0xFFFFFF80  }
.Ltmp1:
0x5d: {  	[bflag:$0x0] =	sbarrier.arrive $0xFFFF;
	(pc) =	sbr.rel @p0 .LBB2_1-.Ltmp1, $4  }
0x5e: {  	[hbm:s5@s13], [sflag:s11] =	dma.strided [spmem:s12@s14], $0x50, s9, $0x10   }
0x5f: {  	_ =	swait.ge [sflag:s9], $0x50  }
0x60: {  	[sflag:s9] =	ssyncset.done $0x0  }
0x61: {  	[sflag:s9] =	ssyncadd.s32 $0xFFFFFFB0  }
0x62: {  	_ =	sfence.sel $0x180000  }
0x63: {  	[bflag:$0x0] =	sbarrier.arrive $0xFFFF  }
0x64: {  	p0 =	sne.s32 s1, $0x0;
	_ =	strace $0x90000047  }
0x65: {  	s0 =	sadd.s32 @!p0 $0x100000, s0;
	[bflag:$0x2] =	sbarrier.arrive $0xFFFF  }
0x66: {  	[sflag:s0] =	ssyncadd.tile.s32 @!p0 $0x1;
	_ =	shalt  }
.Lfunc_end2:
_tile_overlayer_lowered:
.L_overlay_start_2:
0x67: {  	(tag) =	ssettag $0x2  }
0x68: {  	s0 =	rddreg [dreg:$0x0];
	s2 =	stileid.u32  }
0x69: {  	s1 =	rddreg [dreg:$0x1];
	p0 =	sne.s32 s2, $0x0  }
0x6a: {  	s3 =	rddreg [dreg:$0x2];
	[bflag:$0x3] =	sbarrier.arrive $0xFFFF;
	s2 =	simm.s32 @!p0 $0x1C01  }
0x6b: {  	[timem:s3], [sflag:s2] =	dma.local @!p0 [hbm:s0], s1  }
0x6c: {  	s0 =	simm.s32 @!p0 $0x1  }
0x6d: {  	_ =	swait.ge @!p0 [sflag:s0], s1  }
0x6e: {  	s1 =	ssub.s32 @!p0 $0x0, s1;
	[sflag:s0] =	ssyncset.done @!p0 $0x0  }
0x6f: {  	[sflag:s0] =	ssyncadd.s32 @!p0 s1  }
0x70: {  	[bflag:$0x3] =	sbarrier.arrive $0xFFFF  }
0x71: {  	_ =	shalt  }

// kernel: kernel.14.cloned.1.call-start
scs
__scs_entry_jumppad:
0x0: {  	(pc) =	sbr.rel $0x88, $3  }
0x1: {  	(tag) =	ssettag $0x0;
	lr =	simm.s32 $0x1  }
0x2: {  	[smem:$0x3F99] =	sst lr;
	_ =	strace $0xD0000000  }
0x3: {  	_ = 	snop  }
0x4: {  	_ = 	snop  }
0x5: {  	_ = 	snop  }
0x6: {  	_ = 	snop  }
0x7: {  	_ = 	snop  }
__scs_overlays_trampoline_lowered:
0x8: {  	[smem:$0x3FA8] =	sst s0  }
0x9: {  	[smem:$0x3FA9] =	sst s1  }
0xa: {  	[smem:$0x3FAA] =	sst s2  }
0xb: {  	[smem:$0x3FAB] =	sst s3  }
0xc: {  	[smem:$0x3FAC] =	sst s4  }
0xd: {  	[smem:$0x3FAD] =	sst s5  }
0xe: {  	[smem:$0x3FAE] =	sst s6  }
0xf: {  	[smem:$0x3FAF] =	sst s7  }
0x10: {  	[smem:$0x3FB0] =	sst s8  }
0x11: {  	[smem:$0x3FB1] =	sst s9;
	s0 =	simm.s32 @!p0 $0x0  }
0x12: {  	s1 =	sld [smem:$0x3F97];
	s0 =	simm.s32 @p0 $0x1  }
0x13: {  	[smem:$0x3FB2] =	sst s0;
	s0 =	simm.s32 @!p1 $0x0  }
0x14: {  	s2 =	sld [smem:$0x3F96];
	s0 =	simm.s32 @p1 $0x1  }
0x15: {  	[smem:$0x3FB3] =	sst s0;
	s0 =	simm.s32 @!p2 $0x0  }
0x16: {  	s3 =	sld [smem:$0x3FDB];
	s0 =	simm.s32 @p2 $0x1  }
0x17: {  	s4 =	simm.s32 $0x1BF5;
	[smem:$0x3FB5] =	sst s0  }
0x18: {  	s0 =	sld [smem:$0x3F98];
	_ =	swait.ge [sflag:s4], $0x0  }
0x19: {  	s7 =	sld [smem:$0x3F99]  }
0x1a: {  	s8 =	sadd.s32 $0xFFFFE003, lr  }
0x1b: {  	s9 =	sadd.s32 $0xFFFFFEF7, lr;
	s5 =	simm.s32 $0xFFFFFFFF;
	p2 =	slt.u32 s8, $0xFFFFF086  }
0x1c: {  	p1 =	slt.u32 s9, $0xF7A;
	s5 =	simm.s32 @!p2 $0x0  }
0x1d: {  	s5 =	simm.s32 @p1 $0x1;
	p0 =	seq.s32 s7, s2  }
0x1e: {  	s7 =	smul.u32 @!p0 $0xF7A, s2;
	p2 =	seq.s32 @!p0 s5, $0x0  }
0x1f: {  	s9 =	smul.u32 $0xF7A, s1;
	s8 =	simm.s32 @!p0 $0x1BF5;
	p2 =	por !p2, p0  }
0x20: {  	[sflag:s8] =	ssyncset.s32 @!p0 $0xFFFFF086;
	s6 =	sadd.s32 @!p0 s3, s7;
	s7 =	simm.s32 @!p0 $0x108  }
0x21: {  	s3 =	sadd.s32 s3, s9;
	s6 =	sadd.s32 @!p0 $0x88, s6;
	s7 =	simm.s32 @p2 $0x1082  }
0x22: {  	[simem:s7], [sflag:s8] =	dma.local @!p0 [hbm:s6], $0xF7A  }
0x23: {  	s9 =	sor.u32 $0xD0000000, s2;
	s6 =	simm.s32 $0x108;
	_ =	swait.ge @!p0 [sflag:s8], $0x0  }
0x24: {  	s3 =	sadd.s32 $0x88, s3;
	s6 =	simm.s32 @!p1 $0x1082;
	[sflag:s4] =	ssyncset.s32 $0xFFFFF086  }
0x25: {  	[simem:s6], [sflag:s4] =	dma.local [hbm:s3], $0xF7A  }
0x26: {  	[smem:$0x3F99] =	sst s1;
	(tag) =	ssettag s2;
	_ =	strace s9  }
0x27: {  	s1 =	sld [smem:$0x3FA9]  }
0x28: {  	s2 =	sld [smem:$0x3FAA]  }
0x29: {  	s4 =	sld [smem:$0x3FAC]  }
0x2a: {  	p0 =	seq.s32 s5, $0x0;
	s5 =	sld [smem:$0x3FAD]  }
0x2b: {  	s6 =	sld [smem:$0x3FAE]  }
0x2c: {  	s7 =	sld [smem:$0x3FAF]  }
0x2d: {  	s3 =	simm.s32 $0x108;
	s8 =	sld [smem:$0x3FB0]  }
0x2e: {  	s3 =	simm.s32 @!p0 $0x1082;
	s9 =	sld [smem:$0x3FB1]  }
0x2f: {  	lr =	sadd.s32 s0, s3;
	s0 =	sld [smem:$0x3FA8]  }
0x30: {  	s3 =	sld [smem:$0x3FAB]  }
0x31: {  	[smem:$0x3FB4] =	sst s10  }
0x32: {  	s10 =	sld [smem:$0x3FB2];
	_ =	sdelay $0x3  }
0x33: {  	p0 =	seq.s32 s10, $0x1;
	s10 =	sld [smem:$0x3FB4];
	_ =	sdelay $0x3  }
0x34: {  	[smem:$0x3FB4] =	sst s10  }
0x35: {  	s10 =	sld [smem:$0x3FB3];
	_ =	sdelay $0x3  }
0x36: {  	p1 =	seq.s32 s10, $0x1;
	s10 =	sld [smem:$0x3FB4];
	_ =	sdelay $0x3  }
0x37: {  	[smem:$0x3FB4] =	sst s10  }
0x38: {  	s10 =	sld [smem:$0x3FB5]  }
0x39: {  	_ = 	snop;
	(pc) =	sbr.ind lr, $3  }
0x3a: {  	_ = 	snop  }
0x3b: {  	_ = 	snop  }
0x3c: {  	p2 =	seq.s32 s10, $0x1;
	s10 =	sld [smem:$0x3FB4]  }
0x3d: {  	_ =	shalt  }
0x3e: {  	_ =	shalt  }
0x3f: {  	_ =	shalt  }
0x40: {  	_ =	shalt  }
0x41: {  	_ =	shalt  }
0x42: {  	_ =	shalt  }
0x43: {  	_ =	shalt  }
0x44: {  	_ =	shalt  }
0x45: {  	_ =	shalt  }
0x46: {  	_ =	shalt  }
0x47: {  	_ =	shalt  }
0x48: {  	_ =	shalt  }
0x49: {  	_ =	shalt  }
0x4a: {  	_ =	shalt  }
0x4b: {  	_ =	shalt  }
0x4c: {  	_ =	shalt  }
0x4d: {  	_ =	shalt  }
0x4e: {  	_ =	shalt  }
0x4f: {  	_ =	shalt  }
0x50: {  	_ =	shalt  }
0x51: {  	_ =	shalt  }
0x52: {  	_ =	shalt  }
0x53: {  	_ =	shalt  }
0x54: {  	_ =	shalt  }
0x55: {  	_ =	shalt  }
0x56: {  	_ =	shalt  }
0x57: {  	_ =	shalt  }
0x58: {  	_ =	shalt  }
0x59: {  	_ =	shalt  }
0x5a: {  	_ =	shalt  }
0x5b: {  	_ =	shalt  }
0x5c: {  	_ =	shalt  }
0x5d: {  	_ =	shalt  }
0x5e: {  	_ =	shalt  }
0x5f: {  	_ =	shalt  }
0x60: {  	_ =	shalt  }
0x61: {  	_ =	shalt  }
0x62: {  	_ =	shalt  }
0x63: {  	_ =	shalt  }
0x64: {  	_ =	shalt  }
0x65: {  	_ =	shalt  }
0x66: {  	_ =	shalt  }
0x67: {  	_ =	shalt  }
0x68: {  	_ =	shalt  }
0x69: {  	_ =	shalt  }
0x6a: {  	_ =	shalt  }
0x6b: {  	_ =	shalt  }
0x6c: {  	_ =	shalt  }
0x6d: {  	_ =	shalt  }
0x6e: {  	_ =	shalt  }
0x6f: {  	_ =	shalt  }
0x70: {  	_ =	shalt  }
0x71: {  	_ =	shalt  }
0x72: {  	_ =	shalt  }
0x73: {  	_ =	shalt  }
0x74: {  	_ =	shalt  }
0x75: {  	_ =	shalt  }
0x76: {  	_ =	shalt  }
0x77: {  	_ =	shalt  }
0x78: {  	_ =	shalt  }
0x79: {  	_ =	shalt  }
0x7a: {  	_ =	shalt  }
0x7b: {  	_ =	shalt  }
0x7c: {  	_ =	shalt  }
0x7d: {  	_ =	shalt  }
0x7e: {  	_ =	shalt  }
0x7f: {  	_ =	shalt  }
0x80: {  	_ =	shalt  }
0x81: {  	_ =	shalt  }
0x82: {  	_ =	shalt  }
0x83: {  	_ =	shalt  }
0x84: {  	_ =	shalt  }
0x85: {  	_ =	shalt  }
0x86: {  	_ =	shalt  }
0x87: {  	_ =	shalt  }
.Lfunc_end0:
.L_simem_size_0:
called_computation.1_lowered:
.L_overlay_start_0:
0x88: {  	s2 =	sld [smem:$0x3FD9]  }
0x89: {  	s3 =	sld [smem:$0x3FFE];
	_ =	sdelay $0x1  }
0x8a: {  	s1 =	srdreg.scid  }
0x8b: {  	s0 =	sand.u32 $0x1, s1  }
0x8c: {  	s17 =	sshll.u32 s0, $0xA;
	s2 =	sadd.s32 s3, s2  }
0x8d: {  	s2 =	sadd.s32 s2, s17  }
0x8e: {  	[smem:$0x3FC0] =	sst s2  }
0x8f: {  	_ = 	snop  }
0x90: {  	s2 =	sld [smem:$0x3FD0];
	(tm) =	ssettm $0x1  }
0x91: {  	s18 =	sld [smem:$0x3FFB];
	_ =	sdelay $0x3  }
0x92: {  	_ =	strace s18  }
0x93: {  	s3 =	sld [smem:$0x3FFC];
	_ =	sdelay $0x3  }
0x94: {  	_ =	strace s3  }
0x95: {  	s3 =	sld [smem:$0x3FFD];
	_ =	sdelay $0x3  }
0x96: {  	_ =	strace s3  }
0x97: {  	_ =	strace $0x8FFFFFFF  }
0x98: {  	s19 =	sld [smem:$0x3FDB];
	_ =	sdelay $0x1  }
0x99: {  	s4 =	simm.s32 $_scs_section_size  }
0x9a: {  	s5 =	simm.s32 $_size__tile_overlayer_lowered;
	s6 =	simm.s32 $_tile_overlayer_lowered  }
0x9b: {  	s22 =	simm.s32 $0x1BFF;
	s21 =	sshll.u32 s6, $0x1;
	s3 =	sadd.s32 s4, s19  }
0x9c: {  	s7 =	simm.s32 $0x0;
	s20 =	sshll.u32 s5, $0x1;
	s5 =	sadd.s32 s21, s3  }
0x9d: {  	[timem:s7], [sflag:s22] =	dma.local [hbm:s5], s20  }
0x9e: {  	_ =	swait.ge [sflag:s22], s20  }
0x9f: {  	s4 =	ssub.s32 $0x0, s20;
	[sflag:s22] =	ssyncset.done $0x0  }
0xa0: {  	[sflag:s22] =	ssyncadd.s32 s4;
	_ =	sdelay $0x1  }
0xa1: {  	s23 =	simm.s32 $0x1B8B  }
0xa2: {  	_ =	swait.ge [sflag:s23], $0x1  }
0xa3: {  	[sflag:s23] =	ssyncset.done $0x0  }
0xa4: {  	s25 =	simm.s32 $0x1B8E;
	s24 =	sld [smem:$0x3FFE];
	[sflag:s23] =	ssyncadd.s32 $0xFFFFFFFF  }
0xa5: {  	s26 =	simm.s32 $execute0_lowered;
	[smem:$0x3FD2] =	sst s25  }
0xa6: {  	s5 =	sshll.u32 s26, $0x1;
	_ =	strace $0x80000049;
	[dreg:$0x1] =	wrdreg $0xFFFFFFFF  }
0xa7: {  	s28 =	simm.s32 $_size_execute0_lowered;
	s3 =	sadd.s32 s3, s5;
	[dreg:$0x0] =	wrdreg $0x0  }
0xa8: {  	s5 =	sshll.u32 s28, $0x1;
	[dreg:$0x2] =	wrdreg s3  }
0xa9: {  	[dreg:$0x3] =	wrdreg s5  }
0xaa: {  	[dreg:$0x4] =	wrdreg $0xC0  }
0xab: {  	_ =	task [dreg:s7], $0x5FFFF  }
0xac: {  	[dreg:$0x1] =	wrdreg $0xFFFFFFFF  }
0xad: {  	[dreg:$0x0] =	wrdreg $0x60  }
0xae: {  	[dreg:$0x2] =	wrdreg s2  }
0xaf: {  	[dreg:$0x3] =	wrdreg s24  }
0xb0: {  	[dreg:$0x4] =	wrdreg $0x82000  }
0xb1: {  	[dreg:$0x5] =	wrdreg $0x9  }
0xb2: {  	_ =	task.clear_ibuf [dreg:s7], $0x6FFFF;
	_ =	strace $0x90000049  }
0xb3: {  	s29 =	simm.s32 $0x9;
	_ =	strace $0x8000004B  }
0xb4: {  	_ =	swait.ge [sflag:s29], $0x1  }
0xb5: {  	[sflag:s29] =	ssyncadd.s32 $0xFFFFFFFF  }
0xb6: {  	_ =	strace $0x9000004B  }
0xb7: {  	_ =	sfence  }
0xb8: {  	s30 =	sld [smem:$0x0];
	_ =	sdelay $0x2  }
0xb9: {  	s31 =	sshll.u32 s1, $0xD;
	s1 =	sshrl.u32 s1, $0x2  }
0xba: {  	s3 =	sand.u32 $0x4000, s31;
	s1 =	sadd.s32 s1, s30  }
0xbb: {  	s0 =	sor.u32 s3, s0;
	s1 =	sshll.u32 s1, $0x11  }
0xbc: {  	s0 =	sor.u32 s1, s0  }
0xbd: {  	s0 =	sadd.s32 $0x8F2B, s0  }
0xbe: {  	[sflag:s0] =	ssyncadd.remote.s32 $0x1  }
0xbf: {  	_ =	sfence.sel $0xFFFF  }
0xc0: {  	[dreg:$0x0] =	wrdreg $0xFFFFFFFF;
	(pc) =	sbr.abs _section_cstart, $3  }
0xc1: {  	[dreg:$0x1] =	wrdreg $0xFFFFFFFF  }
0xc2: {  	_ =	task.clear_ibuf [dreg:s7], $0x2FFFF;
	_ =	strace $0x9FFFFFFF  }
0xc3: {  	(tm) =	ssettm $0x7FFFFFFF  }
tec
execute0_lowered:
.L_overlay_start_1:
0x0: {  	(tag) =	ssettag $0x1  }
0x1: {  	s0 =	rddreg [dreg:$0x0]  }
0x2: {  	s1 =	rddreg [dreg:$0x1]  }
0x3: {  	s3 =	srdreg.scid;
	s2 =	rddreg [dreg:$0x2]  }
0x4: {  	s12 =	stileid.u32;
	s20 =	simm.s32 $0x200;
	s21 =	simm.s32 $0x7  }
0x5: {  	s28 =	simm.s32 $0x5;
	s29 =	simm.s32 $0x3;
	s5 =	smul.u32 $0x14000, s12  }
0x6: {  	s30 =	simm.s32 $0x2;
	s31 =	simm.s32 $0x6;
	s8 =	smul.u32 $0x50000, s12  }
0x7: {  	s6 =	sand.u32 $0x1, s3;
	s3 =	simm.s32 $0x0;
	s13 =	smul.u32 $0x2800, s12  }
0x8: {  	s7 =	sadd.s32 $0x3200, s1;
	s4 =	smul.u32 $0x140000, s6;
	[smem:$0x7FF] =	sst s3  }
0x9: {  	s22 =	ssub.s32 $0x2, s6;
	s9 =	sshll.u32 s6, $0x4;
	s6 =	smul.u32 $0x28000, s6  }
0xa: {  	_ =	strace $0x8000004A;
	s10 =	sshrl.u32 s22, $0x1;
	s9 =	sor.u32 s12, s9  }
0xb: {  	s8 =	sshrl.u32 s8, $0x2;
	s5 =	sadd.s32 s5, s4;
	s4 =	sadd.s32 $0xD200, s1  }
0xc: {  	s15 =	ssub.s32 s22, s10;
	s9 =	smul.u32 $0x2800, s9;
	s6 =	sadd.s32 s13, s6  }
0xd: {  	s22 =	simm.s32 $0x100;
	s5 =	sshrl.u32 s5, $0x3;
	s25 =	sor.u32 $0x180, s6  }
0xe: {  	s15 =	smax.u32 s15, $0x1;
	s6 =	sor.u32 $0x100, s6;
	s1 =	sadd.s32 s5, s1  }
0xf: {  	s5 =	sadd.s32 s8, s2;
	s11 =	sshrl.u32 s9, $0x3;
	s26 =	sshrl.u32 s6, $0x3  }
0x10: {  	s8 =	sadd.s32 $0x4000, s5;
	s23 =	sadd.s32 $0x8000, s5;
	s24 =	sadd.s32 $0xC000, s5  }
0x11: {  	s9 =	sadd.s32 $0x10000, s5;
	s10 =	sadd.s32 s0, s11;
	s14 =	sor.u32 $0x10, s11  }
0x12: {  	s11 =	sadd.s32 s7, s11;
	s18 =	sadd.s32 s26, s7;
	[dreg:$0x4] =	wrdreg s8  }
0x13: {  	s19 =	sadd.s32 s26, s0;
	s26 =	simm.s32 $0x1;
	[dreg:$0x5] =	wrdreg s23  }
0x14: {  	[dreg:$0x6] =	wrdreg s24;
	s12 =	sadd.s32 s0, s14;
	s13 =	sadd.s32 s7, s14  }
0x15: {  	s14 =	sadd.s32 $0x35200, s1;
	s1 =	sshrl.u32 s25, $0x3;
	s23 =	simm.s32 $0x80  }
0x16: {  	s24 =	simm.s32 $0x180;
	s25 =	simm.s32 $0x4200;
	s16 =	sadd.s32 s1, s7  }
0x17: {  	v0 =	vimm.f32 $0.0e+00;
	s17 =	sadd.s32 s1, s0;
	s0 =	simm.s32 $0x4;
	s1 =	simm.s32 $0x0  }
.LBB2_1:
0x18: {  	s6 =	simm.s32 $0x0;
	s7 =	simm.s32 $0x200  }
.LBB2_2:
0x19: {  	p0 =	sne.s32 s7, $0xFE00;
	[tilespmem:s6+$0x270] =	vst v0  }
0x1a: {  	[tilespmem:s6+$0x200] =	vst v0  }
0x1b: {  	[tilespmem:s6+$0x210] =	vst v0  }
.Ltmp0:
0x1c: {  	[tilespmem:s6+$0x220] =	vst v0;
	(pc) =	sbr.rel @p0 .LBB2_2-.Ltmp0, $4  }
0x1d: {  	[tilespmem:s6+$0x230] =	vst v0  }
0x1e: {  	[tilespmem:s6+$0x240] =	vst v0  }
0x1f: {  	[tilespmem:s6+$0x250] =	vst v0  }
0x20: {  	[tilespmem:s6+$0x260] =	vst v0;
	s6 =	sshra.s32 s7, $0x2;
	s7 =	sadd.s32 $0x200, s7  }
0x21: {  	[tilespmem:s6+$0x270] =	vst v0  }
0x22: {  	[tilespmem:s6+$0x200] =	vst v0  }
0x23: {  	[tilespmem:s6+$0x210] =	vst v0  }
0x24: {  	[tilespmem:s6+$0x220] =	vst v0  }
0x25: {  	[tilespmem:s6+$0x230] =	vst v0  }
0x26: {  	[tilespmem:s6+$0x240] =	vst v0  }
0x27: {  	[tilespmem:s6+$0x250] =	vst v0  }
0x28: {  	[tilespmem:s6+$0x260] =	vst v0  }
0x29: {  	[spmem:s5] =	stream.linear.scatter [tilespmem:s20], [sflag:$0x7], $0x4000, $0x38;
	[tilespmem:$0x1C200] =	vst v63  }
0x2a: {  	_ =	swait.ge [sflag:s21], $0x4000  }
0x2b: {  	[sflag:s21] =	ssyncset.done $0x0  }
0x2c: {  	s7 =	rddreg [dreg:$0x4];
	[sflag:s21] =	ssyncadd.s32 $0xFFFFC000  }
0x2d: {  	[spmem:s7] =	stream.linear.scatter [tilespmem:s20], [sflag:$0x7], $0x4000, $0x38;
	[tilespmem:$0x1C200] =	vst v63  }
0x2e: {  	_ =	swait.ge [sflag:s21], $0x4000  }
0x2f: {  	[sflag:s21] =	ssyncset.done $0x0  }
0x30: {  	s8 =	rddreg [dreg:$0x5];
	[sflag:s21] =	ssyncadd.s32 $0xFFFFC000  }
0x31: {  	[spmem:s8] =	stream.linear.scatter [tilespmem:s20], [sflag:$0x7], $0x4000, $0x38;
	[tilespmem:$0x1C200] =	vst v63  }
0x32: {  	_ =	swait.ge [sflag:s21], $0x4000  }
0x33: {  	[sflag:s21] =	ssyncset.done $0x0  }
0x34: {  	s7 =	rddreg [dreg:$0x6];
	[sflag:s21] =	ssyncadd.s32 $0xFFFFC000  }
0x35: {  	[spmem:s7] =	stream.linear.scatter [tilespmem:s20], [sflag:$0x7], $0x4000, $0x38;
	[tilespmem:$0x1C200] =	vst v63  }
0x36: {  	_ =	swait.ge [sflag:s21], $0x4000  }
0x37: {  	[sflag:s21] =	ssyncset.done $0x0  }
0x38: {  	[sflag:s21] =	ssyncadd.s32 $0xFFFFC000  }
0x39: {  	[spmem:s9] =	stream.linear.scatter [tilespmem:s20], [sflag:$0x7], $0x4000, $0x38;
	[tilespmem:$0x1C200] =	vst v63  }
0x3a: {  	_ =	swait.ge [sflag:s21], $0x4000  }
0x3b: {  	[sflag:s21] =	ssyncset.done $0x0  }
0x3c: {  	[sflag:s21] =	ssyncadd.s32 $0xFFFFC000  }
0x3d: {  	s8 =	simm.s32 $0x0;
	[bflag:$0x0] =	sbarrier.arrive $0xFFFF  }
0x3e: {  	[tilespmem:s8], [sflag:$0x7] =	stream.linear.gather [hbm4b:s10+s8], $0x80, $0x38;
	[tilespmem:$0x1C200] =	vst v63  }
0x3f: {  	_ =	swait.ge [sflag:s21], $0x80  }
0x40: {  	[sflag:s21] =	ssyncset.done $0x0  }
0x41: {  	[sflag:s21] =	ssyncadd.s32 $0xFFFFFF80  }
0x42: {  	[tilespmem:s22], [sflag:$0x5] =	stream.linear.gather [hbm4b:s11+s8], $0x80, $0x38;
	[tilespmem:$0x1C200] =	vst v63  }
0x43: {  	_ = 	snop  }
0x44: {  	[tilespmem:s20], [sflag:$0x1] =	stream.indirect.gather [hbm4b:s4+s23], $0x80, s8, s23, $0xb8;
	[tilespmem:$0x1C200] =	vst v63  }
0x45: {  	_ = 	snop  }
0x46: {  	[tilespmem:s23], [sflag:$0x7] =	stream.linear.gather [hbm4b:s12+s8], $0x80, $0x38;
	[tilespmem:$0x1C200] =	vst v63  }
0x47: {  	_ =	swait.ge [sflag:s21], $0x80  }
0x48: {  	[sflag:s21] =	ssyncset.done $0x0  }
0x49: {  	[sflag:s21] =	ssyncadd.s32 $0xFFFFFF80  }
0x4a: {  	[tilespmem:s24], [sflag:$0x6] =	stream.linear.gather [hbm4b:s13+s8], $0x80, $0x38;
	[tilespmem:$0x1C200] =	vst v63  }
0x4b: {  	_ = 	snop  }
0x4c: {  	[tilespmem:s25], [sflag:$0x2] =	stream.indirect.gather [hbm4b:s4+s23], $0x80, s23, s23, $0xb8;
	[tilespmem:$0x1C200] =	vst v63  }
0x4d: {  	_ =	swait.ge [sflag:s26], $0x4000  }
0x4e: {  	[sflag:s26] =	ssyncset.done $0x0  }
0x4f: {  	s7 =	sadd.s32 $0x0, s19;
	[sflag:s26] =	ssyncadd.s32 $0xFFFFC000  }
0x50: {  	[tilespmem:s3], [sflag:$0x3] =	stream.linear.gather [hbm4b:s7+s3], $0x80, $0x38;
	[tilespmem:$0x1C200] =	vst v63  }
0x51: {  	_ =	swait.ge [sflag:s28], $0x80  }
0x52: {  	[sflag:s28] =	ssyncset.done $0x0  }
0x53: {  	[sflag:s28] =	ssyncadd.s32 $0xFFFFFF80  }
0x54: {  	[spmem:s2] =	stream.indirect.scatter.add.f32 [tilespmem:s20], [sflag:$0x7], $0x80, s22, s23, $0xb8;
	[tilespmem:$0x1C200] =	vst v63  }
0x55: {  	_ =	swait.ge [sflag:s21], $0x4000  }
0x56: {  	[sflag:s21] =	ssyncset.done $0x0  }
0x57: {  	s8 =	sadd.s32 $0x0, s18;
	[sflag:s21] =	ssyncadd.s32 $0xFFFFC000  }
0x58: {  	[tilespmem:s22], [sflag:$0x5] =	stream.linear.gather [hbm4b:s8+s3], $0x80, $0x38;
	[tilespmem:$0x1C200] =	vst v63  }
0x59: {  	_ =	swait.ge [sflag:s29], $0x80  }
0x5a: {  	[sflag:s29] =	ssyncset.done $0x0  }
0x5b: {  	[sflag:s29] =	ssyncadd.s32 $0xFFFFFF80  }
0x5c: {  	[tilespmem:s20], [sflag:$0x1] =	stream.indirect.gather [hbm4b:s4+s23], $0x80, s3, s23, $0xb8;
	[tilespmem:$0x1C200] =	vst v63  }
0x5d: {  	_ =	swait.ge [sflag:s30], $0x4000  }
0x5e: {  	[sflag:s30] =	ssyncset.done $0x0  }
0x5f: {  	s7 =	sadd.s32 $0x0, s17;
	[sflag:s30] =	ssyncadd.s32 $0xFFFFC000  }
0x60: {  	[tilespmem:s23], [sflag:$0x4] =	stream.linear.gather [hbm4b:s7+s3], $0x80, $0x38;
	[tilespmem:$0x1C200] =	vst v63  }
0x61: {  	_ =	swait.ge [sflag:s31], $0x80  }
0x62: {  	[sflag:s31] =	ssyncset.done $0x0  }
0x63: {  	[sflag:s31] =	ssyncadd.s32 $0xFFFFFF80  }
0x64: {  	[spmem:s2] =	stream.indirect.scatter.add.f32 [tilespmem:s25], [sflag:$0x7], $0x80, s24, s23, $0xb8;
	[tilespmem:$0x1C200] =	vst v63  }
0x65: {  	_ =	swait.ge [sflag:s21], $0x4000  }
0x66: {  	[sflag:s21] =	ssyncset.done $0x0  }
0x67: {  	s8 =	sadd.s32 $0x0, s16;
	[sflag:s21] =	ssyncadd.s32 $0xFFFFC000  }
0x68: {  	[tilespmem:s24], [sflag:$0x6] =	stream.linear.gather [hbm4b:s8+s3], $0x80, $0x38;
	[tilespmem:$0x1C200] =	vst v63  }
0x69: {  	_ =	swait.ge [sflag:s0], $0x80  }
0x6a: {  	[sflag:s0] =	ssyncset.done $0x0  }
0x6b: {  	s6 =	simm.s32 $0x20;
	[sflag:s0] =	ssyncadd.s32 $0xFFFFFF80  }
.LBB2_4:
0x6c: {  	[tilespmem:s25], [sflag:$0x2] =	stream.indirect.gather [hbm4b:s4+s23], $0x80, s23, s23, $0xb8;
	[tilespmem:$0x1C200] =	vst v63  }
0x6d: {  	s7 =	smov.u32 s6  }
0x6e: {  	p0 =	sne.s32 s6, $0x4C0;
	s6 =	sadd.s32 $0x20, s6;
	_ =	swait.ge [sflag:s26], $0x4000  }
0x6f: {  	[sflag:s26] =	ssyncset.done $0x0  }
0x70: {  	s8 =	sadd.s32 s7, s19;
	[sflag:s26] =	ssyncadd.s32 $0xFFFFC000  }
0x71: {  	[tilespmem:s3], [sflag:$0x3] =	stream.linear.gather [hbm4b:s8+s3], $0x80, $0x38;
	[tilespmem:$0x1C200] =	vst v63  }
0x72: {  	_ =	swait.ge [sflag:s28], $0x80  }
0x73: {  	[sflag:s28] =	ssyncset.done $0x0  }
0x74: {  	[sflag:s28] =	ssyncadd.s32 $0xFFFFFF80  }
0x75: {  	[spmem:s2] =	stream.indirect.scatter.add.f32 [tilespmem:s20], [sflag:$0x7], $0x80, s22, s23, $0xb8;
	[tilespmem:$0x1C200] =	vst v63  }
0x76: {  	_ =	swait.ge [sflag:s21], $0x4000  }
0x77: {  	[sflag:s21] =	ssyncset.done $0x0  }
0x78: {  	s8 =	sadd.s32 s7, s18;
	[sflag:s21] =	ssyncadd.s32 $0xFFFFC000  }
0x79: {  	[tilespmem:s22], [sflag:$0x5] =	stream.linear.gather [hbm4b:s8+s3], $0x80, $0x38;
	[tilespmem:$0x1C200] =	vst v63  }
0x7a: {  	_ =	swait.ge [sflag:s29], $0x80  }
0x7b: {  	[sflag:s29] =	ssyncset.done $0x0  }
0x7c: {  	[sflag:s29] =	ssyncadd.s32 $0xFFFFFF80  }
0x7d: {  	[tilespmem:s20], [sflag:$0x1] =	stream.indirect.gather [hbm4b:s4+s23], $0x80, s3, s23, $0xb8;
	[tilespmem:$0x1C200] =	vst v63  }
0x7e: {  	_ =	swait.ge [sflag:s30], $0x4000  }
0x7f: {  	[sflag:s30] =	ssyncset.done $0x0  }
0x80: {  	s8 =	sadd.s32 s7, s17;
	[sflag:s30] =	ssyncadd.s32 $0xFFFFC000  }
0x81: {  	[tilespmem:s23], [sflag:$0x4] =	stream.linear.gather [hbm4b:s8+s3], $0x80, $0x38;
	[tilespmem:$0x1C200] =	vst v63  }
0x82: {  	_ =	swait.ge [sflag:s31], $0x80  }
0x83: {  	[sflag:s31] =	ssyncset.done $0x0  }
0x84: {  	[sflag:s31] =	ssyncadd.s32 $0xFFFFFF80  }
0x85: {  	[spmem:s2] =	stream.indirect.scatter.add.f32 [tilespmem:s25], [sflag:$0x7], $0x80, s24, s23, $0xb8;
	[tilespmem:$0x1C200] =	vst v63  }
0x86: {  	_ =	swait.ge [sflag:s21], $0x4000  }
0x87: {  	[sflag:s21] =	ssyncset.done $0x0  }
.Ltmp1:
0x88: {  	s7 =	sadd.s32 s7, s16;
	[sflag:s21] =	ssyncadd.s32 $0xFFFFC000;
	(pc) =	sbr.rel @p0 .LBB2_4-.Ltmp1, $4  }
0x89: {  	[tilespmem:s24], [sflag:$0x6] =	stream.linear.gather [hbm4b:s7+s3], $0x80, $0x38;
	[tilespmem:$0x1C200] =	vst v63  }
0x8a: {  	_ =	swait.ge [sflag:s0], $0x80  }
0x8b: {  	[sflag:s0] =	ssyncset.done $0x0  }
0x8c: {  	[sflag:s0] =	ssyncadd.s32 $0xFFFFFF80  }
0x8d: {  	[tilespmem:s25], [sflag:$0x2] =	stream.indirect.gather [hbm4b:s4+s23], $0x80, s23, s23, $0xb8;
	[tilespmem:$0x1C200] =	vst v63  }
0x8e: {  	_ =	swait.ge [sflag:s26], $0x4000  }
0x8f: {  	[sflag:s26] =	ssyncset.done $0x0  }
0x90: {  	[sflag:s26] =	ssyncadd.s32 $0xFFFFC000  }
0x91: {  	_ =	swait.ge [sflag:s28], $0x80  }
0x92: {  	[sflag:s28] =	ssyncset.done $0x0  }
0x93: {  	[sflag:s28] =	ssyncadd.s32 $0xFFFFFF80  }
0x94: {  	[spmem:s2] =	stream.indirect.scatter.add.f32 [tilespmem:s20], [sflag:$0x7], $0x80, s22, s23, $0xb8;
	[tilespmem:$0x1C200] =	vst v63  }
0x95: {  	_ =	swait.ge [sflag:s21], $0x4000  }
0x96: {  	[sflag:s21] =	ssyncset.done $0x0  }
0x97: {  	[sflag:s21] =	ssyncadd.s32 $0xFFFFC000  }
0x98: {  	_ =	swait.ge [sflag:s30], $0x4000  }
0x99: {  	[sflag:s30] =	ssyncset.done $0x0  }
0x9a: {  	[sflag:s30] =	ssyncadd.s32 $0xFFFFC000  }
0x9b: {  	_ =	swait.ge [sflag:s31], $0x80  }
0x9c: {  	[sflag:s31] =	ssyncset.done $0x0  }
0x9d: {  	[sflag:s31] =	ssyncadd.s32 $0xFFFFFF80  }
0x9e: {  	[spmem:s2] =	stream.indirect.scatter.add.f32 [tilespmem:s25], [sflag:$0x7], $0x80, s24, s23, $0xb8;
	[tilespmem:$0x1C200] =	vst v63  }
0x9f: {  	s6 =	stileid.u32;
	_ =	swait.ge [sflag:s21], $0x4000  }
0xa0: {  	s7 =	sshrl.u32 s5, $0x3;
	s1 =	sadd.s32 $0x1, s1;
	[sflag:s21] =	ssyncset.done $0x0  }
0xa1: {  	s6 =	sshll.u32 s6, $0x6;
	p0 =	sne.s32 s1, s15;
	[sflag:s21] =	ssyncadd.s32 $0xFFFFC000  }
.Ltmp2:
0xa2: {  	s6 =	sor.u32 $0x1C07, s6;
	[bflag:$0x0] =	sbarrier.arrive $0xFFFF;
	(pc) =	sbr.rel @p0 .LBB2_1-.Ltmp2, $4  }
0xa3: {  	[hbm:s14], [sflag:s6] =	dma.local [spmem:s7], $0x2800  }
0xa4: {  	_ =	swait.ge [sflag:s21], $0x2800  }
0xa5: {  	[sflag:s21] =	ssyncset.done $0x0  }
0xa6: {  	[sflag:s21] =	ssyncadd.s32 $0xFFFFD800  }
0xa7: {  	_ =	sfence.sel $0x180000  }
0xa8: {  	[bflag:$0x0] =	sbarrier.arrive $0xFFFF  }
0xa9: {  	_ =	strace $0x9000004A  }
0xaa: {  	s0 =	stileid.u32;
	[bflag:$0x2] =	sbarrier.arrive $0xFFFF  }
0xab: {  	p0 =	sne.s32 s0, $0x0;
	s0 =	rddreg [dreg:$0x3]  }
0xac: {  	s0 =	sadd.s32 @!p0 $0x100000, s0  }
0xad: {  	[sflag:s0] =	ssyncadd.tile.s32 @!p0 $0x1;
	_ =	shalt  }
.Lfunc_end2:
_tile_overlayer_lowered:
.L_overlay_start_2:
0xae: {  	(tag) =	ssettag $0x2  }
0xaf: {  	s0 =	rddreg [dreg:$0x0];
	s2 =	stileid.u32  }
0xb0: {  	s1 =	rddreg [dreg:$0x1];
	p0 =	sne.s32 s2, $0x0  }
0xb1: {  	s3 =	rddreg [dreg:$0x2];
	[bflag:$0x3] =	sbarrier.arrive $0xFFFF;
	s2 =	simm.s32 @!p0 $0x1C07  }
0xb2: {  	[timem:s3], [sflag:s2] =	dma.local @!p0 [hbm:s0], s1  }
0xb3: {  	s0 =	simm.s32 @!p0 $0x7  }
0xb4: {  	_ =	swait.ge @!p0 [sflag:s0], s1  }
0xb5: {  	s1 =	ssub.s32 @!p0 $0x0, s1;
	[sflag:s0] =	ssyncset.done @!p0 $0x0  }
0xb6: {  	[sflag:s0] =	ssyncadd.s32 @!p0 s1  }
0xb7: {  	[bflag:$0x3] =	sbarrier.arrive $0xFFFF  }
0xb8: {  	_ =	shalt  }

// kernel: kernel.17.cloned.1.call-start
scs
__scs_entry_jumppad:
0x0: {  	(pc) =	sbr.rel $0x88, $3  }
0x1: {  	(tag) =	ssettag $0x0;
	lr =	simm.s32 $0x1  }
0x2: {  	[smem:$0x3F99] =	sst lr;
	_ =	strace $0xD0000000  }
0x3: {  	_ = 	snop  }
0x4: {  	_ = 	snop  }
0x5: {  	_ = 	snop  }
0x6: {  	_ = 	snop  }
0x7: {  	_ = 	snop  }
__scs_overlays_trampoline_lowered:
0x8: {  	[smem:$0x3FA8] =	sst s0  }
0x9: {  	[smem:$0x3FA9] =	sst s1  }
0xa: {  	[smem:$0x3FAA] =	sst s2  }
0xb: {  	[smem:$0x3FAB] =	sst s3  }
0xc: {  	[smem:$0x3FAC] =	sst s4  }
0xd: {  	[smem:$0x3FAD] =	sst s5  }
0xe: {  	[smem:$0x3FAE] =	sst s6  }
0xf: {  	[smem:$0x3FAF] =	sst s7  }
0x10: {  	[smem:$0x3FB0] =	sst s8  }
0x11: {  	[smem:$0x3FB1] =	sst s9;
	s0 =	simm.s32 @!p0 $0x0  }
0x12: {  	s1 =	sld [smem:$0x3F97];
	s0 =	simm.s32 @p0 $0x1  }
0x13: {  	[smem:$0x3FB2] =	sst s0;
	s0 =	simm.s32 @!p1 $0x0  }
0x14: {  	s2 =	sld [smem:$0x3F96];
	s0 =	simm.s32 @p1 $0x1  }
0x15: {  	[smem:$0x3FB3] =	sst s0;
	s0 =	simm.s32 @!p2 $0x0  }
0x16: {  	s3 =	sld [smem:$0x3FDB];
	s0 =	simm.s32 @p2 $0x1  }
0x17: {  	s4 =	simm.s32 $0x1BF5;
	[smem:$0x3FB5] =	sst s0  }
0x18: {  	s0 =	sld [smem:$0x3F98];
	_ =	swait.ge [sflag:s4], $0x0  }
0x19: {  	s7 =	sld [smem:$0x3F99]  }
0x1a: {  	s8 =	sadd.s32 $0xFFFFE003, lr  }
0x1b: {  	s9 =	sadd.s32 $0xFFFFFEF7, lr;
	s5 =	simm.s32 $0xFFFFFFFF;
	p2 =	slt.u32 s8, $0xFFFFF086  }
0x1c: {  	p1 =	slt.u32 s9, $0xF7A;
	s5 =	simm.s32 @!p2 $0x0  }
0x1d: {  	s5 =	simm.s32 @p1 $0x1;
	p0 =	seq.s32 s7, s2  }
0x1e: {  	s7 =	smul.u32 @!p0 $0xF7A, s2;
	p2 =	seq.s32 @!p0 s5, $0x0  }
0x1f: {  	s9 =	smul.u32 $0xF7A, s1;
	s8 =	simm.s32 @!p0 $0x1BF5;
	p2 =	por !p2, p0  }
0x20: {  	[sflag:s8] =	ssyncset.s32 @!p0 $0xFFFFF086;
	s6 =	sadd.s32 @!p0 s3, s7;
	s7 =	simm.s32 @!p0 $0x108  }
0x21: {  	s3 =	sadd.s32 s3, s9;
	s6 =	sadd.s32 @!p0 $0x88, s6;
	s7 =	simm.s32 @p2 $0x1082  }
0x22: {  	[simem:s7], [sflag:s8] =	dma.local @!p0 [hbm:s6], $0xF7A  }
0x23: {  	s9 =	sor.u32 $0xD0000000, s2;
	s6 =	simm.s32 $0x108;
	_ =	swait.ge @!p0 [sflag:s8], $0x0  }
0x24: {  	s3 =	sadd.s32 $0x88, s3;
	s6 =	simm.s32 @!p1 $0x1082;
	[sflag:s4] =	ssyncset.s32 $0xFFFFF086  }
0x25: {  	[simem:s6], [sflag:s4] =	dma.local [hbm:s3], $0xF7A  }
0x26: {  	[smem:$0x3F99] =	sst s1;
	(tag) =	ssettag s2;
	_ =	strace s9  }
0x27: {  	s1 =	sld [smem:$0x3FA9]  }
0x28: {  	s2 =	sld [smem:$0x3FAA]  }
0x29: {  	s4 =	sld [smem:$0x3FAC]  }
0x2a: {  	p0 =	seq.s32 s5, $0x0;
	s5 =	sld [smem:$0x3FAD]  }
0x2b: {  	s6 =	sld [smem:$0x3FAE]  }
0x2c: {  	s7 =	sld [smem:$0x3FAF]  }
0x2d: {  	s3 =	simm.s32 $0x108;
	s8 =	sld [smem:$0x3FB0]  }
0x2e: {  	s3 =	simm.s32 @!p0 $0x1082;
	s9 =	sld [smem:$0x3FB1]  }
0x2f: {  	lr =	sadd.s32 s0, s3;
	s0 =	sld [smem:$0x3FA8]  }
0x30: {  	s3 =	sld [smem:$0x3FAB]  }
0x31: {  	[smem:$0x3FB4] =	sst s10  }
0x32: {  	s10 =	sld [smem:$0x3FB2];
	_ =	sdelay $0x3  }
0x33: {  	p0 =	seq.s32 s10, $0x1;
	s10 =	sld [smem:$0x3FB4];
	_ =	sdelay $0x3  }
0x34: {  	[smem:$0x3FB4] =	sst s10  }
0x35: {  	s10 =	sld [smem:$0x3FB3];
	_ =	sdelay $0x3  }
0x36: {  	p1 =	seq.s32 s10, $0x1;
	s10 =	sld [smem:$0x3FB4];
	_ =	sdelay $0x3  }
0x37: {  	[smem:$0x3FB4] =	sst s10  }
0x38: {  	s10 =	sld [smem:$0x3FB5]  }
0x39: {  	_ = 	snop;
	(pc) =	sbr.ind lr, $3  }
0x3a: {  	_ = 	snop  }
0x3b: {  	_ = 	snop  }
0x3c: {  	p2 =	seq.s32 s10, $0x1;
	s10 =	sld [smem:$0x3FB4]  }
0x3d: {  	_ =	shalt  }
0x3e: {  	_ =	shalt  }
0x3f: {  	_ =	shalt  }
0x40: {  	_ =	shalt  }
0x41: {  	_ =	shalt  }
0x42: {  	_ =	shalt  }
0x43: {  	_ =	shalt  }
0x44: {  	_ =	shalt  }
0x45: {  	_ =	shalt  }
0x46: {  	_ =	shalt  }
0x47: {  	_ =	shalt  }
0x48: {  	_ =	shalt  }
0x49: {  	_ =	shalt  }
0x4a: {  	_ =	shalt  }
0x4b: {  	_ =	shalt  }
0x4c: {  	_ =	shalt  }
0x4d: {  	_ =	shalt  }
0x4e: {  	_ =	shalt  }
0x4f: {  	_ =	shalt  }
0x50: {  	_ =	shalt  }
0x51: {  	_ =	shalt  }
0x52: {  	_ =	shalt  }
0x53: {  	_ =	shalt  }
0x54: {  	_ =	shalt  }
0x55: {  	_ =	shalt  }
0x56: {  	_ =	shalt  }
0x57: {  	_ =	shalt  }
0x58: {  	_ =	shalt  }
0x59: {  	_ =	shalt  }
0x5a: {  	_ =	shalt  }
0x5b: {  	_ =	shalt  }
0x5c: {  	_ =	shalt  }
0x5d: {  	_ =	shalt  }
0x5e: {  	_ =	shalt  }
0x5f: {  	_ =	shalt  }
0x60: {  	_ =	shalt  }
0x61: {  	_ =	shalt  }
0x62: {  	_ =	shalt  }
0x63: {  	_ =	shalt  }
0x64: {  	_ =	shalt  }
0x65: {  	_ =	shalt  }
0x66: {  	_ =	shalt  }
0x67: {  	_ =	shalt  }
0x68: {  	_ =	shalt  }
0x69: {  	_ =	shalt  }
0x6a: {  	_ =	shalt  }
0x6b: {  	_ =	shalt  }
0x6c: {  	_ =	shalt  }
0x6d: {  	_ =	shalt  }
0x6e: {  	_ =	shalt  }
0x6f: {  	_ =	shalt  }
0x70: {  	_ =	shalt  }
0x71: {  	_ =	shalt  }
0x72: {  	_ =	shalt  }
0x73: {  	_ =	shalt  }
0x74: {  	_ =	shalt  }
0x75: {  	_ =	shalt  }
0x76: {  	_ =	shalt  }
0x77: {  	_ =	shalt  }
0x78: {  	_ =	shalt  }
0x79: {  	_ =	shalt  }
0x7a: {  	_ =	shalt  }
0x7b: {  	_ =	shalt  }
0x7c: {  	_ =	shalt  }
0x7d: {  	_ =	shalt  }
0x7e: {  	_ =	shalt  }
0x7f: {  	_ =	shalt  }
0x80: {  	_ =	shalt  }
0x81: {  	_ =	shalt  }
0x82: {  	_ =	shalt  }
0x83: {  	_ =	shalt  }
0x84: {  	_ =	shalt  }
0x85: {  	_ =	shalt  }
0x86: {  	_ =	shalt  }
0x87: {  	_ =	shalt  }
.Lfunc_end0:
.L_simem_size_0:
called_computation.2_lowered:
.L_overlay_start_0:
0x88: {  	s2 =	sld [smem:$0x3FD9]  }
0x89: {  	s3 =	sld [smem:$0x3FFE];
	_ =	sdelay $0x1  }
0x8a: {  	s1 =	srdreg.scid  }
0x8b: {  	s0 =	sand.u32 $0x1, s1  }
0x8c: {  	s17 =	sshll.u32 s0, $0xA;
	s2 =	sadd.s32 s3, s2  }
0x8d: {  	s2 =	sadd.s32 s2, s17  }
0x8e: {  	[smem:$0x3FC0] =	sst s2  }
0x8f: {  	_ = 	snop  }
0x90: {  	s2 =	sld [smem:$0x3FD0];
	(tm) =	ssettm $0x1  }
0x91: {  	s18 =	sld [smem:$0x3FFB];
	_ =	sdelay $0x3  }
0x92: {  	_ =	strace s18  }
0x93: {  	s3 =	sld [smem:$0x3FFC];
	_ =	sdelay $0x3  }
0x94: {  	_ =	strace s3  }
0x95: {  	s3 =	sld [smem:$0x3FFD];
	_ =	sdelay $0x3  }
0x96: {  	_ =	strace s3  }
0x97: {  	_ =	strace $0x8FFFFFFF  }
0x98: {  	s19 =	sld [smem:$0x3FDB];
	_ =	sdelay $0x1  }
0x99: {  	s4 =	simm.s32 $_scs_section_size  }
0x9a: {  	s5 =	simm.s32 $_size__tile_overlayer_lowered;
	s6 =	simm.s32 $_tile_overlayer_lowered  }
0x9b: {  	s22 =	simm.s32 $0x1BFF;
	s21 =	sshll.u32 s6, $0x1;
	s3 =	sadd.s32 s4, s19  }
0x9c: {  	s7 =	simm.s32 $0x0;
	s20 =	sshll.u32 s5, $0x1;
	s5 =	sadd.s32 s21, s3  }
0x9d: {  	[timem:s7], [sflag:s22] =	dma.local [hbm:s5], s20  }
0x9e: {  	_ =	swait.ge [sflag:s22], s20  }
0x9f: {  	s4 =	ssub.s32 $0x0, s20;
	[sflag:s22] =	ssyncset.done $0x0  }
0xa0: {  	[sflag:s22] =	ssyncadd.s32 s4;
	_ =	sdelay $0x1  }
0xa1: {  	s23 =	simm.s32 $0x1B8B  }
0xa2: {  	_ =	swait.ge [sflag:s23], $0x1  }
0xa3: {  	[sflag:s23] =	ssyncset.done $0x0  }
0xa4: {  	s25 =	simm.s32 $0x1B8E;
	s24 =	sld [smem:$0x3FFE];
	[sflag:s23] =	ssyncadd.s32 $0xFFFFFFFF  }
0xa5: {  	s26 =	simm.s32 $execute0_lowered;
	[smem:$0x3FD2] =	sst s25  }
0xa6: {  	s5 =	sshll.u32 s26, $0x1;
	_ =	strace $0x8000004C;
	[dreg:$0x1] =	wrdreg $0xFFFFFFFF  }
0xa7: {  	s28 =	simm.s32 $_size_execute0_lowered;
	s3 =	sadd.s32 s3, s5;
	[dreg:$0x0] =	wrdreg $0x0  }
0xa8: {  	s5 =	sshll.u32 s28, $0x1;
	[dreg:$0x2] =	wrdreg s3  }
0xa9: {  	[dreg:$0x3] =	wrdreg s5  }
0xaa: {  	[dreg:$0x4] =	wrdreg $0xC0  }
0xab: {  	_ =	task [dreg:s7], $0x5FFFF  }
0xac: {  	[dreg:$0x1] =	wrdreg $0xFFFFFFFF  }
0xad: {  	[dreg:$0x0] =	wrdreg $0x60  }
0xae: {  	[dreg:$0x2] =	wrdreg s2  }
0xaf: {  	[dreg:$0x3] =	wrdreg s24  }
0xb0: {  	[dreg:$0x4] =	wrdreg $0x82000  }
0xb1: {  	[dreg:$0x5] =	wrdreg $0x9  }
0xb2: {  	_ =	task.clear_ibuf [dreg:s7], $0x6FFFF;
	_ =	strace $0x9000004C  }
0xb3: {  	s29 =	simm.s32 $0x9;
	_ =	strace $0x8000004E  }
0xb4: {  	_ =	swait.ge [sflag:s29], $0x1  }
0xb5: {  	[sflag:s29] =	ssyncadd.s32 $0xFFFFFFFF  }
0xb6: {  	_ =	strace $0x9000004E  }
0xb7: {  	_ =	sfence  }
0xb8: {  	s30 =	sld [smem:$0x0];
	_ =	sdelay $0x2  }
0xb9: {  	s31 =	sshll.u32 s1, $0xD;
	s1 =	sshrl.u32 s1, $0x2  }
0xba: {  	s3 =	sand.u32 $0x4000, s31;
	s1 =	sadd.s32 s1, s30  }
0xbb: {  	s0 =	sor.u32 s3, s0;
	s1 =	sshll.u32 s1, $0x11  }
0xbc: {  	s0 =	sor.u32 s1, s0  }
0xbd: {  	s0 =	sadd.s32 $0x8F2B, s0  }
0xbe: {  	[sflag:s0] =	ssyncadd.remote.s32 $0x1  }
0xbf: {  	_ =	sfence.sel $0xFFFF  }
0xc0: {  	[dreg:$0x0] =	wrdreg $0xFFFFFFFF;
	(pc) =	sbr.abs _section_cstart, $3  }
0xc1: {  	[dreg:$0x1] =	wrdreg $0xFFFFFFFF  }
0xc2: {  	_ =	task.clear_ibuf [dreg:s7], $0x2FFFF;
	_ =	strace $0x9FFFFFFF  }
0xc3: {  	(tm) =	ssettm $0x7FFFFFFF  }
tec
execute0_lowered:
.L_overlay_start_1:
0x0: {  	(tag) =	ssettag $0x1  }
0x1: {  	s0 =	rddreg [dreg:$0x0]  }
0x2: {  	s1 =	rddreg [dreg:$0x1]  }
0x3: {  	s3 =	srdreg.scid;
	s2 =	rddreg [dreg:$0x2]  }
0x4: {  	s12 =	stileid.u32;
	s20 =	simm.s32 $0x200;
	s21 =	simm.s32 $0x7  }
0x5: {  	s28 =	simm.s32 $0x5;
	s29 =	simm.s32 $0x3;
	s5 =	smul.u32 $0x14000, s12  }
0x6: {  	s30 =	simm.s32 $0x2;
	s31 =	simm.s32 $0x6;
	s8 =	smul.u32 $0x50000, s12  }
0x7: {  	s6 =	sand.u32 $0x1, s3;
	s3 =	simm.s32 $0x0;
	s13 =	smul.u32 $0x2800, s12  }
0x8: {  	s7 =	sadd.s32 $0x3200, s1;
	s4 =	smul.u32 $0x140000, s6;
	[smem:$0x7FF] =	sst s3  }
0x9: {  	s22 =	ssub.s32 $0x2, s6;
	s9 =	sshll.u32 s6, $0x4;
	s6 =	smul.u32 $0x28000, s6  }
0xa: {  	_ =	strace $0x8000004D;
	s10 =	sshrl.u32 s22, $0x1;
	s9 =	sor.u32 s12, s9  }
0xb: {  	s8 =	sshrl.u32 s8, $0x2;
	s5 =	sadd.s32 s5, s4;
	s4 =	sadd.s32 $0xD200, s1  }
0xc: {  	s15 =	ssub.s32 s22, s10;
	s9 =	smul.u32 $0x2800, s9;
	s6 =	sadd.s32 s13, s6  }
0xd: {  	s22 =	simm.s32 $0x100;
	s5 =	sshrl.u32 s5, $0x3;
	s25 =	sor.u32 $0x180, s6  }
0xe: {  	s15 =	smax.u32 s15, $0x1;
	s6 =	sor.u32 $0x100, s6;
	s1 =	sadd.s32 s5, s1  }
0xf: {  	s5 =	sadd.s32 s8, s2;
	s11 =	sshrl.u32 s9, $0x3;
	s26 =	sshrl.u32 s6, $0x3  }
0x10: {  	s8 =	sadd.s32 $0x4000, s5;
	s23 =	sadd.s32 $0x8000, s5;
	s24 =	sadd.s32 $0xC000, s5  }
0x11: {  	s9 =	sadd.s32 $0x10000, s5;
	s10 =	sadd.s32 s0, s11;
	s14 =	sor.u32 $0x10, s11  }
0x12: {  	s11 =	sadd.s32 s7, s11;
	s18 =	sadd.s32 s26, s7;
	[dreg:$0x4] =	wrdreg s8  }
0x13: {  	s19 =	sadd.s32 s26, s0;
	s26 =	simm.s32 $0x1;
	[dreg:$0x5] =	wrdreg s23  }
0x14: {  	[dreg:$0x6] =	wrdreg s24;
	s12 =	sadd.s32 s0, s14;
	s13 =	sadd.s32 s7, s14  }
0x15: {  	s14 =	sadd.s32 $0x35200, s1;
	s1 =	sshrl.u32 s25, $0x3;
	s23 =	simm.s32 $0x80  }
0x16: {  	s24 =	simm.s32 $0x180;
	s25 =	simm.s32 $0x4200;
	s16 =	sadd.s32 s1, s7  }
0x17: {  	v0 =	vimm.f32 $0.0e+00;
	s17 =	sadd.s32 s1, s0;
	s0 =	simm.s32 $0x4;
	s1 =	simm.s32 $0x0  }
.LBB2_1:
0x18: {  	s6 =	simm.s32 $0x0;
	s7 =	simm.s32 $0x200  }
.LBB2_2:
0x19: {  	p0 =	sne.s32 s7, $0xFE00;
	[tilespmem:s6+$0x270] =	vst v0  }
0x1a: {  	[tilespmem:s6+$0x200] =	vst v0  }
0x1b: {  	[tilespmem:s6+$0x210] =	vst v0  }
.Ltmp0:
0x1c: {  	[tilespmem:s6+$0x220] =	vst v0;
	(pc) =	sbr.rel @p0 .LBB2_2-.Ltmp0, $4  }
0x1d: {  	[tilespmem:s6+$0x230] =	vst v0  }
0x1e: {  	[tilespmem:s6+$0x240] =	vst v0  }
0x1f: {  	[tilespmem:s6+$0x250] =	vst v0  }
0x20: {  	[tilespmem:s6+$0x260] =	vst v0;
	s6 =	sshra.s32 s7, $0x2;
	s7 =	sadd.s32 $0x200, s7  }
0x21: {  	[tilespmem:s6+$0x270] =	vst v0  }
0x22: {  	[tilespmem:s6+$0x200] =	vst v0  }
0x23: {  	[tilespmem:s6+$0x210] =	vst v0  }
0x24: {  	[tilespmem:s6+$0x220] =	vst v0  }
0x25: {  	[tilespmem:s6+$0x230] =	vst v0  }
0x26: {  	[tilespmem:s6+$0x240] =	vst v0  }
0x27: {  	[tilespmem:s6+$0x250] =	vst v0  }
0x28: {  	[tilespmem:s6+$0x260] =	vst v0  }
0x29: {  	[spmem:s5] =	stream.linear.scatter [tilespmem:s20], [sflag:$0x7], $0x4000, $0x38;
	[tilespmem:$0x1C200] =	vst v63  }
0x2a: {  	_ =	swait.ge [sflag:s21], $0x4000  }
0x2b: {  	[sflag:s21] =	ssyncset.done $0x0  }
0x2c: {  	s7 =	rddreg [dreg:$0x4];
	[sflag:s21] =	ssyncadd.s32 $0xFFFFC000  }
0x2d: {  	[spmem:s7] =	stream.linear.scatter [tilespmem:s20], [sflag:$0x7], $0x4000, $0x38;
	[tilespmem:$0x1C200] =	vst v63  }
0x2e: {  	_ =	swait.ge [sflag:s21], $0x4000  }
0x2f: {  	[sflag:s21] =	ssyncset.done $0x0  }
0x30: {  	s8 =	rddreg [dreg:$0x5];
	[sflag:s21] =	ssyncadd.s32 $0xFFFFC000  }
0x31: {  	[spmem:s8] =	stream.linear.scatter [tilespmem:s20], [sflag:$0x7], $0x4000, $0x38;
	[tilespmem:$0x1C200] =	vst v63  }
0x32: {  	_ =	swait.ge [sflag:s21], $0x4000  }
0x33: {  	[sflag:s21] =	ssyncset.done $0x0  }
0x34: {  	s7 =	rddreg [dreg:$0x6];
	[sflag:s21] =	ssyncadd.s32 $0xFFFFC000  }
0x35: {  	[spmem:s7] =	stream.linear.scatter [tilespmem:s20], [sflag:$0x7], $0x4000, $0x38;
	[tilespmem:$0x1C200] =	vst v63  }
0x36: {  	_ =	swait.ge [sflag:s21], $0x4000  }
0x37: {  	[sflag:s21] =	ssyncset.done $0x0  }
0x38: {  	[sflag:s21] =	ssyncadd.s32 $0xFFFFC000  }
0x39: {  	[spmem:s9] =	stream.linear.scatter [tilespmem:s20], [sflag:$0x7], $0x4000, $0x38;
	[tilespmem:$0x1C200] =	vst v63  }
0x3a: {  	_ =	swait.ge [sflag:s21], $0x4000  }
0x3b: {  	[sflag:s21] =	ssyncset.done $0x0  }
0x3c: {  	[sflag:s21] =	ssyncadd.s32 $0xFFFFC000  }
0x3d: {  	s8 =	simm.s32 $0x0;
	[bflag:$0x0] =	sbarrier.arrive $0xFFFF  }
0x3e: {  	[tilespmem:s8], [sflag:$0x7] =	stream.linear.gather [hbm4b:s10+s8], $0x80, $0x38;
	[tilespmem:$0x1C200] =	vst v63  }
0x3f: {  	_ =	swait.ge [sflag:s21], $0x80  }
0x40: {  	[sflag:s21] =	ssyncset.done $0x0  }
0x41: {  	[sflag:s21] =	ssyncadd.s32 $0xFFFFFF80  }
0x42: {  	[tilespmem:s22], [sflag:$0x5] =	stream.linear.gather [hbm4b:s11+s8], $0x80, $0x38;
	[tilespmem:$0x1C200] =	vst v63  }
0x43: {  	_ = 	snop  }
0x44: {  	[tilespmem:s20], [sflag:$0x1] =	stream.indirect.gather [hbm4b:s4+s23], $0x80, s8, s23, $0xb8;
	[tilespmem:$0x1C200] =	vst v63  }
0x45: {  	_ = 	snop  }
0x46: {  	[tilespmem:s23], [sflag:$0x7] =	stream.linear.gather [hbm4b:s12+s8], $0x80, $0x38;
	[tilespmem:$0x1C200] =	vst v63  }
0x47: {  	_ =	swait.ge [sflag:s21], $0x80  }
0x48: {  	[sflag:s21] =	ssyncset.done $0x0  }
0x49: {  	[sflag:s21] =	ssyncadd.s32 $0xFFFFFF80  }
0x4a: {  	[tilespmem:s24], [sflag:$0x6] =	stream.linear.gather [hbm4b:s13+s8], $0x80, $0x38;
	[tilespmem:$0x1C200] =	vst v63  }
0x4b: {  	_ = 	snop  }
0x4c: {  	[tilespmem:s25], [sflag:$0x2] =	stream.indirect.gather [hbm4b:s4+s23], $0x80, s23, s23, $0xb8;
	[tilespmem:$0x1C200] =	vst v63  }
0x4d: {  	_ =	swait.ge [sflag:s26], $0x4000  }
0x4e: {  	[sflag:s26] =	ssyncset.done $0x0  }
0x4f: {  	s7 =	sadd.s32 $0x0, s19;
	[sflag:s26] =	ssyncadd.s32 $0xFFFFC000  }
0x50: {  	[tilespmem:s3], [sflag:$0x3] =	stream.linear.gather [hbm4b:s7+s3], $0x80, $0x38;
	[tilespmem:$0x1C200] =	vst v63  }
0x51: {  	_ =	swait.ge [sflag:s28], $0x80  }
0x52: {  	[sflag:s28] =	ssyncset.done $0x0  }
0x53: {  	[sflag:s28] =	ssyncadd.s32 $0xFFFFFF80  }
0x54: {  	[spmem:s2] =	stream.indirect.scatter.add.f32 [tilespmem:s20], [sflag:$0x7], $0x80, s22, s23, $0xb8;
	[tilespmem:$0x1C200] =	vst v63  }
0x55: {  	_ =	swait.ge [sflag:s21], $0x4000  }
0x56: {  	[sflag:s21] =	ssyncset.done $0x0  }
0x57: {  	s8 =	sadd.s32 $0x0, s18;
	[sflag:s21] =	ssyncadd.s32 $0xFFFFC000  }
0x58: {  	[tilespmem:s22], [sflag:$0x5] =	stream.linear.gather [hbm4b:s8+s3], $0x80, $0x38;
	[tilespmem:$0x1C200] =	vst v63  }
0x59: {  	_ =	swait.ge [sflag:s29], $0x80  }
0x5a: {  	[sflag:s29] =	ssyncset.done $0x0  }
0x5b: {  	[sflag:s29] =	ssyncadd.s32 $0xFFFFFF80  }
0x5c: {  	[tilespmem:s20], [sflag:$0x1] =	stream.indirect.gather [hbm4b:s4+s23], $0x80, s3, s23, $0xb8;
	[tilespmem:$0x1C200] =	vst v63  }
0x5d: {  	_ =	swait.ge [sflag:s30], $0x4000  }
0x5e: {  	[sflag:s30] =	ssyncset.done $0x0  }
0x5f: {  	s7 =	sadd.s32 $0x0, s17;
	[sflag:s30] =	ssyncadd.s32 $0xFFFFC000  }
0x60: {  	[tilespmem:s23], [sflag:$0x4] =	stream.linear.gather [hbm4b:s7+s3], $0x80, $0x38;
	[tilespmem:$0x1C200] =	vst v63  }
0x61: {  	_ =	swait.ge [sflag:s31], $0x80  }
0x62: {  	[sflag:s31] =	ssyncset.done $0x0  }
0x63: {  	[sflag:s31] =	ssyncadd.s32 $0xFFFFFF80  }
0x64: {  	[spmem:s2] =	stream.indirect.scatter.add.f32 [tilespmem:s25], [sflag:$0x7], $0x80, s24, s23, $0xb8;
	[tilespmem:$0x1C200] =	vst v63  }
0x65: {  	_ =	swait.ge [sflag:s21], $0x4000  }
0x66: {  	[sflag:s21] =	ssyncset.done $0x0  }
0x67: {  	s8 =	sadd.s32 $0x0, s16;
	[sflag:s21] =	ssyncadd.s32 $0xFFFFC000  }
0x68: {  	[tilespmem:s24], [sflag:$0x6] =	stream.linear.gather [hbm4b:s8+s3], $0x80, $0x38;
	[tilespmem:$0x1C200] =	vst v63  }
0x69: {  	_ =	swait.ge [sflag:s0], $0x80  }
0x6a: {  	[sflag:s0] =	ssyncset.done $0x0  }
0x6b: {  	s6 =	simm.s32 $0x20;
	[sflag:s0] =	ssyncadd.s32 $0xFFFFFF80  }
.LBB2_4:
0x6c: {  	[tilespmem:s25], [sflag:$0x2] =	stream.indirect.gather [hbm4b:s4+s23], $0x80, s23, s23, $0xb8;
	[tilespmem:$0x1C200] =	vst v63  }
0x6d: {  	s7 =	smov.u32 s6  }
0x6e: {  	p0 =	sne.s32 s6, $0x4C0;
	s6 =	sadd.s32 $0x20, s6;
	_ =	swait.ge [sflag:s26], $0x4000  }
0x6f: {  	[sflag:s26] =	ssyncset.done $0x0  }
0x70: {  	s8 =	sadd.s32 s7, s19;
	[sflag:s26] =	ssyncadd.s32 $0xFFFFC000  }
0x71: {  	[tilespmem:s3], [sflag:$0x3] =	stream.linear.gather [hbm4b:s8+s3], $0x80, $0x38;
	[tilespmem:$0x1C200] =	vst v63  }
0x72: {  	_ =	swait.ge [sflag:s28], $0x80  }
0x73: {  	[sflag:s28] =	ssyncset.done $0x0  }
0x74: {  	[sflag:s28] =	ssyncadd.s32 $0xFFFFFF80  }
0x75: {  	[spmem:s2] =	stream.indirect.scatter.add.f32 [tilespmem:s20], [sflag:$0x7], $0x80, s22, s23, $0xb8;
	[tilespmem:$0x1C200] =	vst v63  }
0x76: {  	_ =	swait.ge [sflag:s21], $0x4000  }
0x77: {  	[sflag:s21] =	ssyncset.done $0x0  }
0x78: {  	s8 =	sadd.s32 s7, s18;
	[sflag:s21] =	ssyncadd.s32 $0xFFFFC000  }
0x79: {  	[tilespmem:s22], [sflag:$0x5] =	stream.linear.gather [hbm4b:s8+s3], $0x80, $0x38;
	[tilespmem:$0x1C200] =	vst v63  }
0x7a: {  	_ =	swait.ge [sflag:s29], $0x80  }
0x7b: {  	[sflag:s29] =	ssyncset.done $0x0  }
0x7c: {  	[sflag:s29] =	ssyncadd.s32 $0xFFFFFF80  }
0x7d: {  	[tilespmem:s20], [sflag:$0x1] =	stream.indirect.gather [hbm4b:s4+s23], $0x80, s3, s23, $0xb8;
	[tilespmem:$0x1C200] =	vst v63  }
0x7e: {  	_ =	swait.ge [sflag:s30], $0x4000  }
0x7f: {  	[sflag:s30] =	ssyncset.done $0x0  }
0x80: {  	s8 =	sadd.s32 s7, s17;
	[sflag:s30] =	ssyncadd.s32 $0xFFFFC000  }
0x81: {  	[tilespmem:s23], [sflag:$0x4] =	stream.linear.gather [hbm4b:s8+s3], $0x80, $0x38;
	[tilespmem:$0x1C200] =	vst v63  }
0x82: {  	_ =	swait.ge [sflag:s31], $0x80  }
0x83: {  	[sflag:s31] =	ssyncset.done $0x0  }
0x84: {  	[sflag:s31] =	ssyncadd.s32 $0xFFFFFF80  }
0x85: {  	[spmem:s2] =	stream.indirect.scatter.add.f32 [tilespmem:s25], [sflag:$0x7], $0x80, s24, s23, $0xb8;
	[tilespmem:$0x1C200] =	vst v63  }
0x86: {  	_ =	swait.ge [sflag:s21], $0x4000  }
0x87: {  	[sflag:s21] =	ssyncset.done $0x0  }
.Ltmp1:
0x88: {  	s7 =	sadd.s32 s7, s16;
	[sflag:s21] =	ssyncadd.s32 $0xFFFFC000;
	(pc) =	sbr.rel @p0 .LBB2_4-.Ltmp1, $4  }
0x89: {  	[tilespmem:s24], [sflag:$0x6] =	stream.linear.gather [hbm4b:s7+s3], $0x80, $0x38;
	[tilespmem:$0x1C200] =	vst v63  }
0x8a: {  	_ =	swait.ge [sflag:s0], $0x80  }
0x8b: {  	[sflag:s0] =	ssyncset.done $0x0  }
0x8c: {  	[sflag:s0] =	ssyncadd.s32 $0xFFFFFF80  }
0x8d: {  	[tilespmem:s25], [sflag:$0x2] =	stream.indirect.gather [hbm4b:s4+s23], $0x80, s23, s23, $0xb8;
	[tilespmem:$0x1C200] =	vst v63  }
0x8e: {  	_ =	swait.ge [sflag:s26], $0x4000  }
0x8f: {  	[sflag:s26] =	ssyncset.done $0x0  }
0x90: {  	[sflag:s26] =	ssyncadd.s32 $0xFFFFC000  }
0x91: {  	_ =	swait.ge [sflag:s28], $0x80  }
0x92: {  	[sflag:s28] =	ssyncset.done $0x0  }
0x93: {  	[sflag:s28] =	ssyncadd.s32 $0xFFFFFF80  }
0x94: {  	[spmem:s2] =	stream.indirect.scatter.add.f32 [tilespmem:s20], [sflag:$0x7], $0x80, s22, s23, $0xb8;
	[tilespmem:$0x1C200] =	vst v63  }
0x95: {  	_ =	swait.ge [sflag:s21], $0x4000  }
0x96: {  	[sflag:s21] =	ssyncset.done $0x0  }
0x97: {  	[sflag:s21] =	ssyncadd.s32 $0xFFFFC000  }
0x98: {  	_ =	swait.ge [sflag:s30], $0x4000  }
0x99: {  	[sflag:s30] =	ssyncset.done $0x0  }
0x9a: {  	[sflag:s30] =	ssyncadd.s32 $0xFFFFC000  }
0x9b: {  	_ =	swait.ge [sflag:s31], $0x80  }
0x9c: {  	[sflag:s31] =	ssyncset.done $0x0  }
0x9d: {  	[sflag:s31] =	ssyncadd.s32 $0xFFFFFF80  }
0x9e: {  	[spmem:s2] =	stream.indirect.scatter.add.f32 [tilespmem:s25], [sflag:$0x7], $0x80, s24, s23, $0xb8;
	[tilespmem:$0x1C200] =	vst v63  }
0x9f: {  	s6 =	stileid.u32;
	_ =	swait.ge [sflag:s21], $0x4000  }
0xa0: {  	s7 =	sshrl.u32 s5, $0x3;
	s1 =	sadd.s32 $0x1, s1;
	[sflag:s21] =	ssyncset.done $0x0  }
0xa1: {  	s6 =	sshll.u32 s6, $0x6;
	p0 =	sne.s32 s1, s15;
	[sflag:s21] =	ssyncadd.s32 $0xFFFFC000  }
.Ltmp2:
0xa2: {  	s6 =	sor.u32 $0x1C07, s6;
	[bflag:$0x0] =	sbarrier.arrive $0xFFFF;
	(pc) =	sbr.rel @p0 .LBB2_1-.Ltmp2, $4  }
0xa3: {  	[hbm:s14], [sflag:s6] =	dma.local [spmem:s7], $0x2800  }
0xa4: {  	_ =	swait.ge [sflag:s21], $0x2800  }
0xa5: {  	[sflag:s21] =	ssyncset.done $0x0  }
0xa6: {  	[sflag:s21] =	ssyncadd.s32 $0xFFFFD800  }
0xa7: {  	_ =	sfence.sel $0x180000  }
0xa8: {  	[bflag:$0x0] =	sbarrier.arrive $0xFFFF  }
0xa9: {  	_ =	strace $0x9000004D  }
0xaa: {  	s0 =	stileid.u32;
	[bflag:$0x2] =	sbarrier.arrive $0xFFFF  }
0xab: {  	p0 =	sne.s32 s0, $0x0;
	s0 =	rddreg [dreg:$0x3]  }
0xac: {  	s0 =	sadd.s32 @!p0 $0x100000, s0  }
0xad: {  	[sflag:s0] =	ssyncadd.tile.s32 @!p0 $0x1;
	_ =	shalt  }
.Lfunc_end2:
_tile_overlayer_lowered:
.L_overlay_start_2:
0xae: {  	(tag) =	ssettag $0x2  }
0xaf: {  	s0 =	rddreg [dreg:$0x0];
	s2 =	stileid.u32  }
0xb0: {  	s1 =	rddreg [dreg:$0x1];
	p0 =	sne.s32 s2, $0x0  }
0xb1: {  	s3 =	rddreg [dreg:$0x2];
	[bflag:$0x3] =	sbarrier.arrive $0xFFFF;
	s2 =	simm.s32 @!p0 $0x1C07  }
0xb2: {  	[timem:s3], [sflag:s2] =	dma.local @!p0 [hbm:s0], s1  }
0xb3: {  	s0 =	simm.s32 @!p0 $0x7  }
0xb4: {  	_ =	swait.ge @!p0 [sflag:s0], s1  }
0xb5: {  	s1 =	ssub.s32 @!p0 $0x0, s1;
	[sflag:s0] =	ssyncset.done @!p0 $0x0  }
0xb6: {  	[sflag:s0] =	ssyncadd.s32 @!p0 s1  }
0xb7: {  	[bflag:$0x3] =	sbarrier.arrive $0xFFFF  }
0xb8: {  	_ =	shalt  }

// kernel: kernel.20.cloned.1.call-start
scs
__scs_entry_jumppad:
0x0: {  	(pc) =	sbr.rel $0x88, $3  }
0x1: {  	(tag) =	ssettag $0x0;
	lr =	simm.s32 $0x1  }
0x2: {  	[smem:$0x3F99] =	sst lr;
	_ =	strace $0xD0000000  }
0x3: {  	_ = 	snop  }
0x4: {  	_ = 	snop  }
0x5: {  	_ = 	snop  }
0x6: {  	_ = 	snop  }
0x7: {  	_ = 	snop  }
__scs_overlays_trampoline_lowered:
0x8: {  	[smem:$0x3FA8] =	sst s0  }
0x9: {  	[smem:$0x3FA9] =	sst s1  }
0xa: {  	[smem:$0x3FAA] =	sst s2  }
0xb: {  	[smem:$0x3FAB] =	sst s3  }
0xc: {  	[smem:$0x3FAC] =	sst s4  }
0xd: {  	[smem:$0x3FAD] =	sst s5  }
0xe: {  	[smem:$0x3FAE] =	sst s6  }
0xf: {  	[smem:$0x3FAF] =	sst s7  }
0x10: {  	[smem:$0x3FB0] =	sst s8  }
0x11: {  	[smem:$0x3FB1] =	sst s9;
	s0 =	simm.s32 @!p0 $0x0  }
0x12: {  	s1 =	sld [smem:$0x3F97];
	s0 =	simm.s32 @p0 $0x1  }
0x13: {  	[smem:$0x3FB2] =	sst s0;
	s0 =	simm.s32 @!p1 $0x0  }
0x14: {  	s2 =	sld [smem:$0x3F96];
	s0 =	simm.s32 @p1 $0x1  }
0x15: {  	[smem:$0x3FB3] =	sst s0;
	s0 =	simm.s32 @!p2 $0x0  }
0x16: {  	s3 =	sld [smem:$0x3FDB];
	s0 =	simm.s32 @p2 $0x1  }
0x17: {  	s4 =	simm.s32 $0x1BF5;
	[smem:$0x3FB5] =	sst s0  }
0x18: {  	s0 =	sld [smem:$0x3F98];
	_ =	swait.ge [sflag:s4], $0x0  }
0x19: {  	s7 =	sld [smem:$0x3F99]  }
0x1a: {  	s8 =	sadd.s32 $0xFFFFE003, lr  }
0x1b: {  	s9 =	sadd.s32 $0xFFFFFEF7, lr;
	s5 =	simm.s32 $0xFFFFFFFF;
	p2 =	slt.u32 s8, $0xFFFFF086  }
0x1c: {  	p1 =	slt.u32 s9, $0xF7A;
	s5 =	simm.s32 @!p2 $0x0  }
0x1d: {  	s5 =	simm.s32 @p1 $0x1;
	p0 =	seq.s32 s7, s2  }
0x1e: {  	s7 =	smul.u32 @!p0 $0xF7A, s2;
	p2 =	seq.s32 @!p0 s5, $0x0  }
0x1f: {  	s9 =	smul.u32 $0xF7A, s1;
	s8 =	simm.s32 @!p0 $0x1BF5;
	p2 =	por !p2, p0  }
0x20: {  	[sflag:s8] =	ssyncset.s32 @!p0 $0xFFFFF086;
	s6 =	sadd.s32 @!p0 s3, s7;
	s7 =	simm.s32 @!p0 $0x108  }
0x21: {  	s3 =	sadd.s32 s3, s9;
	s6 =	sadd.s32 @!p0 $0x88, s6;
	s7 =	simm.s32 @p2 $0x1082  }
0x22: {  	[simem:s7], [sflag:s8] =	dma.local @!p0 [hbm:s6], $0xF7A  }
0x23: {  	s9 =	sor.u32 $0xD0000000, s2;
	s6 =	simm.s32 $0x108;
	_ =	swait.ge @!p0 [sflag:s8], $0x0  }
0x24: {  	s3 =	sadd.s32 $0x88, s3;
	s6 =	simm.s32 @!p1 $0x1082;
	[sflag:s4] =	ssyncset.s32 $0xFFFFF086  }
0x25: {  	[simem:s6], [sflag:s4] =	dma.local [hbm:s3], $0xF7A  }
0x26: {  	[smem:$0x3F99] =	sst s1;
	(tag) =	ssettag s2;
	_ =	strace s9  }
0x27: {  	s1 =	sld [smem:$0x3FA9]  }
0x28: {  	s2 =	sld [smem:$0x3FAA]  }
0x29: {  	s4 =	sld [smem:$0x3FAC]  }
0x2a: {  	p0 =	seq.s32 s5, $0x0;
	s5 =	sld [smem:$0x3FAD]  }
0x2b: {  	s6 =	sld [smem:$0x3FAE]  }
0x2c: {  	s7 =	sld [smem:$0x3FAF]  }
0x2d: {  	s3 =	simm.s32 $0x108;
	s8 =	sld [smem:$0x3FB0]  }
0x2e: {  	s3 =	simm.s32 @!p0 $0x1082;
	s9 =	sld [smem:$0x3FB1]  }
0x2f: {  	lr =	sadd.s32 s0, s3;
	s0 =	sld [smem:$0x3FA8]  }
0x30: {  	s3 =	sld [smem:$0x3FAB]  }
0x31: {  	[smem:$0x3FB4] =	sst s10  }
0x32: {  	s10 =	sld [smem:$0x3FB2];
	_ =	sdelay $0x3  }
0x33: {  	p0 =	seq.s32 s10, $0x1;
	s10 =	sld [smem:$0x3FB4];
	_ =	sdelay $0x3  }
0x34: {  	[smem:$0x3FB4] =	sst s10  }
0x35: {  	s10 =	sld [smem:$0x3FB3];
	_ =	sdelay $0x3  }
0x36: {  	p1 =	seq.s32 s10, $0x1;
	s10 =	sld [smem:$0x3FB4];
	_ =	sdelay $0x3  }
0x37: {  	[smem:$0x3FB4] =	sst s10  }
0x38: {  	s10 =	sld [smem:$0x3FB5]  }
0x39: {  	_ = 	snop;
	(pc) =	sbr.ind lr, $3  }
0x3a: {  	_ = 	snop  }
0x3b: {  	_ = 	snop  }
0x3c: {  	p2 =	seq.s32 s10, $0x1;
	s10 =	sld [smem:$0x3FB4]  }
0x3d: {  	_ =	shalt  }
0x3e: {  	_ =	shalt  }
0x3f: {  	_ =	shalt  }
0x40: {  	_ =	shalt  }
0x41: {  	_ =	shalt  }
0x42: {  	_ =	shalt  }
0x43: {  	_ =	shalt  }
0x44: {  	_ =	shalt  }
0x45: {  	_ =	shalt  }
0x46: {  	_ =	shalt  }
0x47: {  	_ =	shalt  }
0x48: {  	_ =	shalt  }
0x49: {  	_ =	shalt  }
0x4a: {  	_ =	shalt  }
0x4b: {  	_ =	shalt  }
0x4c: {  	_ =	shalt  }
0x4d: {  	_ =	shalt  }
0x4e: {  	_ =	shalt  }
0x4f: {  	_ =	shalt  }
0x50: {  	_ =	shalt  }
0x51: {  	_ =	shalt  }
0x52: {  	_ =	shalt  }
0x53: {  	_ =	shalt  }
0x54: {  	_ =	shalt  }
0x55: {  	_ =	shalt  }
0x56: {  	_ =	shalt  }
0x57: {  	_ =	shalt  }
0x58: {  	_ =	shalt  }
0x59: {  	_ =	shalt  }
0x5a: {  	_ =	shalt  }
0x5b: {  	_ =	shalt  }
0x5c: {  	_ =	shalt  }
0x5d: {  	_ =	shalt  }
0x5e: {  	_ =	shalt  }
0x5f: {  	_ =	shalt  }
0x60: {  	_ =	shalt  }
0x61: {  	_ =	shalt  }
0x62: {  	_ =	shalt  }
0x63: {  	_ =	shalt  }
0x64: {  	_ =	shalt  }
0x65: {  	_ =	shalt  }
0x66: {  	_ =	shalt  }
0x67: {  	_ =	shalt  }
0x68: {  	_ =	shalt  }
0x69: {  	_ =	shalt  }
0x6a: {  	_ =	shalt  }
0x6b: {  	_ =	shalt  }
0x6c: {  	_ =	shalt  }
0x6d: {  	_ =	shalt  }
0x6e: {  	_ =	shalt  }
0x6f: {  	_ =	shalt  }
0x70: {  	_ =	shalt  }
0x71: {  	_ =	shalt  }
0x72: {  	_ =	shalt  }
0x73: {  	_ =	shalt  }
0x74: {  	_ =	shalt  }
0x75: {  	_ =	shalt  }
0x76: {  	_ =	shalt  }
0x77: {  	_ =	shalt  }
0x78: {  	_ =	shalt  }
0x79: {  	_ =	shalt  }
0x7a: {  	_ =	shalt  }
0x7b: {  	_ =	shalt  }
0x7c: {  	_ =	shalt  }
0x7d: {  	_ =	shalt  }
0x7e: {  	_ =	shalt  }
0x7f: {  	_ =	shalt  }
0x80: {  	_ =	shalt  }
0x81: {  	_ =	shalt  }
0x82: {  	_ =	shalt  }
0x83: {  	_ =	shalt  }
0x84: {  	_ =	shalt  }
0x85: {  	_ =	shalt  }
0x86: {  	_ =	shalt  }
0x87: {  	_ =	shalt  }
.Lfunc_end0:
.L_simem_size_0:
called_computation.3_lowered:
.L_overlay_start_0:
0x88: {  	s2 =	sld [smem:$0x3FD9]  }
0x89: {  	s3 =	sld [smem:$0x3FFE];
	_ =	sdelay $0x1  }
0x8a: {  	s1 =	srdreg.scid  }
0x8b: {  	s0 =	sand.u32 $0x1, s1  }
0x8c: {  	s17 =	sshll.u32 s0, $0xA;
	s2 =	sadd.s32 s3, s2  }
0x8d: {  	s2 =	sadd.s32 s2, s17  }
0x8e: {  	[smem:$0x3FC0] =	sst s2  }
0x8f: {  	_ = 	snop  }
0x90: {  	s2 =	sld [smem:$0x3FD0];
	(tm) =	ssettm $0x1  }
0x91: {  	s18 =	sld [smem:$0x3FFB];
	_ =	sdelay $0x3  }
0x92: {  	_ =	strace s18  }
0x93: {  	s3 =	sld [smem:$0x3FFC];
	_ =	sdelay $0x3  }
0x94: {  	_ =	strace s3  }
0x95: {  	s3 =	sld [smem:$0x3FFD];
	_ =	sdelay $0x3  }
0x96: {  	_ =	strace s3  }
0x97: {  	_ =	strace $0x8FFFFFFF  }
0x98: {  	s19 =	sld [smem:$0x3FDB];
	_ =	sdelay $0x1  }
0x99: {  	s4 =	simm.s32 $_scs_section_size  }
0x9a: {  	s5 =	simm.s32 $_size__tile_overlayer_lowered;
	s6 =	simm.s32 $_tile_overlayer_lowered  }
0x9b: {  	s22 =	simm.s32 $0x1BFF;
	s21 =	sshll.u32 s6, $0x1;
	s3 =	sadd.s32 s4, s19  }
0x9c: {  	s7 =	simm.s32 $0x0;
	s20 =	sshll.u32 s5, $0x1;
	s5 =	sadd.s32 s21, s3  }
0x9d: {  	[timem:s7], [sflag:s22] =	dma.local [hbm:s5], s20  }
0x9e: {  	_ =	swait.ge [sflag:s22], s20  }
0x9f: {  	s4 =	ssub.s32 $0x0, s20;
	[sflag:s22] =	ssyncset.done $0x0  }
0xa0: {  	[sflag:s22] =	ssyncadd.s32 s4;
	_ =	sdelay $0x1  }
0xa1: {  	s23 =	simm.s32 $0x1B8B  }
0xa2: {  	_ =	swait.ge [sflag:s23], $0x1  }
0xa3: {  	[sflag:s23] =	ssyncset.done $0x0  }
0xa4: {  	s25 =	simm.s32 $0x1B8E;
	s24 =	sld [smem:$0x3FFE];
	[sflag:s23] =	ssyncadd.s32 $0xFFFFFFFF  }
0xa5: {  	s26 =	simm.s32 $execute0_lowered;
	[smem:$0x3FD2] =	sst s25  }
0xa6: {  	s5 =	sshll.u32 s26, $0x1;
	_ =	strace $0x8000004F;
	[dreg:$0x1] =	wrdreg $0xFFFFFFFF  }
0xa7: {  	s28 =	simm.s32 $_size_execute0_lowered;
	s3 =	sadd.s32 s3, s5;
	[dreg:$0x0] =	wrdreg $0x0  }
0xa8: {  	s5 =	sshll.u32 s28, $0x1;
	[dreg:$0x2] =	wrdreg s3  }
0xa9: {  	[dreg:$0x3] =	wrdreg s5  }
0xaa: {  	[dreg:$0x4] =	wrdreg $0xC0  }
0xab: {  	_ =	task [dreg:s7], $0x5FFFF  }
0xac: {  	[dreg:$0x1] =	wrdreg $0xFFFFFFFF  }
0xad: {  	[dreg:$0x0] =	wrdreg $0x60  }
0xae: {  	[dreg:$0x2] =	wrdreg s2  }
0xaf: {  	[dreg:$0x3] =	wrdreg s24  }
0xb0: {  	[dreg:$0x4] =	wrdreg $0x82000  }
0xb1: {  	[dreg:$0x5] =	wrdreg $0x9  }
0xb2: {  	_ =	task.clear_ibuf [dreg:s7], $0x6FFFF;
	_ =	strace $0x9000004F  }
0xb3: {  	s29 =	simm.s32 $0x9;
	_ =	strace $0x80000051  }
0xb4: {  	_ =	swait.ge [sflag:s29], $0x1  }
0xb5: {  	[sflag:s29] =	ssyncadd.s32 $0xFFFFFFFF  }
0xb6: {  	_ =	strace $0x90000051  }
0xb7: {  	_ =	sfence  }
0xb8: {  	s30 =	sld [smem:$0x0];
	_ =	sdelay $0x2  }
0xb9: {  	s31 =	sshll.u32 s1, $0xD;
	s1 =	sshrl.u32 s1, $0x2  }
0xba: {  	s3 =	sand.u32 $0x4000, s31;
	s1 =	sadd.s32 s1, s30  }
0xbb: {  	s0 =	sor.u32 s3, s0;
	s1 =	sshll.u32 s1, $0x11  }
0xbc: {  	s0 =	sor.u32 s1, s0  }
0xbd: {  	s0 =	sadd.s32 $0x8F2B, s0  }
0xbe: {  	[sflag:s0] =	ssyncadd.remote.s32 $0x1  }
0xbf: {  	_ =	sfence.sel $0xFFFF  }
0xc0: {  	[dreg:$0x0] =	wrdreg $0xFFFFFFFF;
	(pc) =	sbr.abs _section_cstart, $3  }
0xc1: {  	[dreg:$0x1] =	wrdreg $0xFFFFFFFF  }
0xc2: {  	_ =	task.clear_ibuf [dreg:s7], $0x2FFFF;
	_ =	strace $0x9FFFFFFF  }
0xc3: {  	(tm) =	ssettm $0x7FFFFFFF  }
tec
execute0_lowered:
.L_overlay_start_1:
0x0: {  	(tag) =	ssettag $0x1  }
0x1: {  	s0 =	rddreg [dreg:$0x0]  }
0x2: {  	s1 =	rddreg [dreg:$0x1]  }
0x3: {  	s3 =	srdreg.scid;
	s2 =	rddreg [dreg:$0x2]  }
0x4: {  	s12 =	stileid.u32;
	s20 =	simm.s32 $0x200;
	s21 =	simm.s32 $0x7  }
0x5: {  	s28 =	simm.s32 $0x5;
	s29 =	simm.s32 $0x3;
	s5 =	smul.u32 $0x14000, s12  }
0x6: {  	s30 =	simm.s32 $0x2;
	s31 =	simm.s32 $0x6;
	s8 =	smul.u32 $0x50000, s12  }
0x7: {  	s6 =	sand.u32 $0x1, s3;
	s3 =	simm.s32 $0x0;
	s13 =	smul.u32 $0x2800, s12  }
0x8: {  	s7 =	sadd.s32 $0x3200, s1;
	s4 =	smul.u32 $0x140000, s6;
	[smem:$0x7FF] =	sst s3  }
0x9: {  	s22 =	ssub.s32 $0x2, s6;
	s9 =	sshll.u32 s6, $0x4;
	s6 =	smul.u32 $0x28000, s6  }
0xa: {  	_ =	strace $0x80000050;
	s10 =	sshrl.u32 s22, $0x1;
	s9 =	sor.u32 s12, s9  }
0xb: {  	s8 =	sshrl.u32 s8, $0x2;
	s5 =	sadd.s32 s5, s4;
	s4 =	sadd.s32 $0xD200, s1  }
0xc: {  	s15 =	ssub.s32 s22, s10;
	s9 =	smul.u32 $0x2800, s9;
	s6 =	sadd.s32 s13, s6  }
0xd: {  	s22 =	simm.s32 $0x100;
	s5 =	sshrl.u32 s5, $0x3;
	s25 =	sor.u32 $0x180, s6  }
0xe: {  	s15 =	smax.u32 s15, $0x1;
	s6 =	sor.u32 $0x100, s6;
	s1 =	sadd.s32 s5, s1  }
0xf: {  	s5 =	sadd.s32 s8, s2;
	s11 =	sshrl.u32 s9, $0x3;
	s26 =	sshrl.u32 s6, $0x3  }
0x10: {  	s8 =	sadd.s32 $0x4000, s5;
	s23 =	sadd.s32 $0x8000, s5;
	s24 =	sadd.s32 $0xC000, s5  }
0x11: {  	s9 =	sadd.s32 $0x10000, s5;
	s10 =	sadd.s32 s0, s11;
	s14 =	sor.u32 $0x10, s11  }
0x12: {  	s11 =	sadd.s32 s7, s11;
	s18 =	sadd.s32 s26, s7;
	[dreg:$0x4] =	wrdreg s8  }
0x13: {  	s19 =	sadd.s32 s26, s0;
	s26 =	simm.s32 $0x1;
	[dreg:$0x5] =	wrdreg s23  }
0x14: {  	[dreg:$0x6] =	wrdreg s24;
	s12 =	sadd.s32 s0, s14;
	s13 =	sadd.s32 s7, s14  }
0x15: {  	s14 =	sadd.s32 $0x35200, s1;
	s1 =	sshrl.u32 s25, $0x3;
	s23 =	simm.s32 $0x80  }
0x16: {  	s24 =	simm.s32 $0x180;
	s25 =	simm.s32 $0x4200;
	s16 =	sadd.s32 s1, s7  }
0x17: {  	v0 =	vimm.f32 $0.0e+00;
	s17 =	sadd.s32 s1, s0;
	s0 =	simm.s32 $0x4;
	s1 =	simm.s32 $0x0  }
.LBB2_1:
0x18: {  	s6 =	simm.s32 $0x0;
	s7 =	simm.s32 $0x200  }
.LBB2_2:
0x19: {  	p0 =	sne.s32 s7, $0xFE00;
	[tilespmem:s6+$0x270] =	vst v0  }
0x1a: {  	[tilespmem:s6+$0x200] =	vst v0  }
0x1b: {  	[tilespmem:s6+$0x210] =	vst v0  }
.Ltmp0:
0x1c: {  	[tilespmem:s6+$0x220] =	vst v0;
	(pc) =	sbr.rel @p0 .LBB2_2-.Ltmp0, $4  }
0x1d: {  	[tilespmem:s6+$0x230] =	vst v0  }
0x1e: {  	[tilespmem:s6+$0x240] =	vst v0  }
0x1f: {  	[tilespmem:s6+$0x250] =	vst v0  }
0x20: {  	[tilespmem:s6+$0x260] =	vst v0;
	s6 =	sshra.s32 s7, $0x2;
	s7 =	sadd.s32 $0x200, s7  }
0x21: {  	[tilespmem:s6+$0x270] =	vst v0  }
0x22: {  	[tilespmem:s6+$0x200] =	vst v0  }
0x23: {  	[tilespmem:s6+$0x210] =	vst v0  }
0x24: {  	[tilespmem:s6+$0x220] =	vst v0  }
0x25: {  	[tilespmem:s6+$0x230] =	vst v0  }
0x26: {  	[tilespmem:s6+$0x240] =	vst v0  }
0x27: {  	[tilespmem:s6+$0x250] =	vst v0  }
0x28: {  	[tilespmem:s6+$0x260] =	vst v0  }
0x29: {  	[spmem:s5] =	stream.linear.scatter [tilespmem:s20], [sflag:$0x7], $0x4000, $0x38;
	[tilespmem:$0x1C200] =	vst v63  }
0x2a: {  	_ =	swait.ge [sflag:s21], $0x4000  }
0x2b: {  	[sflag:s21] =	ssyncset.done $0x0  }
0x2c: {  	s7 =	rddreg [dreg:$0x4];
	[sflag:s21] =	ssyncadd.s32 $0xFFFFC000  }
0x2d: {  	[spmem:s7] =	stream.linear.scatter [tilespmem:s20], [sflag:$0x7], $0x4000, $0x38;
	[tilespmem:$0x1C200] =	vst v63  }
0x2e: {  	_ =	swait.ge [sflag:s21], $0x4000  }
0x2f: {  	[sflag:s21] =	ssyncset.done $0x0  }
0x30: {  	s8 =	rddreg [dreg:$0x5];
	[sflag:s21] =	ssyncadd.s32 $0xFFFFC000  }
0x31: {  	[spmem:s8] =	stream.linear.scatter [tilespmem:s20], [sflag:$0x7], $0x4000, $0x38;
	[tilespmem:$0x1C200] =	vst v63  }
0x32: {  	_ =	swait.ge [sflag:s21], $0x4000  }
0x33: {  	[sflag:s21] =	ssyncset.done $0x0  }
0x34: {  	s7 =	rddreg [dreg:$0x6];
	[sflag:s21] =	ssyncadd.s32 $0xFFFFC000  }
0x35: {  	[spmem:s7] =	stream.linear.scatter [tilespmem:s20], [sflag:$0x7], $0x4000, $0x38;
	[tilespmem:$0x1C200] =	vst v63  }
0x36: {  	_ =	swait.ge [sflag:s21], $0x4000  }
0x37: {  	[sflag:s21] =	ssyncset.done $0x0  }
0x38: {  	[sflag:s21] =	ssyncadd.s32 $0xFFFFC000  }
0x39: {  	[spmem:s9] =	stream.linear.scatter [tilespmem:s20], [sflag:$0x7], $0x4000, $0x38;
	[tilespmem:$0x1C200] =	vst v63  }
0x3a: {  	_ =	swait.ge [sflag:s21], $0x4000  }
0x3b: {  	[sflag:s21] =	ssyncset.done $0x0  }
0x3c: {  	[sflag:s21] =	ssyncadd.s32 $0xFFFFC000  }
0x3d: {  	s8 =	simm.s32 $0x0;
	[bflag:$0x0] =	sbarrier.arrive $0xFFFF  }
0x3e: {  	[tilespmem:s8], [sflag:$0x7] =	stream.linear.gather [hbm4b:s10+s8], $0x80, $0x38;
	[tilespmem:$0x1C200] =	vst v63  }
0x3f: {  	_ =	swait.ge [sflag:s21], $0x80  }
0x40: {  	[sflag:s21] =	ssyncset.done $0x0  }
0x41: {  	[sflag:s21] =	ssyncadd.s32 $0xFFFFFF80  }
0x42: {  	[tilespmem:s22], [sflag:$0x5] =	stream.linear.gather [hbm4b:s11+s8], $0x80, $0x38;
	[tilespmem:$0x1C200] =	vst v63  }
0x43: {  	_ = 	snop  }
0x44: {  	[tilespmem:s20], [sflag:$0x1] =	stream.indirect.gather [hbm4b:s4+s23], $0x80, s8, s23, $0xb8;
	[tilespmem:$0x1C200] =	vst v63  }
0x45: {  	_ = 	snop  }
0x46: {  	[tilespmem:s23], [sflag:$0x7] =	stream.linear.gather [hbm4b:s12+s8], $0x80, $0x38;
	[tilespmem:$0x1C200] =	vst v63  }
0x47: {  	_ =	swait.ge [sflag:s21], $0x80  }
0x48: {  	[sflag:s21] =	ssyncset.done $0x0  }
0x49: {  	[sflag:s21] =	ssyncadd.s32 $0xFFFFFF80  }
0x4a: {  	[tilespmem:s24], [sflag:$0x6] =	stream.linear.gather [hbm4b:s13+s8], $0x80, $0x38;
	[tilespmem:$0x1C200] =	vst v63  }
0x4b: {  	_ = 	snop  }
0x4c: {  	[tilespmem:s25], [sflag:$0x2] =	stream.indirect.gather [hbm4b:s4+s23], $0x80, s23, s23, $0xb8;
	[tilespmem:$0x1C200] =	vst v63  }
0x4d: {  	_ =	swait.ge [sflag:s26], $0x4000  }
0x4e: {  	[sflag:s26] =	ssyncset.done $0x0  }
0x4f: {  	s7 =	sadd.s32 $0x0, s19;
	[sflag:s26] =	ssyncadd.s32 $0xFFFFC000  }
0x50: {  	[tilespmem:s3], [sflag:$0x3] =	stream.linear.gather [hbm4b:s7+s3], $0x80, $0x38;
	[tilespmem:$0x1C200] =	vst v63  }
0x51: {  	_ =	swait.ge [sflag:s28], $0x80  }
0x52: {  	[sflag:s28] =	ssyncset.done $0x0  }
0x53: {  	[sflag:s28] =	ssyncadd.s32 $0xFFFFFF80  }
0x54: {  	[spmem:s2] =	stream.indirect.scatter.add.f32 [tilespmem:s20], [sflag:$0x7], $0x80, s22, s23, $0xb8;
	[tilespmem:$0x1C200] =	vst v63  }
0x55: {  	_ =	swait.ge [sflag:s21], $0x4000  }
0x56: {  	[sflag:s21] =	ssyncset.done $0x0  }
0x57: {  	s8 =	sadd.s32 $0x0, s18;
	[sflag:s21] =	ssyncadd.s32 $0xFFFFC000  }
0x58: {  	[tilespmem:s22], [sflag:$0x5] =	stream.linear.gather [hbm4b:s8+s3], $0x80, $0x38;
	[tilespmem:$0x1C200] =	vst v63  }
0x59: {  	_ =	swait.ge [sflag:s29], $0x80  }
0x5a: {  	[sflag:s29] =	ssyncset.done $0x0  }
0x5b: {  	[sflag:s29] =	ssyncadd.s32 $0xFFFFFF80  }
0x5c: {  	[tilespmem:s20], [sflag:$0x1] =	stream.indirect.gather [hbm4b:s4+s23], $0x80, s3, s23, $0xb8;
	[tilespmem:$0x1C200] =	vst v63  }
0x5d: {  	_ =	swait.ge [sflag:s30], $0x4000  }
0x5e: {  	[sflag:s30] =	ssyncset.done $0x0  }
0x5f: {  	s7 =	sadd.s32 $0x0, s17;
	[sflag:s30] =	ssyncadd.s32 $0xFFFFC000  }
0x60: {  	[tilespmem:s23], [sflag:$0x4] =	stream.linear.gather [hbm4b:s7+s3], $0x80, $0x38;
	[tilespmem:$0x1C200] =	vst v63  }
0x61: {  	_ =	swait.ge [sflag:s31], $0x80  }
0x62: {  	[sflag:s31] =	ssyncset.done $0x0  }
0x63: {  	[sflag:s31] =	ssyncadd.s32 $0xFFFFFF80  }
0x64: {  	[spmem:s2] =	stream.indirect.scatter.add.f32 [tilespmem:s25], [sflag:$0x7], $0x80, s24, s23, $0xb8;
	[tilespmem:$0x1C200] =	vst v63  }
0x65: {  	_ =	swait.ge [sflag:s21], $0x4000  }
0x66: {  	[sflag:s21] =	ssyncset.done $0x0  }
0x67: {  	s8 =	sadd.s32 $0x0, s16;
	[sflag:s21] =	ssyncadd.s32 $0xFFFFC000  }
0x68: {  	[tilespmem:s24], [sflag:$0x6] =	stream.linear.gather [hbm4b:s8+s3], $0x80, $0x38;
	[tilespmem:$0x1C200] =	vst v63  }
0x69: {  	_ =	swait.ge [sflag:s0], $0x80  }
0x6a: {  	[sflag:s0] =	ssyncset.done $0x0  }
0x6b: {  	s6 =	simm.s32 $0x20;
	[sflag:s0] =	ssyncadd.s32 $0xFFFFFF80  }
.LBB2_4:
0x6c: {  	[tilespmem:s25], [sflag:$0x2] =	stream.indirect.gather [hbm4b:s4+s23], $0x80, s23, s23, $0xb8;
	[tilespmem:$0x1C200] =	vst v63  }
0x6d: {  	s7 =	smov.u32 s6  }
0x6e: {  	p0 =	sne.s32 s6, $0x4C0;
	s6 =	sadd.s32 $0x20, s6;
	_ =	swait.ge [sflag:s26], $0x4000  }
0x6f: {  	[sflag:s26] =	ssyncset.done $0x0  }
0x70: {  	s8 =	sadd.s32 s7, s19;
	[sflag:s26] =	ssyncadd.s32 $0xFFFFC000  }
0x71: {  	[tilespmem:s3], [sflag:$0x3] =	stream.linear.gather [hbm4b:s8+s3], $0x80, $0x38;
	[tilespmem:$0x1C200] =	vst v63  }
0x72: {  	_ =	swait.ge [sflag:s28], $0x80  }
0x73: {  	[sflag:s28] =	ssyncset.done $0x0  }
0x74: {  	[sflag:s28] =	ssyncadd.s32 $0xFFFFFF80  }
0x75: {  	[spmem:s2] =	stream.indirect.scatter.add.f32 [tilespmem:s20], [sflag:$0x7], $0x80, s22, s23, $0xb8;
	[tilespmem:$0x1C200] =	vst v63  }
0x76: {  	_ =	swait.ge [sflag:s21], $0x4000  }
0x77: {  	[sflag:s21] =	ssyncset.done $0x0  }
0x78: {  	s8 =	sadd.s32 s7, s18;
	[sflag:s21] =	ssyncadd.s32 $0xFFFFC000  }
0x79: {  	[tilespmem:s22], [sflag:$0x5] =	stream.linear.gather [hbm4b:s8+s3], $0x80, $0x38;
	[tilespmem:$0x1C200] =	vst v63  }
0x7a: {  	_ =	swait.ge [sflag:s29], $0x80  }
0x7b: {  	[sflag:s29] =	ssyncset.done $0x0  }
0x7c: {  	[sflag:s29] =	ssyncadd.s32 $0xFFFFFF80  }
0x7d: {  	[tilespmem:s20], [sflag:$0x1] =	stream.indirect.gather [hbm4b:s4+s23], $0x80, s3, s23, $0xb8;
	[tilespmem:$0x1C200] =	vst v63  }
0x7e: {  	_ =	swait.ge [sflag:s30], $0x4000  }
0x7f: {  	[sflag:s30] =	ssyncset.done $0x0  }
0x80: {  	s8 =	sadd.s32 s7, s17;
	[sflag:s30] =	ssyncadd.s32 $0xFFFFC000  }
0x81: {  	[tilespmem:s23], [sflag:$0x4] =	stream.linear.gather [hbm4b:s8+s3], $0x80, $0x38;
	[tilespmem:$0x1C200] =	vst v63  }
0x82: {  	_ =	swait.ge [sflag:s31], $0x80  }
0x83: {  	[sflag:s31] =	ssyncset.done $0x0  }
0x84: {  	[sflag:s31] =	ssyncadd.s32 $0xFFFFFF80  }
0x85: {  	[spmem:s2] =	stream.indirect.scatter.add.f32 [tilespmem:s25], [sflag:$0x7], $0x80, s24, s23, $0xb8;
	[tilespmem:$0x1C200] =	vst v63  }
0x86: {  	_ =	swait.ge [sflag:s21], $0x4000  }
0x87: {  	[sflag:s21] =	ssyncset.done $0x0  }
.Ltmp1:
0x88: {  	s7 =	sadd.s32 s7, s16;
	[sflag:s21] =	ssyncadd.s32 $0xFFFFC000;
	(pc) =	sbr.rel @p0 .LBB2_4-.Ltmp1, $4  }
0x89: {  	[tilespmem:s24], [sflag:$0x6] =	stream.linear.gather [hbm4b:s7+s3], $0x80, $0x38;
	[tilespmem:$0x1C200] =	vst v63  }
0x8a: {  	_ =	swait.ge [sflag:s0], $0x80  }
0x8b: {  	[sflag:s0] =	ssyncset.done $0x0  }
0x8c: {  	[sflag:s0] =	ssyncadd.s32 $0xFFFFFF80  }
0x8d: {  	[tilespmem:s25], [sflag:$0x2] =	stream.indirect.gather [hbm4b:s4+s23], $0x80, s23, s23, $0xb8;
	[tilespmem:$0x1C200] =	vst v63  }
0x8e: {  	_ =	swait.ge [sflag:s26], $0x4000  }
0x8f: {  	[sflag:s26] =	ssyncset.done $0x0  }
0x90: {  	[sflag:s26] =	ssyncadd.s32 $0xFFFFC000  }
0x91: {  	_ =	swait.ge [sflag:s28], $0x80  }
0x92: {  	[sflag:s28] =	ssyncset.done $0x0  }
0x93: {  	[sflag:s28] =	ssyncadd.s32 $0xFFFFFF80  }
0x94: {  	[spmem:s2] =	stream.indirect.scatter.add.f32 [tilespmem:s20], [sflag:$0x7], $0x80, s22, s23, $0xb8;
	[tilespmem:$0x1C200] =	vst v63  }
0x95: {  	_ =	swait.ge [sflag:s21], $0x4000  }
0x96: {  	[sflag:s21] =	ssyncset.done $0x0  }
0x97: {  	[sflag:s21] =	ssyncadd.s32 $0xFFFFC000  }
0x98: {  	_ =	swait.ge [sflag:s30], $0x4000  }
0x99: {  	[sflag:s30] =	ssyncset.done $0x0  }
0x9a: {  	[sflag:s30] =	ssyncadd.s32 $0xFFFFC000  }
0x9b: {  	_ =	swait.ge [sflag:s31], $0x80  }
0x9c: {  	[sflag:s31] =	ssyncset.done $0x0  }
0x9d: {  	[sflag:s31] =	ssyncadd.s32 $0xFFFFFF80  }
0x9e: {  	[spmem:s2] =	stream.indirect.scatter.add.f32 [tilespmem:s25], [sflag:$0x7], $0x80, s24, s23, $0xb8;
	[tilespmem:$0x1C200] =	vst v63  }
0x9f: {  	s6 =	stileid.u32;
	_ =	swait.ge [sflag:s21], $0x4000  }
0xa0: {  	s7 =	sshrl.u32 s5, $0x3;
	s1 =	sadd.s32 $0x1, s1;
	[sflag:s21] =	ssyncset.done $0x0  }
0xa1: {  	s6 =	sshll.u32 s6, $0x6;
	p0 =	sne.s32 s1, s15;
	[sflag:s21] =	ssyncadd.s32 $0xFFFFC000  }
.Ltmp2:
0xa2: {  	s6 =	sor.u32 $0x1C07, s6;
	[bflag:$0x0] =	sbarrier.arrive $0xFFFF;
	(pc) =	sbr.rel @p0 .LBB2_1-.Ltmp2, $4  }
0xa3: {  	[hbm:s14], [sflag:s6] =	dma.local [spmem:s7], $0x2800  }
0xa4: {  	_ =	swait.ge [sflag:s21], $0x2800  }
0xa5: {  	[sflag:s21] =	ssyncset.done $0x0  }
0xa6: {  	[sflag:s21] =	ssyncadd.s32 $0xFFFFD800  }
0xa7: {  	_ =	sfence.sel $0x180000  }
0xa8: {  	[bflag:$0x0] =	sbarrier.arrive $0xFFFF  }
0xa9: {  	_ =	strace $0x90000050  }
0xaa: {  	s0 =	stileid.u32;
	[bflag:$0x2] =	sbarrier.arrive $0xFFFF  }
0xab: {  	p0 =	sne.s32 s0, $0x0;
	s0 =	rddreg [dreg:$0x3]  }
0xac: {  	s0 =	sadd.s32 @!p0 $0x100000, s0  }
0xad: {  	[sflag:s0] =	ssyncadd.tile.s32 @!p0 $0x1;
	_ =	shalt  }
.Lfunc_end2:
_tile_overlayer_lowered:
.L_overlay_start_2:
0xae: {  	(tag) =	ssettag $0x2  }
0xaf: {  	s0 =	rddreg [dreg:$0x0];
	s2 =	stileid.u32  }
0xb0: {  	s1 =	rddreg [dreg:$0x1];
	p0 =	sne.s32 s2, $0x0  }
0xb1: {  	s3 =	rddreg [dreg:$0x2];
	[bflag:$0x3] =	sbarrier.arrive $0xFFFF;
	s2 =	simm.s32 @!p0 $0x1C07  }
0xb2: {  	[timem:s3], [sflag:s2] =	dma.local @!p0 [hbm:s0], s1  }
0xb3: {  	s0 =	simm.s32 @!p0 $0x7  }
0xb4: {  	_ =	swait.ge @!p0 [sflag:s0], s1  }
0xb5: {  	s1 =	ssub.s32 @!p0 $0x0, s1;
	[sflag:s0] =	ssyncset.done @!p0 $0x0  }
0xb6: {  	[sflag:s0] =	ssyncadd.s32 @!p0 s1  }
0xb7: {  	[bflag:$0x3] =	sbarrier.arrive $0xFFFF  }
0xb8: {  	_ =	shalt  }

</sc_bundles>
